<compile_context>
chip_gen: v7x
topology: tpu7x:2x2x1
jax: 0.10.2.dev20260603
libtpu: 0.0.44.dev20260713+nightly
codegen_flags: <defaults>
</compile_context>

<pallas_src>
import dataclasses
import functools

import jax
import jax.numpy as jnp
from jax import lax
from jax.experimental import pallas as pl
from jax.experimental.pallas import tpu as pltpu
from jax.experimental.pallas import tpu_sc as plsc

N = 1_000_000
HIDDEN = 256
EMB = 8
XDIM = 11
VOCAB = 1000
TROWS_PAD = 64

SC_CORES = 2
SC_SUBCORES = 16
SC_LANES = 16
SC_BLOCK = 1024
SC_CHUNK = SC_BLOCK * SC_CORES * SC_SUBCORES
N_PAD = ((N + SC_CHUNK - 1) // SC_CHUNK) * SC_CHUNK

BT = 8192

SC_LO = (0, 65536, 262144, 589824)
SC_LEN = (65536, 196608, 327680, 425984)
TC_OFF = (0, 8, 32, 72)
TC_GRID = (8, 24, 40, 51)


def _sc_gather(table_packed, idx_chunk, n_rows):
    mesh = plsc.VectorSubcoreMesh(core_axis_name="core",
                                  subcore_axis_name="subcore")
    cp = pltpu.CompilerParams()
    if "needs_layout_passes" in pltpu.CompilerParams.__dataclass_fields__:
        cp = dataclasses.replace(cp, needs_layout_passes=False)

    @functools.partial(
        pl.kernel,
        out_type=jax.ShapeDtypeStruct((EMB, n_rows), jnp.float32),
        mesh=mesh,
        scratch_types=[pltpu.VMEM((TROWS_PAD, 128), jnp.float32)],
        compiler_params=cp,
    )
    def gather_kernel(table_hbm, idx_hbm, out_hbm, table_v):
        pltpu.sync_copy(table_hbm, table_v)

        lanes = lax.iota(jnp.int32, SC_LANES)
        row_off = lanes >> 3
        cold = lanes & 7
        zero = jnp.zeros((SC_LANES,), jnp.int32)

        def body(idx_vmem, out_vmem):
            @pl.loop(0, SC_BLOCK, step=4)
            def _(i):
                pos0 = i + row_off
                pos1 = pos0 + 2
                ridx0 = plsc.load_gather(idx_vmem, [zero, pos0])
                ridx1 = plsc.load_gather(idx_vmem, [zero, pos1])
                tf0 = (ridx0 << 3) + cold
                tf1 = (ridx1 << 3) + cold
                v0 = plsc.load_gather(table_v, [tf0 >> 7, tf0 & 127])
                v1 = plsc.load_gather(table_v, [tf1 >> 7, tf1 & 127])
                plsc.store_scatter(out_vmem, [cold, pos0], v0)
                plsc.store_scatter(out_vmem, [cold, pos1], v1)

        pltpu.emit_pipeline(
            body,
            grid=(n_rows // SC_BLOCK,),
            in_specs=[pl.BlockSpec((1, SC_BLOCK), lambda i: (0, i))],
            out_specs=[pl.BlockSpec((EMB, SC_BLOCK), lambda i: (0, i))],
            core_axis_name=("core", "subcore"),
            dimension_semantics=(pltpu.PARALLEL,),
        )(idx_hbm, out_hbm)

    return gather_kernel(table_packed, idx_chunk)


def _dot_block(zebt_ref, xt_ref, wc_ref, b_ref, o_ref):
    h = jnp.concatenate(
        [zebt_ref[...].astype(jnp.bfloat16),
         xt_ref[...].astype(jnp.bfloat16)], axis=0)
    o_ref[...] = lax.dot_general(
        h, wc_ref[...],
        dimension_numbers=(((0,), (0,)), ((), ())),
        preferred_element_type=jnp.float32) + b_ref[...]


def _tc_body_first(zebt_ref, xt_ref, wc_ref, b_ref, o_ref):
    _dot_block(zebt_ref, xt_ref, wc_ref, b_ref, o_ref)


def _tc_body_chain(zebt_ref, xt_ref, wc_ref, b_ref, prev_ref, o_ref):
    del prev_ref
    _dot_block(zebt_ref, xt_ref, wc_ref, b_ref, o_ref)


def _tc_chunk(zebt_c, xt, wc, b2d, prev, off, grid_n):
    in_specs = [
        pl.BlockSpec((EMB, BT), lambda i: (0, i)),
        pl.BlockSpec((XDIM, BT), lambda i, o=off: (0, o + i)),
        pl.BlockSpec((EMB + XDIM, HIDDEN), lambda i: (0, 0)),
        pl.BlockSpec((1, HIDDEN), lambda i: (0, 0)),
    ]
    operands = [zebt_c, xt, wc, b2d]
    if prev is None:
        body, aliases = _tc_body_first, {}
    else:
        in_specs.append(pl.BlockSpec(memory_space=pltpu.MemorySpace.HBM))
        operands.append(prev)
        body, aliases = _tc_body_chain, {4: 0}
    return pl.pallas_call(
        body,
        grid=(grid_n,),
        in_specs=in_specs,
        out_specs=pl.BlockSpec((BT, HIDDEN), lambda i, o=off: (o + i, 0)),
        out_shape=jax.ShapeDtypeStruct((N, HIDDEN), jnp.float32),
        input_output_aliases=aliases,
    )(*operands)


def kernel(x, z, z_table, W, b):
    idx = jnp.pad(z.astype(jnp.int32), (0, N_PAD - N)).reshape(1, N_PAD)
    table_packed = jnp.pad(z_table.reshape(-1),
                           (0, TROWS_PAD * 128 - VOCAB * EMB)
                           ).reshape(TROWS_PAD, 128)
    wc = W.astype(jnp.bfloat16)
    b2d = b.reshape(1, HIDDEN)
    xt = x.T

    out = None
    for c in range(len(SC_LO)):
        lo, ln = SC_LO[c], SC_LEN[c]
        zebt_c = _sc_gather(table_packed, idx[:, lo:lo + ln], ln)
        out = _tc_chunk(zebt_c, xt, wc, b2d, out, TC_OFF[c], TC_GRID[c])
    return out

# --- scband reference (transcript-rebuilt; emitter-appended) ---
"""Pipeline reference for scband-qm9-input-encoder-2130303779293 (READ-ONLY COPY).

The authoritative reference and input builder live on the scoring server;
editing this copy changes nothing except your own understanding.
"""

import jax, jax.numpy as jnp
import numpy as np

HIDDEN = 256
N = 1000000

def setup_inputs(seed: int = 0) -> dict:
    key = jax.random.key(seed)
    k1, k2, k3, k4 = jax.random.split(key, 4)
    x = jax.random.normal(k1, (N, 11), dtype=jnp.float32)
    z = jax.random.randint(k2, (N,), 0, 1000)
    z_table = jax.random.normal(k3, (1000, 8), dtype=jnp.float32) * 0.05
    W = jax.random.normal(k4, (19, HIDDEN), dtype=jnp.float32) * 0.05
    b = jnp.zeros((HIDDEN,), dtype=jnp.float32)
    return {"x": x, "z": z, "z_table": z_table, "W": W, "b": b}

def reference(x, z, z_table, W, b):
    # z_emb = self.z_embedding(data.z); z is 1-D so z_emb.ndim == 2 (no sum branch)
    z_emb = jnp.take(z_table, z, axis=0)
    # x = torch.cat([z_emb, x], -1)
    h = jnp.concatenate([z_emb, x], axis=-1)
    # use_pos=False: no pos concat
    # x = self.init_proj(x)
    return h @ W + b

if __name__ == "__main__":
    import jax
    _d = setup_inputs()
    print(jax.jit(kernel)(*tuple(_d.values())))

</pallas_src>

<mosaic_0001>
#map = affine_map<(d0, d1) -> (0, 0)>
module attributes {stable_mosaic.version = 14 : i64} {
  func.func @gather_kernel(%arg0: i32, %arg1: i32, %arg2: memref<64x128xf32, #tpu.memory_space<hbm>>, %arg3: memref<1x65536xi32, #tpu.memory_space<hbm>>, %arg4: memref<8x65536xf32, #tpu.memory_space<hbm>>, %arg5: memref<64x128xf32, #tpu.memory_space<vmem>>) attributes {dimension_semantics = [#tpu.dimension_semantics<core_parallel>, #tpu.dimension_semantics<subcore_parallel>], iteration_bounds = array<i64: 2, 16>, scalar_prefetch = 0 : i64, scratch_operands = 1 : i64, tpu.core_type = #tpu.core_type<sc_vector_subcore>, window_params = [{transform_indices = #map}, {transform_indices = #map}, {transform_indices = #map}]} {
    "tpu.region"() ({
      %run_scoped3A = tpu.sem_alloc : memref<!tpu.dma_semaphore, #tpu.memory_space<semaphore_mem>>
      tpu.enqueue_dma source(%arg2 : memref<64x128xf32, #tpu.memory_space<hbm>>) target(%arg5 : memref<64x128xf32, #tpu.memory_space<vmem>>) target_semaphore(%run_scoped3A : memref<!tpu.dma_semaphore, #tpu.memory_space<semaphore_mem>>)
      tpu.wait_dma2 semaphore(%run_scoped3A : memref<!tpu.dma_semaphore, #tpu.memory_space<semaphore_mem>>) src(%arg2 : memref<64x128xf32, #tpu.memory_space<hbm>>) dst(%arg5 : memref<64x128xf32, #tpu.memory_space<vmem>>)
      tpu.yield
    }) : () -> ()
    %iota3A = tpu.iota {dimensions = array<i32: 0>} : vector<16xi32>
    %shift_right_arithmetic3A = arith.constant 3 : i32
    %shift_right_arithmetic3A_0 = vector.broadcast %shift_right_arithmetic3A : i32 to vector<16xi32>
    %shift_right_arithmetic3A_1 = arith.shrsi %iota3A, %shift_right_arithmetic3A_0 : vector<16xi32>
    %and3A = arith.constant 7 : i32
    %and3A_2 = vector.broadcast %and3A : i32 to vector<16xi32>
    %and3A_3 = arith.andi %iota3A, %and3A_2 : vector<16xi32>
    %broadcast_in_dim3A = arith.constant 0 : i32
    %broadcast_in_dim3A_4 = vector.broadcast %broadcast_in_dim3A : i32 to vector<16xi32>
    %mul3A = arith.constant 1 : i32
    %mul3A_5 = arith.muli %arg1, %mul3A : i32
    %add3A = arith.constant 0 : i32
    %add3A_6 = arith.addi %add3A, %mul3A_5 : i32
    %mul3A_7 = arith.constant 16 : i32
    %mul3A_8 = arith.muli %arg0, %mul3A_7 : i32
    %add3A_9 = arith.addi %add3A_6, %mul3A_8 : i32
    %mul3A_10 = arith.constant 2 : i32
    %mul3A_11 = arith.muli %add3A_9, %mul3A_10 : i32
    "tpu.region"() ({
      %run_scoped3A = memref.alloca() : memref<2x1x1024xi32, #tpu.memory_space<vmem>>
      %run_scoped3A_12 = tpu.sem_alloc : memref<2x!tpu.dma_semaphore, #tpu.memory_space<semaphore_mem>>
      %run_scoped3A_13 = memref.alloca() : memref<2x8x1024xf32, #tpu.memory_space<vmem>>
      %run_scoped3A_14 = tpu.sem_alloc : memref<2x!tpu.dma_semaphore, #tpu.memory_space<semaphore_mem>>
      %add3A_15 = arith.constant 0 : i32
      %add3A_16 = arith.addi %add3A_15, %mul3A_11 : i32
      %select_n3A = arith.constant true
      %select_n3A_17 = arith.constant 0 : i32
      %select_n3A_18 = arith.constant -1 : i32
      %select_n3A_19 = arith.select %select_n3A, %select_n3A_18, %select_n3A_17 : i32
      %eq3A = arith.constant -1 : i32
      %eq3A_20 = arith.cmpi eq, %select_n3A_19, %eq3A : i32
      %select_n3A_21 = arith.constant 1 : i32
      %select_n3A_22 = arith.select %eq3A_20, %select_n3A_21, %select_n3A_19 : i32
      %add3A_23 = arith.addi %select_n3A_22, %mul3A_11 : i32
      %select_n3A_24 = arith.constant true
      %select_n3A_25 = arith.constant 0 : i32
      %select_n3A_26 = arith.constant 1 : i32
      %select_n3A_27 = arith.select %select_n3A_24, %select_n3A_26, %select_n3A_25 : i32
      %eq3A_28 = arith.constant 2 : i32
      %eq3A_29 = arith.cmpi eq, %select_n3A_27, %eq3A_28 : i32
      %select_n3A_30 = arith.constant 0 : i32
      %select_n3A_31 = arith.select %eq3A_29, %select_n3A_30, %select_n3A_27 : i32
      %add3A_32 = arith.addi %select_n3A_31, %mul3A_11 : i32
      %add3A_33 = arith.constant 1 : i32
      %add3A_34 = arith.addi %select_n3A_31, %add3A_33 : i32
      %select_n3A_35 = arith.constant true
      %select_n3A_36 = arith.select %select_n3A_35, %add3A_34, %select_n3A_31 : i32
      %eq3A_37 = arith.constant 2 : i32
      %eq3A_38 = arith.cmpi eq, %select_n3A_36, %eq3A_37 : i32
      %select_n3A_39 = arith.constant 0 : i32
      %select_n3A_40 = arith.select %eq3A_38, %select_n3A_39, %select_n3A_36 : i32
      %add3A_41 = arith.addi %select_n3A_40, %mul3A_11 : i32
      "tpu.trace_start"() <{level = 10 : i32, message = "ep_initialize_0"}> : () -> ()
      %rem3A = arith.constant 0 : i32
      %rem3A_42 = arith.constant 2 : i32
      %rem3A_43 = arith.remui %rem3A, %rem3A_42 : i32
      %mul3A_44 = arith.constant 1024 : i32
      %mul3A_45 = arith.muli %mul3A_44, %add3A_16 : i32
      %dma_start3A = arith.constant 0 : i32
      %dma_start3A_46 = arith.constant 0 : i32
      %dma_start3A_47 = tpu.memref_slice %run_scoped3A[%rem3A_43, %dma_start3A, %dma_start3A_46] : memref<2x1x1024xi32, #tpu.memory_space<vmem>> -> memref<1x1x1024xi32, #tpu.memory_space<vmem>>
      %dma_start3A_48 = tpu.memref_squeeze %dma_start3A_47 : memref<1x1x1024xi32, #tpu.memory_space<vmem>> -> memref<1x1024xi32, #tpu.memory_space<vmem>>
      %dma_start3A_49 = arith.constant 0 : i32
      %dma_start3A_50 = tpu.memref_slice %arg3[%dma_start3A_49, %mul3A_45] : memref<1x65536xi32, #tpu.memory_space<hbm>> -> memref<1x1024xi32, #tpu.memory_space<hbm>>
      %dma_start3A_51 = tpu.memref_slice %run_scoped3A_12[%rem3A_43] : memref<2x!tpu.dma_semaphore, #tpu.memory_space<semaphore_mem>> -> memref<1x!tpu.dma_semaphore, #tpu.memory_space<semaphore_mem>>
      %dma_start3A_52 = tpu.memref_squeeze %dma_start3A_51 : memref<1x!tpu.dma_semaphore, #tpu.memory_space<semaphore_mem>> -> memref<!tpu.dma_semaphore, #tpu.memory_space<semaphore_mem>>
      %dma_start3A_53 = arith.constant 0 : i32
      %dma_start3A_54 = arith.constant 0 : i32
      %dma_start3A_55 = tpu.memref_slice %run_scoped3A[%rem3A_43, %dma_start3A_53, %dma_start3A_54] : memref<2x1x1024xi32, #tpu.memory_space<vmem>> -> memref<1x1x1024xi32, #tpu.memory_space<vmem>>
      %dma_start3A_56 = tpu.memref_squeeze %dma_start3A_55 : memref<1x1x1024xi32, #tpu.memory_space<vmem>> -> memref<1x1024xi32, #tpu.memory_space<vmem>>
      %dma_start3A_57 = arith.constant 0 : i32
      %dma_start3A_58 = tpu.memref_slice %arg3[%dma_start3A_57, %mul3A_45] : memref<1x65536xi32, #tpu.memory_space<hbm>> -> memref<1x1024xi32, #tpu.memory_space<hbm>>
      tpu.enqueue_dma source(%dma_start3A_58 : memref<1x1024xi32, #tpu.memory_space<hbm>>) target(%dma_start3A_56 : memref<1x1024xi32, #tpu.memory_space<vmem>>) target_semaphore(%dma_start3A_52 : memref<!tpu.dma_semaphore, #tpu.memory_space<semaphore_mem>>)
      %add3A_59 = arith.constant 0 : i32
      %add3A_60 = arith.constant 1 : i32
      %add3A_61 = arith.addi %add3A_59, %add3A_60 : i32
      %select_n3A_62 = arith.constant true
      %select_n3A_63 = arith.constant 0 : i32
      %select_n3A_64 = arith.select %select_n3A_62, %add3A_61, %select_n3A_63 : i32
      "tpu.trace_stop"() : () -> ()
      %scan3A = arith.constant 0 : i32
      %scan3A_65 = arith.constant 0 : i32
      %scan3A_66 = arith.constant 0 : i32
      %scan3A_67 = arith.constant 0 : i32
      %scan3A_68 = arith.constant 0 : i32
      %scan3A_69 = arith.constant 2 : i32
      %scan3A_70 = arith.addi %scan3A_68, %scan3A_69 : i32
      %scan3A_71 = arith.constant 1 : i32
      %scan3A_72:5 = scf.for %scan3A_126 = %scan3A_68 to %scan3A_70 step %scan3A_71 iter_args(%scan3A_127 = %select_n3A_64, %scan3A_128 = %scan3A, %scan3A_129 = %scan3A_65, %scan3A_130 = %scan3A_66, %scan3A_131 = %scan3A_67) -> (i32, i32, i32, i32, i32)  : i32 {
        %eq3A_132 = arith.constant 0 : i32
        %eq3A_133 = arith.cmpi eq, %scan3A_126, %eq3A_132 : i32
        %eq3A_134 = arith.constant 1 : i32
        %eq3A_135 = arith.cmpi eq, %scan3A_126, %eq3A_134 : i32
        %add3A_136 = arith.addi %scan3A_131, %mul3A_11 : i32
        %sub3A_137 = arith.constant 1 : i32
        %sub3A_138 = arith.subi %scan3A_131, %sub3A_137 : i32
        %select_n3A_139 = arith.constant true
        %select_n3A_140 = arith.select %select_n3A_139, %sub3A_138, %scan3A_131 : i32
        %eq3A_141 = arith.constant -1 : i32
        %eq3A_142 = arith.cmpi eq, %select_n3A_140, %eq3A_141 : i32
        %select_n3A_143 = arith.constant 1 : i32
        %select_n3A_144 = arith.select %eq3A_142, %select_n3A_143, %select_n3A_140 : i32
        %add3A_145 = arith.addi %select_n3A_144, %mul3A_11 : i32
        %add3A_146 = arith.constant 1 : i32
        %add3A_147 = arith.addi %scan3A_131, %add3A_146 : i32
        %select_n3A_148 = arith.constant true
        %select_n3A_149 = arith.select %select_n3A_148, %add3A_147, %scan3A_131 : i32
        %eq3A_150 = arith.constant 2 : i32
        %eq3A_151 = arith.cmpi eq, %select_n3A_149, %eq3A_150 : i32
        %select_n3A_152 = arith.constant 0 : i32
        %select_n3A_153 = arith.select %eq3A_151, %select_n3A_152, %select_n3A_149 : i32
        %add3A_154 = arith.addi %select_n3A_153, %mul3A_11 : i32
        %add3A_155 = arith.constant 1 : i32
        %add3A_156 = arith.addi %select_n3A_153, %add3A_155 : i32
        %select_n3A_157 = arith.constant true
        %select_n3A_158 = arith.select %select_n3A_157, %add3A_156, %select_n3A_153 : i32
        %eq3A_159 = arith.constant 2 : i32
        %eq3A_160 = arith.cmpi eq, %select_n3A_158, %eq3A_159 : i32
        %select_n3A_161 = arith.constant 0 : i32
        %select_n3A_162 = arith.select %eq3A_160, %select_n3A_161, %select_n3A_158 : i32
        %add3A_163 = arith.addi %select_n3A_162, %mul3A_11 : i32
        %ne3A = arith.cmpi ne, %add3A_136, %add3A_154 : i32
        %or3A = arith.constant false
        %or3A_164 = arith.ori %or3A, %ne3A : i1
        %ge3A = arith.constant 1 : i32
        %ge3A_165 = arith.cmpi sge, %scan3A_126, %ge3A : i32
        %not3A = arith.constant true
        %not3A_166 = arith.xori %ge3A_165, %not3A : i1
        %and3A_167 = arith.andi %or3A_164, %not3A_166 : i1
        %convert_element_type3A = arith.extui %and3A_167 : i1 to i32
        %cond3A = arith.constant 0 : i32
        %cond3A_168 = arith.cmpi ne, %convert_element_type3A, %cond3A : i32
        scf.if %cond3A_168 {
          "tpu.trace_start"() <{level = 10 : i32, message = "ep_copy_in"}> : () -> ()
          %rem3A_266 = arith.constant 2 : i32
          %rem3A_267 = arith.remui %scan3A_127, %rem3A_266 : i32
          %mul3A_268 = arith.constant 1024 : i32
          %mul3A_269 = arith.muli %mul3A_268, %add3A_154 : i32
          %dma_start3A_270 = arith.constant 0 : i32
          %dma_start3A_271 = arith.constant 0 : i32
          %dma_start3A_272 = tpu.memref_slice %run_scoped3A[%rem3A_267, %dma_start3A_270, %dma_start3A_271] : memref<2x1x1024xi32, #tpu.memory_space<vmem>> -> memref<1x1x1024xi32, #tpu.memory_space<vmem>>
          %dma_start3A_273 = tpu.memref_squeeze %dma_start3A_272 : memref<1x1x1024xi32, #tpu.memory_space<vmem>> -> memref<1x1024xi32, #tpu.memory_space<vmem>>
          %dma_start3A_274 = arith.constant 0 : i32
          %dma_start3A_275 = tpu.memref_slice %arg3[%dma_start3A_274, %mul3A_269] : memref<1x65536xi32, #tpu.memory_space<hbm>> -> memref<1x1024xi32, #tpu.memory_space<hbm>>
          %dma_start3A_276 = tpu.memref_slice %run_scoped3A_12[%rem3A_267] : memref<2x!tpu.dma_semaphore, #tpu.memory_space<semaphore_mem>> -> memref<1x!tpu.dma_semaphore, #tpu.memory_space<semaphore_mem>>
          %dma_start3A_277 = tpu.memref_squeeze %dma_start3A_276 : memref<1x!tpu.dma_semaphore, #tpu.memory_space<semaphore_mem>> -> memref<!tpu.dma_semaphore, #tpu.memory_space<semaphore_mem>>
          %dma_start3A_278 = arith.constant 0 : i32
          %dma_start3A_279 = arith.constant 0 : i32
          %dma_start3A_280 = tpu.memref_slice %run_scoped3A[%rem3A_267, %dma_start3A_278, %dma_start3A_279] : memref<2x1x1024xi32, #tpu.memory_space<vmem>> -> memref<1x1x1024xi32, #tpu.memory_space<vmem>>
          %dma_start3A_281 = tpu.memref_squeeze %dma_start3A_280 : memref<1x1x1024xi32, #tpu.memory_space<vmem>> -> memref<1x1024xi32, #tpu.memory_space<vmem>>
          %dma_start3A_282 = arith.constant 0 : i32
          %dma_start3A_283 = tpu.memref_slice %arg3[%dma_start3A_282, %mul3A_269] : memref<1x65536xi32, #tpu.memory_space<hbm>> -> memref<1x1024xi32, #tpu.memory_space<hbm>>
          tpu.enqueue_dma source(%dma_start3A_283 : memref<1x1024xi32, #tpu.memory_space<hbm>>) target(%dma_start3A_281 : memref<1x1024xi32, #tpu.memory_space<vmem>>) target_semaphore(%dma_start3A_277 : memref<!tpu.dma_semaphore, #tpu.memory_space<semaphore_mem>>)
          "tpu.trace_stop"() : () -> ()
        } else {
        }
        %and3A_169 = arith.constant true
        %and3A_170 = arith.andi %and3A_167, %and3A_169 : i1
        %add3A_171 = arith.constant 1 : i32
        %add3A_172 = arith.addi %scan3A_127, %add3A_171 : i32
        %select_n3A_173 = arith.select %and3A_170, %add3A_172, %scan3A_127 : i32
        %ne3A_174 = arith.cmpi ne, %add3A_136, %add3A_154 : i32
        %or3A_175 = arith.constant false
        %or3A_176 = arith.ori %or3A_175, %ne3A_174 : i1
        %ge3A_177 = arith.constant 1 : i32
        %ge3A_178 = arith.cmpi sge, %scan3A_126, %ge3A_177 : i32
        %not3A_179 = arith.constant true
        %not3A_180 = arith.xori %ge3A_178, %not3A_179 : i1
        %and3A_181 = arith.andi %or3A_176, %not3A_180 : i1
        %ne3A_182 = arith.cmpi ne, %add3A_136, %add3A_145 : i32
        %or3A_183 = arith.constant false
        %or3A_184 = arith.ori %or3A_183, %ne3A_182 : i1
        %or3A_185 = arith.ori %or3A_184, %eq3A_133 : i1
        %convert_element_type3A_186 = arith.extui %or3A_185 : i1 to i32
        %cond3A_187 = arith.constant 0 : i32
        %cond3A_188 = arith.cmpi ne, %convert_element_type3A_186, %cond3A_187 : i32
        scf.if %cond3A_188 {
          "tpu.trace_start"() <{level = 10 : i32, message = "ep_wait_in"}> : () -> ()
          %mul3A_266 = arith.constant 1024 : i32
          %mul3A_267 = arith.muli %mul3A_266, %add3A_136 : i32
          %rem3A_268 = arith.constant 2 : i32
          %rem3A_269 = arith.remui %scan3A_128, %rem3A_268 : i32
          %dma_wait3A_270 = arith.constant 0 : i32
          %dma_wait3A_271 = arith.constant 0 : i32
          %dma_wait3A_272 = tpu.memref_slice %run_scoped3A[%rem3A_269, %dma_wait3A_270, %dma_wait3A_271] : memref<2x1x1024xi32, #tpu.memory_space<vmem>> -> memref<1x1x1024xi32, #tpu.memory_space<vmem>>
          %dma_wait3A_273 = tpu.memref_squeeze %dma_wait3A_272 : memref<1x1x1024xi32, #tpu.memory_space<vmem>> -> memref<1x1024xi32, #tpu.memory_space<vmem>>
          %dma_wait3A_274 = arith.constant 0 : i32
          %dma_wait3A_275 = tpu.memref_slice %arg3[%dma_wait3A_274, %mul3A_267] : memref<1x65536xi32, #tpu.memory_space<hbm>> -> memref<1x1024xi32, #tpu.memory_space<hbm>>
          %dma_wait3A_276 = tpu.memref_slice %run_scoped3A_12[%rem3A_269] : memref<2x!tpu.dma_semaphore, #tpu.memory_space<semaphore_mem>> -> memref<1x!tpu.dma_semaphore, #tpu.memory_space<semaphore_mem>>
          %dma_wait3A_277 = tpu.memref_squeeze %dma_wait3A_276 : memref<1x!tpu.dma_semaphore, #tpu.memory_space<semaphore_mem>> -> memref<!tpu.dma_semaphore, #tpu.memory_space<semaphore_mem>>
          %dma_wait3A_278 = arith.constant 0 : i32
          %dma_wait3A_279 = arith.constant 0 : i32
          %dma_wait3A_280 = tpu.memref_slice %run_scoped3A[%rem3A_269, %dma_wait3A_278, %dma_wait3A_279] : memref<2x1x1024xi32, #tpu.memory_space<vmem>> -> memref<1x1x1024xi32, #tpu.memory_space<vmem>>
          %dma_wait3A_281 = tpu.memref_squeeze %dma_wait3A_280 : memref<1x1x1024xi32, #tpu.memory_space<vmem>> -> memref<1x1024xi32, #tpu.memory_space<vmem>>
          %dma_wait3A_282 = arith.constant 0 : i32
          %dma_wait3A_283 = tpu.memref_slice %arg3[%dma_wait3A_282, %mul3A_267] : memref<1x65536xi32, #tpu.memory_space<hbm>> -> memref<1x1024xi32, #tpu.memory_space<hbm>>
          tpu.wait_dma2 semaphore(%dma_wait3A_277 : memref<!tpu.dma_semaphore, #tpu.memory_space<semaphore_mem>>) src(%dma_wait3A_283 : memref<1x1024xi32, #tpu.memory_space<hbm>>) dst(%dma_wait3A_281 : memref<1x1024xi32, #tpu.memory_space<vmem>>)
          "tpu.trace_stop"() : () -> ()
        } else {
        }
        %ne3A_189 = arith.cmpi ne, %add3A_136, %add3A_145 : i32
        %or3A_190 = arith.constant false
        %or3A_191 = arith.ori %or3A_190, %ne3A_189 : i1
        %or3A_192 = arith.ori %or3A_191, %eq3A_133 : i1
        %convert_element_type3A_193 = arith.extui %or3A_192 : i1 to i32
        %cond3A_194 = arith.constant 0 : i32
        %cond3A_195 = arith.cmpi ne, %convert_element_type3A_193, %cond3A_194 : i32
        scf.if %cond3A_195 {
        } else {
        }
        %rem3A_196 = arith.constant 2 : i32
        %rem3A_197 = arith.remui %scan3A_128, %rem3A_196 : i32
        %rem3A_198 = arith.constant 2 : i32
        %rem3A_199 = arith.remui %scan3A_129, %rem3A_198 : i32
        "tpu.trace_start"() <{level = 10 : i32, message = "ep_run_kernel"}> : () -> ()
        %scan3A_200 = arith.constant 0 : i32
        %scan3A_201 = arith.constant 256 : i32
        %scan3A_202 = arith.addi %scan3A_200, %scan3A_201 : i32
        %scan3A_203 = arith.constant 1 : i32
        scf.for %scan3A_266 = %scan3A_200 to %scan3A_202 step %scan3A_203  : i32 {
          %mul3A_267 = arith.constant 4 : i32
          %mul3A_268 = arith.muli %scan3A_266, %mul3A_267 : i32
          %add3A_269 = arith.constant 0 : i32
          %add3A_270 = arith.addi %add3A_269, %mul3A_268 : i32
          %add3A_271 = vector.broadcast %add3A_270 : i32 to vector<16xi32>
          %add3A_272 = arith.addi %add3A_271, %shift_right_arithmetic3A_1 : vector<16xi32>
          %add3A_273 = arith.constant 2 : i32
          %add3A_274 = vector.broadcast %add3A_273 : i32 to vector<16xi32>
          %add3A_275 = arith.addi %add3A_272, %add3A_274 : vector<16xi32>
          %gather3A = arith.constant 0 : i32
          %gather3A_276 = arith.constant 0 : i32
          %gather3A_277 = tpu.memref_slice %run_scoped3A[%rem3A_197, %gather3A, %gather3A_276] : memref<2x1x1024xi32, #tpu.memory_space<vmem>> -> memref<1x1x1024xi32, #tpu.memory_space<vmem>>
          %gather3A_278 = tpu.memref_squeeze %gather3A_277 : memref<1x1x1024xi32, #tpu.memory_space<vmem>> -> memref<1x1024xi32, #tpu.memory_space<vmem>>
          %gather3A_279 = tpu.vector_load_idx %gather3A_278[%broadcast_in_dim3A_4, %add3A_272] : memref<1x1024xi32, #tpu.memory_space<vmem>>[vector<16xi32>, vector<16xi32>], vector<16xi32>,
          %gather3A_280 = arith.constant 0 : i32
          %gather3A_281 = arith.constant 0 : i32
          %gather3A_282 = tpu.memref_slice %run_scoped3A[%rem3A_197, %gather3A_280, %gather3A_281] : memref<2x1x1024xi32, #tpu.memory_space<vmem>> -> memref<1x1x1024xi32, #tpu.memory_space<vmem>>
          %gather3A_283 = tpu.memref_squeeze %gather3A_282 : memref<1x1x1024xi32, #tpu.memory_space<vmem>> -> memref<1x1024xi32, #tpu.memory_space<vmem>>
          %gather3A_284 = tpu.vector_load_idx %gather3A_283[%broadcast_in_dim3A_4, %add3A_275] : memref<1x1024xi32, #tpu.memory_space<vmem>>[vector<16xi32>, vector<16xi32>], vector<16xi32>,
          %shift_left3A = arith.constant 3 : i32
          %shift_left3A_285 = vector.broadcast %shift_left3A : i32 to vector<16xi32>
          %shift_left3A_286 = arith.shli %gather3A_279, %shift_left3A_285 : vector<16xi32>
          %add3A_287 = arith.addi %shift_left3A_286, %and3A_3 : vector<16xi32>
          %shift_left3A_288 = arith.constant 3 : i32
          %shift_left3A_289 = vector.broadcast %shift_left3A_288 : i32 to vector<16xi32>
          %shift_left3A_290 = arith.shli %gather3A_284, %shift_left3A_289 : vector<16xi32>
          %add3A_291 = arith.addi %shift_left3A_290, %and3A_3 : vector<16xi32>
          %shift_right_arithmetic3A_292 = arith.constant 7 : i32
          %shift_right_arithmetic3A_293 = vector.broadcast %shift_right_arithmetic3A_292 : i32 to vector<16xi32>
          %shift_right_arithmetic3A_294 = arith.shrsi %add3A_287, %shift_right_arithmetic3A_293 : vector<16xi32>
          %and3A_295 = arith.constant 127 : i32
          %and3A_296 = vector.broadcast %and3A_295 : i32 to vector<16xi32>
          %and3A_297 = arith.andi %add3A_287, %and3A_296 : vector<16xi32>
          %gather3A_298 = tpu.vector_load_idx %arg5[%shift_right_arithmetic3A_294, %and3A_297] : memref<64x128xf32, #tpu.memory_space<vmem>>[vector<16xi32>, vector<16xi32>], vector<16xf32>,
          %shift_right_arithmetic3A_299 = arith.constant 7 : i32
          %shift_right_arithmetic3A_300 = vector.broadcast %shift_right_arithmetic3A_299 : i32 to vector<16xi32>
          %shift_right_arithmetic3A_301 = arith.shrsi %add3A_291, %shift_right_arithmetic3A_300 : vector<16xi32>
          %and3A_302 = arith.constant 127 : i32
          %and3A_303 = vector.broadcast %and3A_302 : i32 to vector<16xi32>
          %and3A_304 = arith.andi %add3A_291, %and3A_303 : vector<16xi32>
          %gather3A_305 = tpu.vector_load_idx %arg5[%shift_right_arithmetic3A_301, %and3A_304] : memref<64x128xf32, #tpu.memory_space<vmem>>[vector<16xi32>, vector<16xi32>], vector<16xf32>,
          %scatter3A = arith.constant 0 : i32
          %scatter3A_306 = arith.constant 0 : i32
          %scatter3A_307 = tpu.memref_slice %run_scoped3A_13[%rem3A_199, %scatter3A, %scatter3A_306] : memref<2x8x1024xf32, #tpu.memory_space<vmem>> -> memref<1x8x1024xf32, #tpu.memory_space<vmem>>
          %scatter3A_308 = tpu.memref_squeeze %scatter3A_307 : memref<1x8x1024xf32, #tpu.memory_space<vmem>> -> memref<8x1024xf32, #tpu.memory_space<vmem>>
          tpu.vector_store_idx %scatter3A_308[%and3A_3, %add3A_272], %gather3A_298 : memref<8x1024xf32, #tpu.memory_space<vmem>>[vector<16xi32>, vector<16xi32>], vector<16xf32>,
          %scatter3A_309 = arith.constant 0 : i32
          %scatter3A_310 = arith.constant 0 : i32
          %scatter3A_311 = tpu.memref_slice %run_scoped3A_13[%rem3A_199, %scatter3A_309, %scatter3A_310] : memref<2x8x1024xf32, #tpu.memory_space<vmem>> -> memref<1x8x1024xf32, #tpu.memory_space<vmem>>
          %scatter3A_312 = tpu.memref_squeeze %scatter3A_311 : memref<1x8x1024xf32, #tpu.memory_space<vmem>> -> memref<8x1024xf32, #tpu.memory_space<vmem>>
          tpu.vector_store_idx %scatter3A_312[%and3A_3, %add3A_275], %gather3A_305 : memref<8x1024xf32, #tpu.memory_space<vmem>>[vector<16xi32>, vector<16xi32>], vector<16xf32>,
        }
        %scan3A_204 = arith.constant 256 : i32
        "tpu.trace_stop"() : () -> ()
        %ne3A_205 = arith.cmpi ne, %add3A_136, %add3A_154 : i32
        %or3A_206 = arith.constant false
        %or3A_207 = arith.ori %or3A_206, %ne3A_205 : i1
        %or3A_208 = arith.ori %or3A_207, %eq3A_135 : i1
        %convert_element_type3A_209 = arith.extui %or3A_208 : i1 to i32
        %cond3A_210 = arith.constant 0 : i32
        %cond3A_211 = arith.cmpi ne, %convert_element_type3A_209, %cond3A_210 : i32
        scf.if %cond3A_211 {
        } else {
        }
        %and3A_212 = arith.constant false
        %and3A_213 = arith.andi %or3A_208, %and3A_212 : i1
        %ne3A_214 = arith.cmpi ne, %add3A_136, %add3A_154 : i32
        %or3A_215 = arith.constant false
        %or3A_216 = arith.ori %or3A_215, %ne3A_214 : i1
        %or3A_217 = arith.ori %or3A_216, %eq3A_135 : i1
        %convert_element_type3A_218 = arith.extui %or3A_217 : i1 to i32
        %cond3A_219 = arith.constant 0 : i32
        %cond3A_220 = arith.cmpi ne, %convert_element_type3A_218, %cond3A_219 : i32
        scf.if %cond3A_220 {
          "tpu.trace_start"() <{level = 10 : i32, message = "ep_copy_out"}> : () -> ()
          %rem3A_266 = arith.constant 2 : i32
          %rem3A_267 = arith.remui %scan3A_129, %rem3A_266 : i32
          %mul3A_268 = arith.constant 1024 : i32
          %mul3A_269 = arith.muli %mul3A_268, %add3A_136 : i32
          %dma_start3A_270 = arith.constant 0 : i32
          %dma_start3A_271 = arith.constant 0 : i32
          %dma_start3A_272 = tpu.memref_slice %run_scoped3A_13[%rem3A_267, %dma_start3A_270, %dma_start3A_271] : memref<2x8x1024xf32, #tpu.memory_space<vmem>> -> memref<1x8x1024xf32, #tpu.memory_space<vmem>>
          %dma_start3A_273 = tpu.memref_squeeze %dma_start3A_272 : memref<1x8x1024xf32, #tpu.memory_space<vmem>> -> memref<8x1024xf32, #tpu.memory_space<vmem>>
          %dma_start3A_274 = arith.constant 0 : i32
          %dma_start3A_275 = tpu.memref_slice %arg4[%dma_start3A_274, %mul3A_269] : memref<8x65536xf32, #tpu.memory_space<hbm>> -> memref<8x1024xf32, #tpu.memory_space<hbm>>
          %dma_start3A_276 = tpu.memref_slice %run_scoped3A_14[%rem3A_267] : memref<2x!tpu.dma_semaphore, #tpu.memory_space<semaphore_mem>> -> memref<1x!tpu.dma_semaphore, #tpu.memory_space<semaphore_mem>>
          %dma_start3A_277 = tpu.memref_squeeze %dma_start3A_276 : memref<1x!tpu.dma_semaphore, #tpu.memory_space<semaphore_mem>> -> memref<!tpu.dma_semaphore, #tpu.memory_space<semaphore_mem>>
          %dma_start3A_278 = arith.constant 0 : i32
          %dma_start3A_279 = tpu.memref_slice %arg4[%dma_start3A_278, %mul3A_269] : memref<8x65536xf32, #tpu.memory_space<hbm>> -> memref<8x1024xf32, #tpu.memory_space<hbm>>
          %dma_start3A_280 = arith.constant 0 : i32
          %dma_start3A_281 = arith.constant 0 : i32
          %dma_start3A_282 = tpu.memref_slice %run_scoped3A_13[%rem3A_267, %dma_start3A_280, %dma_start3A_281] : memref<2x8x1024xf32, #tpu.memory_space<vmem>> -> memref<1x8x1024xf32, #tpu.memory_space<vmem>>
          %dma_start3A_283 = tpu.memref_squeeze %dma_start3A_282 : memref<1x8x1024xf32, #tpu.memory_space<vmem>> -> memref<8x1024xf32, #tpu.memory_space<vmem>>
          tpu.enqueue_dma source(%dma_start3A_283 : memref<8x1024xf32, #tpu.memory_space<vmem>>) target(%dma_start3A_279 : memref<8x1024xf32, #tpu.memory_space<hbm>>) target_semaphore(%dma_start3A_277 : memref<!tpu.dma_semaphore, #tpu.memory_space<semaphore_mem>>)
          "tpu.trace_stop"() : () -> ()
        } else {
        }
        %and3A_221 = arith.constant true
        %and3A_222 = arith.andi %or3A_217, %and3A_221 : i1
        %add3A_223 = arith.constant 1 : i32
        %add3A_224 = arith.addi %scan3A_129, %add3A_223 : i32
        %select_n3A_225 = arith.select %and3A_222, %add3A_224, %scan3A_129 : i32
        %ne3A_226 = arith.cmpi ne, %add3A_136, %add3A_145 : i32
        %or3A_227 = arith.constant false
        %or3A_228 = arith.ori %or3A_227, %ne3A_226 : i1
        %not3A_229 = arith.constant true
        %not3A_230 = arith.xori %eq3A_133, %not3A_229 : i1
        %and3A_231 = arith.andi %or3A_228, %not3A_230 : i1
        %convert_element_type3A_232 = arith.extui %and3A_231 : i1 to i32
        %cond3A_233 = arith.constant 0 : i32
        %cond3A_234 = arith.cmpi ne, %convert_element_type3A_232, %cond3A_233 : i32
        scf.if %cond3A_234 {
        } else {
        }
        %and3A_235 = arith.constant false
        %and3A_236 = arith.andi %and3A_231, %and3A_235 : i1
        %ne3A_237 = arith.cmpi ne, %add3A_136, %add3A_145 : i32
        %or3A_238 = arith.constant false
        %or3A_239 = arith.ori %or3A_238, %ne3A_237 : i1
        %not3A_240 = arith.constant true
        %not3A_241 = arith.xori %eq3A_133, %not3A_240 : i1
        %and3A_242 = arith.andi %or3A_239, %not3A_241 : i1
        %convert_element_type3A_243 = arith.extui %and3A_242 : i1 to i32
        %cond3A_244 = arith.constant 0 : i32
        %cond3A_245 = arith.cmpi ne, %convert_element_type3A_243, %cond3A_244 : i32
        scf.if %cond3A_245 {
          "tpu.trace_start"() <{level = 10 : i32, message = "ep_wait_out"}> : () -> ()
          %rem3A_266 = arith.constant 2 : i32
          %rem3A_267 = arith.remui %scan3A_130, %rem3A_266 : i32
          %mul3A_268 = arith.constant 1024 : i32
          %mul3A_269 = arith.muli %mul3A_268, %add3A_145 : i32
          %dma_wait3A_270 = arith.constant 0 : i32
          %dma_wait3A_271 = arith.constant 0 : i32
          %dma_wait3A_272 = tpu.memref_slice %run_scoped3A_13[%rem3A_267, %dma_wait3A_270, %dma_wait3A_271] : memref<2x8x1024xf32, #tpu.memory_space<vmem>> -> memref<1x8x1024xf32, #tpu.memory_space<vmem>>
          %dma_wait3A_273 = tpu.memref_squeeze %dma_wait3A_272 : memref<1x8x1024xf32, #tpu.memory_space<vmem>> -> memref<8x1024xf32, #tpu.memory_space<vmem>>
          %dma_wait3A_274 = arith.constant 0 : i32
          %dma_wait3A_275 = tpu.memref_slice %arg4[%dma_wait3A_274, %mul3A_269] : memref<8x65536xf32, #tpu.memory_space<hbm>> -> memref<8x1024xf32, #tpu.memory_space<hbm>>
          %dma_wait3A_276 = tpu.memref_slice %run_scoped3A_14[%rem3A_267] : memref<2x!tpu.dma_semaphore, #tpu.memory_space<semaphore_mem>> -> memref<1x!tpu.dma_semaphore, #tpu.memory_space<semaphore_mem>>
          %dma_wait3A_277 = tpu.memref_squeeze %dma_wait3A_276 : memref<1x!tpu.dma_semaphore, #tpu.memory_space<semaphore_mem>> -> memref<!tpu.dma_semaphore, #tpu.memory_space<semaphore_mem>>
          %dma_wait3A_278 = arith.constant 0 : i32
          %dma_wait3A_279 = tpu.memref_slice %arg4[%dma_wait3A_278, %mul3A_269] : memref<8x65536xf32, #tpu.memory_space<hbm>> -> memref<8x1024xf32, #tpu.memory_space<hbm>>
          %dma_wait3A_280 = arith.constant 0 : i32
          %dma_wait3A_281 = arith.constant 0 : i32
          %dma_wait3A_282 = tpu.memref_slice %run_scoped3A_13[%rem3A_267, %dma_wait3A_280, %dma_wait3A_281] : memref<2x8x1024xf32, #tpu.memory_space<vmem>> -> memref<1x8x1024xf32, #tpu.memory_space<vmem>>
          %dma_wait3A_283 = tpu.memref_squeeze %dma_wait3A_282 : memref<1x8x1024xf32, #tpu.memory_space<vmem>> -> memref<8x1024xf32, #tpu.memory_space<vmem>>
          tpu.wait_dma2 semaphore(%dma_wait3A_277 : memref<!tpu.dma_semaphore, #tpu.memory_space<semaphore_mem>>) src(%dma_wait3A_283 : memref<8x1024xf32, #tpu.memory_space<vmem>>) dst(%dma_wait3A_279 : memref<8x1024xf32, #tpu.memory_space<hbm>>)
          "tpu.trace_stop"() : () -> ()
        } else {
        }
        %and3A_246 = arith.constant true
        %and3A_247 = arith.andi %and3A_242, %and3A_246 : i1
        %add3A_248 = arith.constant 1 : i32
        %add3A_249 = arith.addi %scan3A_130, %add3A_248 : i32
        %select_n3A_250 = arith.select %and3A_247, %add3A_249, %scan3A_130 : i32
        %ne3A_251 = arith.cmpi ne, %add3A_136, %add3A_154 : i32
        %or3A_252 = arith.constant false
        %or3A_253 = arith.ori %or3A_252, %ne3A_251 : i1
        %or3A_254 = arith.ori %or3A_253, %eq3A_135 : i1
        %add3A_255 = arith.constant 1 : i32
        %add3A_256 = arith.addi %scan3A_128, %add3A_255 : i32
        %select_n3A_257 = arith.select %or3A_254, %add3A_256, %scan3A_128 : i32
        %add3A_258 = arith.constant 1 : i32
        %add3A_259 = arith.addi %scan3A_131, %add3A_258 : i32
        %select_n3A_260 = arith.constant true
        %select_n3A_261 = arith.select %select_n3A_260, %add3A_259, %scan3A_131 : i32
        %eq3A_262 = arith.constant 2 : i32
        %eq3A_263 = arith.cmpi eq, %select_n3A_261, %eq3A_262 : i32
        %select_n3A_264 = arith.constant 0 : i32
        %select_n3A_265 = arith.select %eq3A_263, %select_n3A_264, %select_n3A_261 : i32
        scf.yield %select_n3A_173, %select_n3A_257, %select_n3A_225, %select_n3A_250, %select_n3A_265 : i32, i32, i32, i32, i32
      }
      %scan3A_73 = arith.constant 2 : i32
      %sub3A = arith.constant 1 : i32
      %sub3A_74 = arith.subi %scan3A_72#4, %sub3A : i32
      %select_n3A_75 = arith.constant true
      %select_n3A_76 = arith.select %select_n3A_75, %sub3A_74, %scan3A_72#4 : i32
      %eq3A_77 = arith.constant -1 : i32
      %eq3A_78 = arith.cmpi eq, %select_n3A_76, %eq3A_77 : i32
      %select_n3A_79 = arith.constant 1 : i32
      %select_n3A_80 = arith.select %eq3A_78, %select_n3A_79, %select_n3A_76 : i32
      %add3A_81 = arith.addi %select_n3A_80, %mul3A_11 : i32
      %sub3A_82 = arith.constant 1 : i32
      %sub3A_83 = arith.subi %select_n3A_80, %sub3A_82 : i32
      %select_n3A_84 = arith.constant true
      %select_n3A_85 = arith.select %select_n3A_84, %sub3A_83, %select_n3A_80 : i32
      %eq3A_86 = arith.constant -1 : i32
      %eq3A_87 = arith.cmpi eq, %select_n3A_85, %eq3A_86 : i32
      %select_n3A_88 = arith.constant 1 : i32
      %select_n3A_89 = arith.select %eq3A_87, %select_n3A_88, %select_n3A_85 : i32
      %add3A_90 = arith.addi %select_n3A_89, %mul3A_11 : i32
      %add3A_91 = arith.constant 1 : i32
      %add3A_92 = arith.addi %select_n3A_80, %add3A_91 : i32
      %select_n3A_93 = arith.constant true
      %select_n3A_94 = arith.select %select_n3A_93, %add3A_92, %select_n3A_80 : i32
      %eq3A_95 = arith.constant 2 : i32
      %eq3A_96 = arith.cmpi eq, %select_n3A_94, %eq3A_95 : i32
      %select_n3A_97 = arith.constant 0 : i32
      %select_n3A_98 = arith.select %eq3A_96, %select_n3A_97, %select_n3A_94 : i32
      %add3A_99 = arith.addi %select_n3A_98, %mul3A_11 : i32
      %add3A_100 = arith.constant 1 : i32
      %add3A_101 = arith.addi %select_n3A_98, %add3A_100 : i32
      %select_n3A_102 = arith.constant true
      %select_n3A_103 = arith.select %select_n3A_102, %add3A_101, %select_n3A_98 : i32
      %eq3A_104 = arith.constant 2 : i32
      %eq3A_105 = arith.cmpi eq, %select_n3A_103, %eq3A_104 : i32
      %select_n3A_106 = arith.constant 0 : i32
      %select_n3A_107 = arith.select %eq3A_105, %select_n3A_106, %select_n3A_103 : i32
      %add3A_108 = arith.addi %select_n3A_107, %mul3A_11 : i32
      "tpu.trace_start"() <{level = 10 : i32, message = "ep_finalize"}> : () -> ()
      %rem3A_109 = arith.constant 2 : i32
      %rem3A_110 = arith.remui %scan3A_72#3, %rem3A_109 : i32
      %mul3A_111 = arith.constant 1024 : i32
      %mul3A_112 = arith.muli %mul3A_111, %add3A_81 : i32
      %dma_wait3A = arith.constant 0 : i32
      %dma_wait3A_113 = arith.constant 0 : i32
      %dma_wait3A_114 = tpu.memref_slice %run_scoped3A_13[%rem3A_110, %dma_wait3A, %dma_wait3A_113] : memref<2x8x1024xf32, #tpu.memory_space<vmem>> -> memref<1x8x1024xf32, #tpu.memory_space<vmem>>
      %dma_wait3A_115 = tpu.memref_squeeze %dma_wait3A_114 : memref<1x8x1024xf32, #tpu.memory_space<vmem>> -> memref<8x1024xf32, #tpu.memory_space<vmem>>
      %dma_wait3A_116 = arith.constant 0 : i32
      %dma_wait3A_117 = tpu.memref_slice %arg4[%dma_wait3A_116, %mul3A_112] : memref<8x65536xf32, #tpu.memory_space<hbm>> -> memref<8x1024xf32, #tpu.memory_space<hbm>>
      %dma_wait3A_118 = tpu.memref_slice %run_scoped3A_14[%rem3A_110] : memref<2x!tpu.dma_semaphore, #tpu.memory_space<semaphore_mem>> -> memref<1x!tpu.dma_semaphore, #tpu.memory_space<semaphore_mem>>
      %dma_wait3A_119 = tpu.memref_squeeze %dma_wait3A_118 : memref<1x!tpu.dma_semaphore, #tpu.memory_space<semaphore_mem>> -> memref<!tpu.dma_semaphore, #tpu.memory_space<semaphore_mem>>
      %dma_wait3A_120 = arith.constant 0 : i32
      %dma_wait3A_121 = tpu.memref_slice %arg4[%dma_wait3A_120, %mul3A_112] : memref<8x65536xf32, #tpu.memory_space<hbm>> -> memref<8x1024xf32, #tpu.memory_space<hbm>>
      %dma_wait3A_122 = arith.constant 0 : i32
      %dma_wait3A_123 = arith.constant 0 : i32
      %dma_wait3A_124 = tpu.memref_slice %run_scoped3A_13[%rem3A_110, %dma_wait3A_122, %dma_wait3A_123] : memref<2x8x1024xf32, #tpu.memory_space<vmem>> -> memref<1x8x1024xf32, #tpu.memory_space<vmem>>
      %dma_wait3A_125 = tpu.memref_squeeze %dma_wait3A_124 : memref<1x8x1024xf32, #tpu.memory_space<vmem>> -> memref<8x1024xf32, #tpu.memory_space<vmem>>
      tpu.wait_dma2 semaphore(%dma_wait3A_119 : memref<!tpu.dma_semaphore, #tpu.memory_space<semaphore_mem>>) src(%dma_wait3A_125 : memref<8x1024xf32, #tpu.memory_space<vmem>>) dst(%dma_wait3A_121 : memref<8x1024xf32, #tpu.memory_space<hbm>>)
      "tpu.trace_stop"() : () -> ()
      tpu.yield
    }) : () -> ()
    return
  }
}

#map = affine_map<(d0, d1) -> (0, 0)>
module attributes {stable_mosaic.version = 14 : i64} {
  func.func @gather_kernel(%arg0: i32, %arg1: i32, %arg2: memref<64x128xf32, #tpu.memory_space<hbm>>, %arg3: memref<1x196608xi32, #tpu.memory_space<hbm>>, %arg4: memref<8x196608xf32, #tpu.memory_space<hbm>>, %arg5: memref<64x128xf32, #tpu.memory_space<vmem>>) attributes {dimension_semantics = [#tpu.dimension_semantics<core_parallel>, #tpu.dimension_semantics<subcore_parallel>], iteration_bounds = array<i64: 2, 16>, scalar_prefetch = 0 : i64, scratch_operands = 1 : i64, tpu.core_type = #tpu.core_type<sc_vector_subcore>, window_params = [{transform_indices = #map}, {transform_indices = #map}, {transform_indices = #map}]} {
    "tpu.region"() ({
      %run_scoped3A = tpu.sem_alloc : memref<!tpu.dma_semaphore, #tpu.memory_space<semaphore_mem>>
      tpu.enqueue_dma source(%arg2 : memref<64x128xf32, #tpu.memory_space<hbm>>) target(%arg5 : memref<64x128xf32, #tpu.memory_space<vmem>>) target_semaphore(%run_scoped3A : memref<!tpu.dma_semaphore, #tpu.memory_space<semaphore_mem>>)
      tpu.wait_dma2 semaphore(%run_scoped3A : memref<!tpu.dma_semaphore, #tpu.memory_space<semaphore_mem>>) src(%arg2 : memref<64x128xf32, #tpu.memory_space<hbm>>) dst(%arg5 : memref<64x128xf32, #tpu.memory_space<vmem>>)
      tpu.yield
    }) : () -> ()
    %iota3A = tpu.iota {dimensions = array<i32: 0>} : vector<16xi32>
    %shift_right_arithmetic3A = arith.constant 3 : i32
    %shift_right_arithmetic3A_0 = vector.broadcast %shift_right_arithmetic3A : i32 to vector<16xi32>
    %shift_right_arithmetic3A_1 = arith.shrsi %iota3A, %shift_right_arithmetic3A_0 : vector<16xi32>
    %and3A = arith.constant 7 : i32
    %and3A_2 = vector.broadcast %and3A : i32 to vector<16xi32>
    %and3A_3 = arith.andi %iota3A, %and3A_2 : vector<16xi32>
    %broadcast_in_dim3A = arith.constant 0 : i32
    %broadcast_in_dim3A_4 = vector.broadcast %broadcast_in_dim3A : i32 to vector<16xi32>
    %mul3A = arith.constant 1 : i32
    %mul3A_5 = arith.muli %arg1, %mul3A : i32
    %add3A = arith.constant 0 : i32
    %add3A_6 = arith.addi %add3A, %mul3A_5 : i32
    %mul3A_7 = arith.constant 16 : i32
    %mul3A_8 = arith.muli %arg0, %mul3A_7 : i32
    %add3A_9 = arith.addi %add3A_6, %mul3A_8 : i32
    %mul3A_10 = arith.constant 6 : i32
    %mul3A_11 = arith.muli %add3A_9, %mul3A_10 : i32
    "tpu.region"() ({
      %run_scoped3A = memref.alloca() : memref<2x1x1024xi32, #tpu.memory_space<vmem>>
      %run_scoped3A_12 = tpu.sem_alloc : memref<2x!tpu.dma_semaphore, #tpu.memory_space<semaphore_mem>>
      %run_scoped3A_13 = memref.alloca() : memref<2x8x1024xf32, #tpu.memory_space<vmem>>
      %run_scoped3A_14 = tpu.sem_alloc : memref<2x!tpu.dma_semaphore, #tpu.memory_space<semaphore_mem>>
      %add3A_15 = arith.constant 0 : i32
      %add3A_16 = arith.addi %add3A_15, %mul3A_11 : i32
      %select_n3A = arith.constant true
      %select_n3A_17 = arith.constant 0 : i32
      %select_n3A_18 = arith.constant -1 : i32
      %select_n3A_19 = arith.select %select_n3A, %select_n3A_18, %select_n3A_17 : i32
      %eq3A = arith.constant -1 : i32
      %eq3A_20 = arith.cmpi eq, %select_n3A_19, %eq3A : i32
      %select_n3A_21 = arith.constant 5 : i32
      %select_n3A_22 = arith.select %eq3A_20, %select_n3A_21, %select_n3A_19 : i32
      %add3A_23 = arith.addi %select_n3A_22, %mul3A_11 : i32
      %select_n3A_24 = arith.constant true
      %select_n3A_25 = arith.constant 0 : i32
      %select_n3A_26 = arith.constant 1 : i32
      %select_n3A_27 = arith.select %select_n3A_24, %select_n3A_26, %select_n3A_25 : i32
      %eq3A_28 = arith.constant 6 : i32
      %eq3A_29 = arith.cmpi eq, %select_n3A_27, %eq3A_28 : i32
      %select_n3A_30 = arith.constant 0 : i32
      %select_n3A_31 = arith.select %eq3A_29, %select_n3A_30, %select_n3A_27 : i32
      %add3A_32 = arith.addi %select_n3A_31, %mul3A_11 : i32
      %add3A_33 = arith.constant 1 : i32
      %add3A_34 = arith.addi %select_n3A_31, %add3A_33 : i32
      %select_n3A_35 = arith.constant true
      %select_n3A_36 = arith.select %select_n3A_35, %add3A_34, %select_n3A_31 : i32
      %eq3A_37 = arith.constant 6 : i32
      %eq3A_38 = arith.cmpi eq, %select_n3A_36, %eq3A_37 : i32
      %select_n3A_39 = arith.constant 0 : i32
      %select_n3A_40 = arith.select %eq3A_38, %select_n3A_39, %select_n3A_36 : i32
      %add3A_41 = arith.addi %select_n3A_40, %mul3A_11 : i32
      "tpu.trace_start"() <{level = 10 : i32, message = "ep_initialize_0"}> : () -> ()
      %rem3A = arith.constant 0 : i32
      %rem3A_42 = arith.constant 2 : i32
      %rem3A_43 = arith.remui %rem3A, %rem3A_42 : i32
      %mul3A_44 = arith.constant 1024 : i32
      %mul3A_45 = arith.muli %mul3A_44, %add3A_16 : i32
      %dma_start3A = arith.constant 0 : i32
      %dma_start3A_46 = arith.constant 0 : i32
      %dma_start3A_47 = tpu.memref_slice %run_scoped3A[%rem3A_43, %dma_start3A, %dma_start3A_46] : memref<2x1x1024xi32, #tpu.memory_space<vmem>> -> memref<1x1x1024xi32, #tpu.memory_space<vmem>>
      %dma_start3A_48 = tpu.memref_squeeze %dma_start3A_47 : memref<1x1x1024xi32, #tpu.memory_space<vmem>> -> memref<1x1024xi32, #tpu.memory_space<vmem>>
      %dma_start3A_49 = arith.constant 0 : i32
      %dma_start3A_50 = tpu.memref_slice %arg3[%dma_start3A_49, %mul3A_45] : memref<1x196608xi32, #tpu.memory_space<hbm>> -> memref<1x1024xi32, #tpu.memory_space<hbm>>
      %dma_start3A_51 = tpu.memref_slice %run_scoped3A_12[%rem3A_43] : memref<2x!tpu.dma_semaphore, #tpu.memory_space<semaphore_mem>> -> memref<1x!tpu.dma_semaphore, #tpu.memory_space<semaphore_mem>>
      %dma_start3A_52 = tpu.memref_squeeze %dma_start3A_51 : memref<1x!tpu.dma_semaphore, #tpu.memory_space<semaphore_mem>> -> memref<!tpu.dma_semaphore, #tpu.memory_space<semaphore_mem>>
      %dma_start3A_53 = arith.constant 0 : i32
      %dma_start3A_54 = arith.constant 0 : i32
      %dma_start3A_55 = tpu.memref_slice %run_scoped3A[%rem3A_43, %dma_start3A_53, %dma_start3A_54] : memref<2x1x1024xi32, #tpu.memory_space<vmem>> -> memref<1x1x1024xi32, #tpu.memory_space<vmem>>
      %dma_start3A_56 = tpu.memref_squeeze %dma_start3A_55 : memref<1x1x1024xi32, #tpu.memory_space<vmem>> -> memref<1x1024xi32, #tpu.memory_space<vmem>>
      %dma_start3A_57 = arith.constant 0 : i32
      %dma_start3A_58 = tpu.memref_slice %arg3[%dma_start3A_57, %mul3A_45] : memref<1x196608xi32, #tpu.memory_space<hbm>> -> memref<1x1024xi32, #tpu.memory_space<hbm>>
      tpu.enqueue_dma source(%dma_start3A_58 : memref<1x1024xi32, #tpu.memory_space<hbm>>) target(%dma_start3A_56 : memref<1x1024xi32, #tpu.memory_space<vmem>>) target_semaphore(%dma_start3A_52 : memref<!tpu.dma_semaphore, #tpu.memory_space<semaphore_mem>>)
      %add3A_59 = arith.constant 0 : i32
      %add3A_60 = arith.constant 1 : i32
      %add3A_61 = arith.addi %add3A_59, %add3A_60 : i32
      %select_n3A_62 = arith.constant true
      %select_n3A_63 = arith.constant 0 : i32
      %select_n3A_64 = arith.select %select_n3A_62, %add3A_61, %select_n3A_63 : i32
      "tpu.trace_stop"() : () -> ()
      %scan3A = arith.constant 0 : i32
      %scan3A_65 = arith.constant 0 : i32
      %scan3A_66 = arith.constant 0 : i32
      %scan3A_67 = arith.constant 0 : i32
      %scan3A_68 = arith.constant 0 : i32
      %scan3A_69 = arith.constant 6 : i32
      %scan3A_70 = arith.addi %scan3A_68, %scan3A_69 : i32
      %scan3A_71 = arith.constant 1 : i32
      %scan3A_72:5 = scf.for %scan3A_126 = %scan3A_68 to %scan3A_70 step %scan3A_71 iter_args(%scan3A_127 = %select_n3A_64, %scan3A_128 = %scan3A, %scan3A_129 = %scan3A_65, %scan3A_130 = %scan3A_66, %scan3A_131 = %scan3A_67) -> (i32, i32, i32, i32, i32)  : i32 {
        %eq3A_132 = arith.constant 0 : i32
        %eq3A_133 = arith.cmpi eq, %scan3A_126, %eq3A_132 : i32
        %eq3A_134 = arith.constant 5 : i32
        %eq3A_135 = arith.cmpi eq, %scan3A_126, %eq3A_134 : i32
        %add3A_136 = arith.addi %scan3A_131, %mul3A_11 : i32
        %sub3A_137 = arith.constant 1 : i32
        %sub3A_138 = arith.subi %scan3A_131, %sub3A_137 : i32
        %select_n3A_139 = arith.constant true
        %select_n3A_140 = arith.select %select_n3A_139, %sub3A_138, %scan3A_131 : i32
        %eq3A_141 = arith.constant -1 : i32
        %eq3A_142 = arith.cmpi eq, %select_n3A_140, %eq3A_141 : i32
        %select_n3A_143 = arith.constant 5 : i32
        %select_n3A_144 = arith.select %eq3A_142, %select_n3A_143, %select_n3A_140 : i32
        %add3A_145 = arith.addi %select_n3A_144, %mul3A_11 : i32
        %add3A_146 = arith.constant 1 : i32
        %add3A_147 = arith.addi %scan3A_131, %add3A_146 : i32
        %select_n3A_148 = arith.constant true
        %select_n3A_149 = arith.select %select_n3A_148, %add3A_147, %scan3A_131 : i32
        %eq3A_150 = arith.constant 6 : i32
        %eq3A_151 = arith.cmpi eq, %select_n3A_149, %eq3A_150 : i32
        %select_n3A_152 = arith.constant 0 : i32
        %select_n3A_153 = arith.select %eq3A_151, %select_n3A_152, %select_n3A_149 : i32
        %add3A_154 = arith.addi %select_n3A_153, %mul3A_11 : i32
        %add3A_155 = arith.constant 1 : i32
        %add3A_156 = arith.addi %select_n3A_153, %add3A_155 : i32
        %select_n3A_157 = arith.constant true
        %select_n3A_158 = arith.select %select_n3A_157, %add3A_156, %select_n3A_153 : i32
        %eq3A_159 = arith.constant 6 : i32
        %eq3A_160 = arith.cmpi eq, %select_n3A_158, %eq3A_159 : i32
        %select_n3A_161 = arith.constant 0 : i32
        %select_n3A_162 = arith.select %eq3A_160, %select_n3A_161, %select_n3A_158 : i32
        %add3A_163 = arith.addi %select_n3A_162, %mul3A_11 : i32
        %ne3A = arith.cmpi ne, %add3A_136, %add3A_154 : i32
        %or3A = arith.constant false
        %or3A_164 = arith.ori %or3A, %ne3A : i1
        %ge3A = arith.constant 5 : i32
        %ge3A_165 = arith.cmpi sge, %scan3A_126, %ge3A : i32
        %not3A = arith.constant true
        %not3A_166 = arith.xori %ge3A_165, %not3A : i1
        %and3A_167 = arith.andi %or3A_164, %not3A_166 : i1
        %convert_element_type3A = arith.extui %and3A_167 : i1 to i32
        %cond3A = arith.constant 0 : i32
        %cond3A_168 = arith.cmpi ne, %convert_element_type3A, %cond3A : i32
        scf.if %cond3A_168 {
          "tpu.trace_start"() <{level = 10 : i32, message = "ep_copy_in"}> : () -> ()
          %rem3A_266 = arith.constant 2 : i32
          %rem3A_267 = arith.remui %scan3A_127, %rem3A_266 : i32
          %mul3A_268 = arith.constant 1024 : i32
          %mul3A_269 = arith.muli %mul3A_268, %add3A_154 : i32
          %dma_start3A_270 = arith.constant 0 : i32
          %dma_start3A_271 = arith.constant 0 : i32
          %dma_start3A_272 = tpu.memref_slice %run_scoped3A[%rem3A_267, %dma_start3A_270, %dma_start3A_271] : memref<2x1x1024xi32, #tpu.memory_space<vmem>> -> memref<1x1x1024xi32, #tpu.memory_space<vmem>>
          %dma_start3A_273 = tpu.memref_squeeze %dma_start3A_272 : memref<1x1x1024xi32, #tpu.memory_space<vmem>> -> memref<1x1024xi32, #tpu.memory_space<vmem>>
          %dma_start3A_274 = arith.constant 0 : i32
          %dma_start3A_275 = tpu.memref_slice %arg3[%dma_start3A_274, %mul3A_269] : memref<1x196608xi32, #tpu.memory_space<hbm>> -> memref<1x1024xi32, #tpu.memory_space<hbm>>
          %dma_start3A_276 = tpu.memref_slice %run_scoped3A_12[%rem3A_267] : memref<2x!tpu.dma_semaphore, #tpu.memory_space<semaphore_mem>> -> memref<1x!tpu.dma_semaphore, #tpu.memory_space<semaphore_mem>>
          %dma_start3A_277 = tpu.memref_squeeze %dma_start3A_276 : memref<1x!tpu.dma_semaphore, #tpu.memory_space<semaphore_mem>> -> memref<!tpu.dma_semaphore, #tpu.memory_space<semaphore_mem>>
          %dma_start3A_278 = arith.constant 0 : i32
          %dma_start3A_279 = arith.constant 0 : i32
          %dma_start3A_280 = tpu.memref_slice %run_scoped3A[%rem3A_267, %dma_start3A_278, %dma_start3A_279] : memref<2x1x1024xi32, #tpu.memory_space<vmem>> -> memref<1x1x1024xi32, #tpu.memory_space<vmem>>
          %dma_start3A_281 = tpu.memref_squeeze %dma_start3A_280 : memref<1x1x1024xi32, #tpu.memory_space<vmem>> -> memref<1x1024xi32, #tpu.memory_space<vmem>>
          %dma_start3A_282 = arith.constant 0 : i32
          %dma_start3A_283 = tpu.memref_slice %arg3[%dma_start3A_282, %mul3A_269] : memref<1x196608xi32, #tpu.memory_space<hbm>> -> memref<1x1024xi32, #tpu.memory_space<hbm>>
          tpu.enqueue_dma source(%dma_start3A_283 : memref<1x1024xi32, #tpu.memory_space<hbm>>) target(%dma_start3A_281 : memref<1x1024xi32, #tpu.memory_space<vmem>>) target_semaphore(%dma_start3A_277 : memref<!tpu.dma_semaphore, #tpu.memory_space<semaphore_mem>>)
          "tpu.trace_stop"() : () -> ()
        } else {
        }
        %and3A_169 = arith.constant true
        %and3A_170 = arith.andi %and3A_167, %and3A_169 : i1
        %add3A_171 = arith.constant 1 : i32
        %add3A_172 = arith.addi %scan3A_127, %add3A_171 : i32
        %select_n3A_173 = arith.select %and3A_170, %add3A_172, %scan3A_127 : i32
        %ne3A_174 = arith.cmpi ne, %add3A_136, %add3A_154 : i32
        %or3A_175 = arith.constant false
        %or3A_176 = arith.ori %or3A_175, %ne3A_174 : i1
        %ge3A_177 = arith.constant 5 : i32
        %ge3A_178 = arith.cmpi sge, %scan3A_126, %ge3A_177 : i32
        %not3A_179 = arith.constant true
        %not3A_180 = arith.xori %ge3A_178, %not3A_179 : i1
        %and3A_181 = arith.andi %or3A_176, %not3A_180 : i1
        %ne3A_182 = arith.cmpi ne, %add3A_136, %add3A_145 : i32
        %or3A_183 = arith.constant false
        %or3A_184 = arith.ori %or3A_183, %ne3A_182 : i1
        %or3A_185 = arith.ori %or3A_184, %eq3A_133 : i1
        %convert_element_type3A_186 = arith.extui %or3A_185 : i1 to i32
        %cond3A_187 = arith.constant 0 : i32
        %cond3A_188 = arith.cmpi ne, %convert_element_type3A_186, %cond3A_187 : i32
        scf.if %cond3A_188 {
          "tpu.trace_start"() <{level = 10 : i32, message = "ep_wait_in"}> : () -> ()
          %mul3A_266 = arith.constant 1024 : i32
          %mul3A_267 = arith.muli %mul3A_266, %add3A_136 : i32
          %rem3A_268 = arith.constant 2 : i32
          %rem3A_269 = arith.remui %scan3A_128, %rem3A_268 : i32
          %dma_wait3A_270 = arith.constant 0 : i32
          %dma_wait3A_271 = arith.constant 0 : i32
          %dma_wait3A_272 = tpu.memref_slice %run_scoped3A[%rem3A_269, %dma_wait3A_270, %dma_wait3A_271] : memref<2x1x1024xi32, #tpu.memory_space<vmem>> -> memref<1x1x1024xi32, #tpu.memory_space<vmem>>
          %dma_wait3A_273 = tpu.memref_squeeze %dma_wait3A_272 : memref<1x1x1024xi32, #tpu.memory_space<vmem>> -> memref<1x1024xi32, #tpu.memory_space<vmem>>
          %dma_wait3A_274 = arith.constant 0 : i32
          %dma_wait3A_275 = tpu.memref_slice %arg3[%dma_wait3A_274, %mul3A_267] : memref<1x196608xi32, #tpu.memory_space<hbm>> -> memref<1x1024xi32, #tpu.memory_space<hbm>>
          %dma_wait3A_276 = tpu.memref_slice %run_scoped3A_12[%rem3A_269] : memref<2x!tpu.dma_semaphore, #tpu.memory_space<semaphore_mem>> -> memref<1x!tpu.dma_semaphore, #tpu.memory_space<semaphore_mem>>
          %dma_wait3A_277 = tpu.memref_squeeze %dma_wait3A_276 : memref<1x!tpu.dma_semaphore, #tpu.memory_space<semaphore_mem>> -> memref<!tpu.dma_semaphore, #tpu.memory_space<semaphore_mem>>
          %dma_wait3A_278 = arith.constant 0 : i32
          %dma_wait3A_279 = arith.constant 0 : i32
          %dma_wait3A_280 = tpu.memref_slice %run_scoped3A[%rem3A_269, %dma_wait3A_278, %dma_wait3A_279] : memref<2x1x1024xi32, #tpu.memory_space<vmem>> -> memref<1x1x1024xi32, #tpu.memory_space<vmem>>
          %dma_wait3A_281 = tpu.memref_squeeze %dma_wait3A_280 : memref<1x1x1024xi32, #tpu.memory_space<vmem>> -> memref<1x1024xi32, #tpu.memory_space<vmem>>
          %dma_wait3A_282 = arith.constant 0 : i32
          %dma_wait3A_283 = tpu.memref_slice %arg3[%dma_wait3A_282, %mul3A_267] : memref<1x196608xi32, #tpu.memory_space<hbm>> -> memref<1x1024xi32, #tpu.memory_space<hbm>>
          tpu.wait_dma2 semaphore(%dma_wait3A_277 : memref<!tpu.dma_semaphore, #tpu.memory_space<semaphore_mem>>) src(%dma_wait3A_283 : memref<1x1024xi32, #tpu.memory_space<hbm>>) dst(%dma_wait3A_281 : memref<1x1024xi32, #tpu.memory_space<vmem>>)
          "tpu.trace_stop"() : () -> ()
        } else {
        }
        %ne3A_189 = arith.cmpi ne, %add3A_136, %add3A_145 : i32
        %or3A_190 = arith.constant false
        %or3A_191 = arith.ori %or3A_190, %ne3A_189 : i1
        %or3A_192 = arith.ori %or3A_191, %eq3A_133 : i1
        %convert_element_type3A_193 = arith.extui %or3A_192 : i1 to i32
        %cond3A_194 = arith.constant 0 : i32
        %cond3A_195 = arith.cmpi ne, %convert_element_type3A_193, %cond3A_194 : i32
        scf.if %cond3A_195 {
        } else {
        }
        %rem3A_196 = arith.constant 2 : i32
        %rem3A_197 = arith.remui %scan3A_128, %rem3A_196 : i32
        %rem3A_198 = arith.constant 2 : i32
        %rem3A_199 = arith.remui %scan3A_129, %rem3A_198 : i32
        "tpu.trace_start"() <{level = 10 : i32, message = "ep_run_kernel"}> : () -> ()
        %scan3A_200 = arith.constant 0 : i32
        %scan3A_201 = arith.constant 256 : i32
        %scan3A_202 = arith.addi %scan3A_200, %scan3A_201 : i32
        %scan3A_203 = arith.constant 1 : i32
        scf.for %scan3A_266 = %scan3A_200 to %scan3A_202 step %scan3A_203  : i32 {
          %mul3A_267 = arith.constant 4 : i32
          %mul3A_268 = arith.muli %scan3A_266, %mul3A_267 : i32
          %add3A_269 = arith.constant 0 : i32
          %add3A_270 = arith.addi %add3A_269, %mul3A_268 : i32
          %add3A_271 = vector.broadcast %add3A_270 : i32 to vector<16xi32>
          %add3A_272 = arith.addi %add3A_271, %shift_right_arithmetic3A_1 : vector<16xi32>
          %add3A_273 = arith.constant 2 : i32
          %add3A_274 = vector.broadcast %add3A_273 : i32 to vector<16xi32>
          %add3A_275 = arith.addi %add3A_272, %add3A_274 : vector<16xi32>
          %gather3A = arith.constant 0 : i32
          %gather3A_276 = arith.constant 0 : i32
          %gather3A_277 = tpu.memref_slice %run_scoped3A[%rem3A_197, %gather3A, %gather3A_276] : memref<2x1x1024xi32, #tpu.memory_space<vmem>> -> memref<1x1x1024xi32, #tpu.memory_space<vmem>>
          %gather3A_278 = tpu.memref_squeeze %gather3A_277 : memref<1x1x1024xi32, #tpu.memory_space<vmem>> -> memref<1x1024xi32, #tpu.memory_space<vmem>>
          %gather3A_279 = tpu.vector_load_idx %gather3A_278[%broadcast_in_dim3A_4, %add3A_272] : memref<1x1024xi32, #tpu.memory_space<vmem>>[vector<16xi32>, vector<16xi32>], vector<16xi32>,
          %gather3A_280 = arith.constant 0 : i32
          %gather3A_281 = arith.constant 0 : i32
          %gather3A_282 = tpu.memref_slice %run_scoped3A[%rem3A_197, %gather3A_280, %gather3A_281] : memref<2x1x1024xi32, #tpu.memory_space<vmem>> -> memref<1x1x1024xi32, #tpu.memory_space<vmem>>
          %gather3A_283 = tpu.memref_squeeze %gather3A_282 : memref<1x1x1024xi32, #tpu.memory_space<vmem>> -> memref<1x1024xi32, #tpu.memory_space<vmem>>
          %gather3A_284 = tpu.vector_load_idx %gather3A_283[%broadcast_in_dim3A_4, %add3A_275] : memref<1x1024xi32, #tpu.memory_space<vmem>>[vector<16xi32>, vector<16xi32>], vector<16xi32>,
          %shift_left3A = arith.constant 3 : i32
          %shift_left3A_285 = vector.broadcast %shift_left3A : i32 to vector<16xi32>
          %shift_left3A_286 = arith.shli %gather3A_279, %shift_left3A_285 : vector<16xi32>
          %add3A_287 = arith.addi %shift_left3A_286, %and3A_3 : vector<16xi32>
          %shift_left3A_288 = arith.constant 3 : i32
          %shift_left3A_289 = vector.broadcast %shift_left3A_288 : i32 to vector<16xi32>
          %shift_left3A_290 = arith.shli %gather3A_284, %shift_left3A_289 : vector<16xi32>
          %add3A_291 = arith.addi %shift_left3A_290, %and3A_3 : vector<16xi32>
          %shift_right_arithmetic3A_292 = arith.constant 7 : i32
          %shift_right_arithmetic3A_293 = vector.broadcast %shift_right_arithmetic3A_292 : i32 to vector<16xi32>
          %shift_right_arithmetic3A_294 = arith.shrsi %add3A_287, %shift_right_arithmetic3A_293 : vector<16xi32>
          %and3A_295 = arith.constant 127 : i32
          %and3A_296 = vector.broadcast %and3A_295 : i32 to vector<16xi32>
          %and3A_297 = arith.andi %add3A_287, %and3A_296 : vector<16xi32>
          %gather3A_298 = tpu.vector_load_idx %arg5[%shift_right_arithmetic3A_294, %and3A_297] : memref<64x128xf32, #tpu.memory_space<vmem>>[vector<16xi32>, vector<16xi32>], vector<16xf32>,
          %shift_right_arithmetic3A_299 = arith.constant 7 : i32
          %shift_right_arithmetic3A_300 = vector.broadcast %shift_right_arithmetic3A_299 : i32 to vector<16xi32>
          %shift_right_arithmetic3A_301 = arith.shrsi %add3A_291, %shift_right_arithmetic3A_300 : vector<16xi32>
          %and3A_302 = arith.constant 127 : i32
          %and3A_303 = vector.broadcast %and3A_302 : i32 to vector<16xi32>
          %and3A_304 = arith.andi %add3A_291, %and3A_303 : vector<16xi32>
          %gather3A_305 = tpu.vector_load_idx %arg5[%shift_right_arithmetic3A_301, %and3A_304] : memref<64x128xf32, #tpu.memory_space<vmem>>[vector<16xi32>, vector<16xi32>], vector<16xf32>,
          %scatter3A = arith.constant 0 : i32
          %scatter3A_306 = arith.constant 0 : i32
          %scatter3A_307 = tpu.memref_slice %run_scoped3A_13[%rem3A_199, %scatter3A, %scatter3A_306] : memref<2x8x1024xf32, #tpu.memory_space<vmem>> -> memref<1x8x1024xf32, #tpu.memory_space<vmem>>
          %scatter3A_308 = tpu.memref_squeeze %scatter3A_307 : memref<1x8x1024xf32, #tpu.memory_space<vmem>> -> memref<8x1024xf32, #tpu.memory_space<vmem>>
          tpu.vector_store_idx %scatter3A_308[%and3A_3, %add3A_272], %gather3A_298 : memref<8x1024xf32, #tpu.memory_space<vmem>>[vector<16xi32>, vector<16xi32>], vector<16xf32>,
          %scatter3A_309 = arith.constant 0 : i32
          %scatter3A_310 = arith.constant 0 : i32
          %scatter3A_311 = tpu.memref_slice %run_scoped3A_13[%rem3A_199, %scatter3A_309, %scatter3A_310] : memref<2x8x1024xf32, #tpu.memory_space<vmem>> -> memref<1x8x1024xf32, #tpu.memory_space<vmem>>
          %scatter3A_312 = tpu.memref_squeeze %scatter3A_311 : memref<1x8x1024xf32, #tpu.memory_space<vmem>> -> memref<8x1024xf32, #tpu.memory_space<vmem>>
          tpu.vector_store_idx %scatter3A_312[%and3A_3, %add3A_275], %gather3A_305 : memref<8x1024xf32, #tpu.memory_space<vmem>>[vector<16xi32>, vector<16xi32>], vector<16xf32>,
        }
        %scan3A_204 = arith.constant 256 : i32
        "tpu.trace_stop"() : () -> ()
        %ne3A_205 = arith.cmpi ne, %add3A_136, %add3A_154 : i32
        %or3A_206 = arith.constant false
        %or3A_207 = arith.ori %or3A_206, %ne3A_205 : i1
        %or3A_208 = arith.ori %or3A_207, %eq3A_135 : i1
        %convert_element_type3A_209 = arith.extui %or3A_208 : i1 to i32
        %cond3A_210 = arith.constant 0 : i32
        %cond3A_211 = arith.cmpi ne, %convert_element_type3A_209, %cond3A_210 : i32
        scf.if %cond3A_211 {
        } else {
        }
        %and3A_212 = arith.constant false
        %and3A_213 = arith.andi %or3A_208, %and3A_212 : i1
        %ne3A_214 = arith.cmpi ne, %add3A_136, %add3A_154 : i32
        %or3A_215 = arith.constant false
        %or3A_216 = arith.ori %or3A_215, %ne3A_214 : i1
        %or3A_217 = arith.ori %or3A_216, %eq3A_135 : i1
        %convert_element_type3A_218 = arith.extui %or3A_217 : i1 to i32
        %cond3A_219 = arith.constant 0 : i32
        %cond3A_220 = arith.cmpi ne, %convert_element_type3A_218, %cond3A_219 : i32
        scf.if %cond3A_220 {
          "tpu.trace_start"() <{level = 10 : i32, message = "ep_copy_out"}> : () -> ()
          %rem3A_266 = arith.constant 2 : i32
          %rem3A_267 = arith.remui %scan3A_129, %rem3A_266 : i32
          %mul3A_268 = arith.constant 1024 : i32
          %mul3A_269 = arith.muli %mul3A_268, %add3A_136 : i32
          %dma_start3A_270 = arith.constant 0 : i32
          %dma_start3A_271 = arith.constant 0 : i32
          %dma_start3A_272 = tpu.memref_slice %run_scoped3A_13[%rem3A_267, %dma_start3A_270, %dma_start3A_271] : memref<2x8x1024xf32, #tpu.memory_space<vmem>> -> memref<1x8x1024xf32, #tpu.memory_space<vmem>>
          %dma_start3A_273 = tpu.memref_squeeze %dma_start3A_272 : memref<1x8x1024xf32, #tpu.memory_space<vmem>> -> memref<8x1024xf32, #tpu.memory_space<vmem>>
          %dma_start3A_274 = arith.constant 0 : i32
          %dma_start3A_275 = tpu.memref_slice %arg4[%dma_start3A_274, %mul3A_269] : memref<8x196608xf32, #tpu.memory_space<hbm>> -> memref<8x1024xf32, #tpu.memory_space<hbm>>
          %dma_start3A_276 = tpu.memref_slice %run_scoped3A_14[%rem3A_267] : memref<2x!tpu.dma_semaphore, #tpu.memory_space<semaphore_mem>> -> memref<1x!tpu.dma_semaphore, #tpu.memory_space<semaphore_mem>>
          %dma_start3A_277 = tpu.memref_squeeze %dma_start3A_276 : memref<1x!tpu.dma_semaphore, #tpu.memory_space<semaphore_mem>> -> memref<!tpu.dma_semaphore, #tpu.memory_space<semaphore_mem>>
          %dma_start3A_278 = arith.constant 0 : i32
          %dma_start3A_279 = tpu.memref_slice %arg4[%dma_start3A_278, %mul3A_269] : memref<8x196608xf32, #tpu.memory_space<hbm>> -> memref<8x1024xf32, #tpu.memory_space<hbm>>
          %dma_start3A_280 = arith.constant 0 : i32
          %dma_start3A_281 = arith.constant 0 : i32
          %dma_start3A_282 = tpu.memref_slice %run_scoped3A_13[%rem3A_267, %dma_start3A_280, %dma_start3A_281] : memref<2x8x1024xf32, #tpu.memory_space<vmem>> -> memref<1x8x1024xf32, #tpu.memory_space<vmem>>
          %dma_start3A_283 = tpu.memref_squeeze %dma_start3A_282 : memref<1x8x1024xf32, #tpu.memory_space<vmem>> -> memref<8x1024xf32, #tpu.memory_space<vmem>>
          tpu.enqueue_dma source(%dma_start3A_283 : memref<8x1024xf32, #tpu.memory_space<vmem>>) target(%dma_start3A_279 : memref<8x1024xf32, #tpu.memory_space<hbm>>) target_semaphore(%dma_start3A_277 : memref<!tpu.dma_semaphore, #tpu.memory_space<semaphore_mem>>)
          "tpu.trace_stop"() : () -> ()
        } else {
        }
        %and3A_221 = arith.constant true
        %and3A_222 = arith.andi %or3A_217, %and3A_221 : i1
        %add3A_223 = arith.constant 1 : i32
        %add3A_224 = arith.addi %scan3A_129, %add3A_223 : i32
        %select_n3A_225 = arith.select %and3A_222, %add3A_224, %scan3A_129 : i32
        %ne3A_226 = arith.cmpi ne, %add3A_136, %add3A_145 : i32
        %or3A_227 = arith.constant false
        %or3A_228 = arith.ori %or3A_227, %ne3A_226 : i1
        %not3A_229 = arith.constant true
        %not3A_230 = arith.xori %eq3A_133, %not3A_229 : i1
        %and3A_231 = arith.andi %or3A_228, %not3A_230 : i1
        %convert_element_type3A_232 = arith.extui %and3A_231 : i1 to i32
        %cond3A_233 = arith.constant 0 : i32
        %cond3A_234 = arith.cmpi ne, %convert_element_type3A_232, %cond3A_233 : i32
        scf.if %cond3A_234 {
        } else {
        }
        %and3A_235 = arith.constant false
        %and3A_236 = arith.andi %and3A_231, %and3A_235 : i1
        %ne3A_237 = arith.cmpi ne, %add3A_136, %add3A_145 : i32
        %or3A_238 = arith.constant false
        %or3A_239 = arith.ori %or3A_238, %ne3A_237 : i1
        %not3A_240 = arith.constant true
        %not3A_241 = arith.xori %eq3A_133, %not3A_240 : i1
        %and3A_242 = arith.andi %or3A_239, %not3A_241 : i1
        %convert_element_type3A_243 = arith.extui %and3A_242 : i1 to i32
        %cond3A_244 = arith.constant 0 : i32
        %cond3A_245 = arith.cmpi ne, %convert_element_type3A_243, %cond3A_244 : i32
        scf.if %cond3A_245 {
          "tpu.trace_start"() <{level = 10 : i32, message = "ep_wait_out"}> : () -> ()
          %rem3A_266 = arith.constant 2 : i32
          %rem3A_267 = arith.remui %scan3A_130, %rem3A_266 : i32
          %mul3A_268 = arith.constant 1024 : i32
          %mul3A_269 = arith.muli %mul3A_268, %add3A_145 : i32
          %dma_wait3A_270 = arith.constant 0 : i32
          %dma_wait3A_271 = arith.constant 0 : i32
          %dma_wait3A_272 = tpu.memref_slice %run_scoped3A_13[%rem3A_267, %dma_wait3A_270, %dma_wait3A_271] : memref<2x8x1024xf32, #tpu.memory_space<vmem>> -> memref<1x8x1024xf32, #tpu.memory_space<vmem>>
          %dma_wait3A_273 = tpu.memref_squeeze %dma_wait3A_272 : memref<1x8x1024xf32, #tpu.memory_space<vmem>> -> memref<8x1024xf32, #tpu.memory_space<vmem>>
          %dma_wait3A_274 = arith.constant 0 : i32
          %dma_wait3A_275 = tpu.memref_slice %arg4[%dma_wait3A_274, %mul3A_269] : memref<8x196608xf32, #tpu.memory_space<hbm>> -> memref<8x1024xf32, #tpu.memory_space<hbm>>
          %dma_wait3A_276 = tpu.memref_slice %run_scoped3A_14[%rem3A_267] : memref<2x!tpu.dma_semaphore, #tpu.memory_space<semaphore_mem>> -> memref<1x!tpu.dma_semaphore, #tpu.memory_space<semaphore_mem>>
          %dma_wait3A_277 = tpu.memref_squeeze %dma_wait3A_276 : memref<1x!tpu.dma_semaphore, #tpu.memory_space<semaphore_mem>> -> memref<!tpu.dma_semaphore, #tpu.memory_space<semaphore_mem>>
          %dma_wait3A_278 = arith.constant 0 : i32
          %dma_wait3A_279 = tpu.memref_slice %arg4[%dma_wait3A_278, %mul3A_269] : memref<8x196608xf32, #tpu.memory_space<hbm>> -> memref<8x1024xf32, #tpu.memory_space<hbm>>
          %dma_wait3A_280 = arith.constant 0 : i32
          %dma_wait3A_281 = arith.constant 0 : i32
          %dma_wait3A_282 = tpu.memref_slice %run_scoped3A_13[%rem3A_267, %dma_wait3A_280, %dma_wait3A_281] : memref<2x8x1024xf32, #tpu.memory_space<vmem>> -> memref<1x8x1024xf32, #tpu.memory_space<vmem>>
          %dma_wait3A_283 = tpu.memref_squeeze %dma_wait3A_282 : memref<1x8x1024xf32, #tpu.memory_space<vmem>> -> memref<8x1024xf32, #tpu.memory_space<vmem>>
          tpu.wait_dma2 semaphore(%dma_wait3A_277 : memref<!tpu.dma_semaphore, #tpu.memory_space<semaphore_mem>>) src(%dma_wait3A_283 : memref<8x1024xf32, #tpu.memory_space<vmem>>) dst(%dma_wait3A_279 : memref<8x1024xf32, #tpu.memory_space<hbm>>)
          "tpu.trace_stop"() : () -> ()
        } else {
        }
        %and3A_246 = arith.constant true
        %and3A_247 = arith.andi %and3A_242, %and3A_246 : i1
        %add3A_248 = arith.constant 1 : i32
        %add3A_249 = arith.addi %scan3A_130, %add3A_248 : i32
        %select_n3A_250 = arith.select %and3A_247, %add3A_249, %scan3A_130 : i32
        %ne3A_251 = arith.cmpi ne, %add3A_136, %add3A_154 : i32
        %or3A_252 = arith.constant false
        %or3A_253 = arith.ori %or3A_252, %ne3A_251 : i1
        %or3A_254 = arith.ori %or3A_253, %eq3A_135 : i1
        %add3A_255 = arith.constant 1 : i32
        %add3A_256 = arith.addi %scan3A_128, %add3A_255 : i32
        %select_n3A_257 = arith.select %or3A_254, %add3A_256, %scan3A_128 : i32
        %add3A_258 = arith.constant 1 : i32
        %add3A_259 = arith.addi %scan3A_131, %add3A_258 : i32
        %select_n3A_260 = arith.constant true
        %select_n3A_261 = arith.select %select_n3A_260, %add3A_259, %scan3A_131 : i32
        %eq3A_262 = arith.constant 6 : i32
        %eq3A_263 = arith.cmpi eq, %select_n3A_261, %eq3A_262 : i32
        %select_n3A_264 = arith.constant 0 : i32
        %select_n3A_265 = arith.select %eq3A_263, %select_n3A_264, %select_n3A_261 : i32
        scf.yield %select_n3A_173, %select_n3A_257, %select_n3A_225, %select_n3A_250, %select_n3A_265 : i32, i32, i32, i32, i32
      }
      %scan3A_73 = arith.constant 6 : i32
      %sub3A = arith.constant 1 : i32
      %sub3A_74 = arith.subi %scan3A_72#4, %sub3A : i32
      %select_n3A_75 = arith.constant true
      %select_n3A_76 = arith.select %select_n3A_75, %sub3A_74, %scan3A_72#4 : i32
      %eq3A_77 = arith.constant -1 : i32
      %eq3A_78 = arith.cmpi eq, %select_n3A_76, %eq3A_77 : i32
      %select_n3A_79 = arith.constant 5 : i32
      %select_n3A_80 = arith.select %eq3A_78, %select_n3A_79, %select_n3A_76 : i32
      %add3A_81 = arith.addi %select_n3A_80, %mul3A_11 : i32
      %sub3A_82 = arith.constant 1 : i32
      %sub3A_83 = arith.subi %select_n3A_80, %sub3A_82 : i32
      %select_n3A_84 = arith.constant true
      %select_n3A_85 = arith.select %select_n3A_84, %sub3A_83, %select_n3A_80 : i32
      %eq3A_86 = arith.constant -1 : i32
      %eq3A_87 = arith.cmpi eq, %select_n3A_85, %eq3A_86 : i32
      %select_n3A_88 = arith.constant 5 : i32
      %select_n3A_89 = arith.select %eq3A_87, %select_n3A_88, %select_n3A_85 : i32
      %add3A_90 = arith.addi %select_n3A_89, %mul3A_11 : i32
      %add3A_91 = arith.constant 1 : i32
      %add3A_92 = arith.addi %select_n3A_80, %add3A_91 : i32
      %select_n3A_93 = arith.constant true
      %select_n3A_94 = arith.select %select_n3A_93, %add3A_92, %select_n3A_80 : i32
      %eq3A_95 = arith.constant 6 : i32
      %eq3A_96 = arith.cmpi eq, %select_n3A_94, %eq3A_95 : i32
      %select_n3A_97 = arith.constant 0 : i32
      %select_n3A_98 = arith.select %eq3A_96, %select_n3A_97, %select_n3A_94 : i32
      %add3A_99 = arith.addi %select_n3A_98, %mul3A_11 : i32
      %add3A_100 = arith.constant 1 : i32
      %add3A_101 = arith.addi %select_n3A_98, %add3A_100 : i32
      %select_n3A_102 = arith.constant true
      %select_n3A_103 = arith.select %select_n3A_102, %add3A_101, %select_n3A_98 : i32
      %eq3A_104 = arith.constant 6 : i32
      %eq3A_105 = arith.cmpi eq, %select_n3A_103, %eq3A_104 : i32
      %select_n3A_106 = arith.constant 0 : i32
      %select_n3A_107 = arith.select %eq3A_105, %select_n3A_106, %select_n3A_103 : i32
      %add3A_108 = arith.addi %select_n3A_107, %mul3A_11 : i32
      "tpu.trace_start"() <{level = 10 : i32, message = "ep_finalize"}> : () -> ()
      %rem3A_109 = arith.constant 2 : i32
      %rem3A_110 = arith.remui %scan3A_72#3, %rem3A_109 : i32
      %mul3A_111 = arith.constant 1024 : i32
      %mul3A_112 = arith.muli %mul3A_111, %add3A_81 : i32
      %dma_wait3A = arith.constant 0 : i32
      %dma_wait3A_113 = arith.constant 0 : i32
      %dma_wait3A_114 = tpu.memref_slice %run_scoped3A_13[%rem3A_110, %dma_wait3A, %dma_wait3A_113] : memref<2x8x1024xf32, #tpu.memory_space<vmem>> -> memref<1x8x1024xf32, #tpu.memory_space<vmem>>
      %dma_wait3A_115 = tpu.memref_squeeze %dma_wait3A_114 : memref<1x8x1024xf32, #tpu.memory_space<vmem>> -> memref<8x1024xf32, #tpu.memory_space<vmem>>
      %dma_wait3A_116 = arith.constant 0 : i32
      %dma_wait3A_117 = tpu.memref_slice %arg4[%dma_wait3A_116, %mul3A_112] : memref<8x196608xf32, #tpu.memory_space<hbm>> -> memref<8x1024xf32, #tpu.memory_space<hbm>>
      %dma_wait3A_118 = tpu.memref_slice %run_scoped3A_14[%rem3A_110] : memref<2x!tpu.dma_semaphore, #tpu.memory_space<semaphore_mem>> -> memref<1x!tpu.dma_semaphore, #tpu.memory_space<semaphore_mem>>
      %dma_wait3A_119 = tpu.memref_squeeze %dma_wait3A_118 : memref<1x!tpu.dma_semaphore, #tpu.memory_space<semaphore_mem>> -> memref<!tpu.dma_semaphore, #tpu.memory_space<semaphore_mem>>
      %dma_wait3A_120 = arith.constant 0 : i32
      %dma_wait3A_121 = tpu.memref_slice %arg4[%dma_wait3A_120, %mul3A_112] : memref<8x196608xf32, #tpu.memory_space<hbm>> -> memref<8x1024xf32, #tpu.memory_space<hbm>>
      %dma_wait3A_122 = arith.constant 0 : i32
      %dma_wait3A_123 = arith.constant 0 : i32
      %dma_wait3A_124 = tpu.memref_slice %run_scoped3A_13[%rem3A_110, %dma_wait3A_122, %dma_wait3A_123] : memref<2x8x1024xf32, #tpu.memory_space<vmem>> -> memref<1x8x1024xf32, #tpu.memory_space<vmem>>
      %dma_wait3A_125 = tpu.memref_squeeze %dma_wait3A_124 : memref<1x8x1024xf32, #tpu.memory_space<vmem>> -> memref<8x1024xf32, #tpu.memory_space<vmem>>
      tpu.wait_dma2 semaphore(%dma_wait3A_119 : memref<!tpu.dma_semaphore, #tpu.memory_space<semaphore_mem>>) src(%dma_wait3A_125 : memref<8x1024xf32, #tpu.memory_space<vmem>>) dst(%dma_wait3A_121 : memref<8x1024xf32, #tpu.memory_space<hbm>>)
      "tpu.trace_stop"() : () -> ()
      tpu.yield
    }) : () -> ()
    return
  }
}

#map = affine_map<(d0, d1) -> (0, 0)>
module attributes {stable_mosaic.version = 14 : i64} {
  func.func @gather_kernel(%arg0: i32, %arg1: i32, %arg2: memref<64x128xf32, #tpu.memory_space<hbm>>, %arg3: memref<1x425984xi32, #tpu.memory_space<hbm>>, %arg4: memref<8x425984xf32, #tpu.memory_space<hbm>>, %arg5: memref<64x128xf32, #tpu.memory_space<vmem>>) attributes {dimension_semantics = [#tpu.dimension_semantics<core_parallel>, #tpu.dimension_semantics<subcore_parallel>], iteration_bounds = array<i64: 2, 16>, scalar_prefetch = 0 : i64, scratch_operands = 1 : i64, tpu.core_type = #tpu.core_type<sc_vector_subcore>, window_params = [{transform_indices = #map}, {transform_indices = #map}, {transform_indices = #map}]} {
    "tpu.region"() ({
      %run_scoped3A = tpu.sem_alloc : memref<!tpu.dma_semaphore, #tpu.memory_space<semaphore_mem>>
      tpu.enqueue_dma source(%arg2 : memref<64x128xf32, #tpu.memory_space<hbm>>) target(%arg5 : memref<64x128xf32, #tpu.memory_space<vmem>>) target_semaphore(%run_scoped3A : memref<!tpu.dma_semaphore, #tpu.memory_space<semaphore_mem>>)
      tpu.wait_dma2 semaphore(%run_scoped3A : memref<!tpu.dma_semaphore, #tpu.memory_space<semaphore_mem>>) src(%arg2 : memref<64x128xf32, #tpu.memory_space<hbm>>) dst(%arg5 : memref<64x128xf32, #tpu.memory_space<vmem>>)
      tpu.yield
    }) : () -> ()
    %iota3A = tpu.iota {dimensions = array<i32: 0>} : vector<16xi32>
    %shift_right_arithmetic3A = arith.constant 3 : i32
    %shift_right_arithmetic3A_0 = vector.broadcast %shift_right_arithmetic3A : i32 to vector<16xi32>
    %shift_right_arithmetic3A_1 = arith.shrsi %iota3A, %shift_right_arithmetic3A_0 : vector<16xi32>
    %and3A = arith.constant 7 : i32
    %and3A_2 = vector.broadcast %and3A : i32 to vector<16xi32>
    %and3A_3 = arith.andi %iota3A, %and3A_2 : vector<16xi32>
    %broadcast_in_dim3A = arith.constant 0 : i32
    %broadcast_in_dim3A_4 = vector.broadcast %broadcast_in_dim3A : i32 to vector<16xi32>
    %mul3A = arith.constant 1 : i32
    %mul3A_5 = arith.muli %arg1, %mul3A : i32
    %add3A = arith.constant 0 : i32
    %add3A_6 = arith.addi %add3A, %mul3A_5 : i32
    %mul3A_7 = arith.constant 16 : i32
    %mul3A_8 = arith.muli %arg0, %mul3A_7 : i32
    %add3A_9 = arith.addi %add3A_6, %mul3A_8 : i32
    %mul3A_10 = arith.constant 13 : i32
    %mul3A_11 = arith.muli %add3A_9, %mul3A_10 : i32
    "tpu.region"() ({
      %run_scoped3A = memref.alloca() : memref<2x1x1024xi32, #tpu.memory_space<vmem>>
      %run_scoped3A_12 = tpu.sem_alloc : memref<2x!tpu.dma_semaphore, #tpu.memory_space<semaphore_mem>>
      %run_scoped3A_13 = memref.alloca() : memref<2x8x1024xf32, #tpu.memory_space<vmem>>
      %run_scoped3A_14 = tpu.sem_alloc : memref<2x!tpu.dma_semaphore, #tpu.memory_space<semaphore_mem>>
      %add3A_15 = arith.constant 0 : i32
      %add3A_16 = arith.addi %add3A_15, %mul3A_11 : i32
      %select_n3A = arith.constant true
      %select_n3A_17 = arith.constant 0 : i32
      %select_n3A_18 = arith.constant -1 : i32
      %select_n3A_19 = arith.select %select_n3A, %select_n3A_18, %select_n3A_17 : i32
      %eq3A = arith.constant -1 : i32
      %eq3A_20 = arith.cmpi eq, %select_n3A_19, %eq3A : i32
      %select_n3A_21 = arith.constant 12 : i32
      %select_n3A_22 = arith.select %eq3A_20, %select_n3A_21, %select_n3A_19 : i32
      %add3A_23 = arith.addi %select_n3A_22, %mul3A_11 : i32
      %select_n3A_24 = arith.constant true
      %select_n3A_25 = arith.constant 0 : i32
      %select_n3A_26 = arith.constant 1 : i32
      %select_n3A_27 = arith.select %select_n3A_24, %select_n3A_26, %select_n3A_25 : i32
      %eq3A_28 = arith.constant 13 : i32
      %eq3A_29 = arith.cmpi eq, %select_n3A_27, %eq3A_28 : i32
      %select_n3A_30 = arith.constant 0 : i32
      %select_n3A_31 = arith.select %eq3A_29, %select_n3A_30, %select_n3A_27 : i32
      %add3A_32 = arith.addi %select_n3A_31, %mul3A_11 : i32
      %add3A_33 = arith.constant 1 : i32
      %add3A_34 = arith.addi %select_n3A_31, %add3A_33 : i32
      %select_n3A_35 = arith.constant true
      %select_n3A_36 = arith.select %select_n3A_35, %add3A_34, %select_n3A_31 : i32
      %eq3A_37 = arith.constant 13 : i32
      %eq3A_38 = arith.cmpi eq, %select_n3A_36, %eq3A_37 : i32
      %select_n3A_39 = arith.constant 0 : i32
      %select_n3A_40 = arith.select %eq3A_38, %select_n3A_39, %select_n3A_36 : i32
      %add3A_41 = arith.addi %select_n3A_40, %mul3A_11 : i32
      "tpu.trace_start"() <{level = 10 : i32, message = "ep_initialize_0"}> : () -> ()
      %rem3A = arith.constant 0 : i32
      %rem3A_42 = arith.constant 2 : i32
      %rem3A_43 = arith.remui %rem3A, %rem3A_42 : i32
      %mul3A_44 = arith.constant 1024 : i32
      %mul3A_45 = arith.muli %mul3A_44, %add3A_16 : i32
      %dma_start3A = arith.constant 0 : i32
      %dma_start3A_46 = arith.constant 0 : i32
      %dma_start3A_47 = tpu.memref_slice %run_scoped3A[%rem3A_43, %dma_start3A, %dma_start3A_46] : memref<2x1x1024xi32, #tpu.memory_space<vmem>> -> memref<1x1x1024xi32, #tpu.memory_space<vmem>>
      %dma_start3A_48 = tpu.memref_squeeze %dma_start3A_47 : memref<1x1x1024xi32, #tpu.memory_space<vmem>> -> memref<1x1024xi32, #tpu.memory_space<vmem>>
      %dma_start3A_49 = arith.constant 0 : i32
      %dma_start3A_50 = tpu.memref_slice %arg3[%dma_start3A_49, %mul3A_45] : memref<1x425984xi32, #tpu.memory_space<hbm>> -> memref<1x1024xi32, #tpu.memory_space<hbm>>
      %dma_start3A_51 = tpu.memref_slice %run_scoped3A_12[%rem3A_43] : memref<2x!tpu.dma_semaphore, #tpu.memory_space<semaphore_mem>> -> memref<1x!tpu.dma_semaphore, #tpu.memory_space<semaphore_mem>>
      %dma_start3A_52 = tpu.memref_squeeze %dma_start3A_51 : memref<1x!tpu.dma_semaphore, #tpu.memory_space<semaphore_mem>> -> memref<!tpu.dma_semaphore, #tpu.memory_space<semaphore_mem>>
      %dma_start3A_53 = arith.constant 0 : i32
      %dma_start3A_54 = arith.constant 0 : i32
      %dma_start3A_55 = tpu.memref_slice %run_scoped3A[%rem3A_43, %dma_start3A_53, %dma_start3A_54] : memref<2x1x1024xi32, #tpu.memory_space<vmem>> -> memref<1x1x1024xi32, #tpu.memory_space<vmem>>
      %dma_start3A_56 = tpu.memref_squeeze %dma_start3A_55 : memref<1x1x1024xi32, #tpu.memory_space<vmem>> -> memref<1x1024xi32, #tpu.memory_space<vmem>>
      %dma_start3A_57 = arith.constant 0 : i32
      %dma_start3A_58 = tpu.memref_slice %arg3[%dma_start3A_57, %mul3A_45] : memref<1x425984xi32, #tpu.memory_space<hbm>> -> memref<1x1024xi32, #tpu.memory_space<hbm>>
      tpu.enqueue_dma source(%dma_start3A_58 : memref<1x1024xi32, #tpu.memory_space<hbm>>) target(%dma_start3A_56 : memref<1x1024xi32, #tpu.memory_space<vmem>>) target_semaphore(%dma_start3A_52 : memref<!tpu.dma_semaphore, #tpu.memory_space<semaphore_mem>>)
      %add3A_59 = arith.constant 0 : i32
      %add3A_60 = arith.constant 1 : i32
      %add3A_61 = arith.addi %add3A_59, %add3A_60 : i32
      %select_n3A_62 = arith.constant true
      %select_n3A_63 = arith.constant 0 : i32
      %select_n3A_64 = arith.select %select_n3A_62, %add3A_61, %select_n3A_63 : i32
      "tpu.trace_stop"() : () -> ()
      %scan3A = arith.constant 0 : i32
      %scan3A_65 = arith.constant 0 : i32
      %scan3A_66 = arith.constant 0 : i32
      %scan3A_67 = arith.constant 0 : i32
      %scan3A_68 = arith.constant 0 : i32
      %scan3A_69 = arith.constant 13 : i32
      %scan3A_70 = arith.addi %scan3A_68, %scan3A_69 : i32
      %scan3A_71 = arith.constant 1 : i32
      %scan3A_72:5 = scf.for %scan3A_126 = %scan3A_68 to %scan3A_70 step %scan3A_71 iter_args(%scan3A_127 = %select_n3A_64, %scan3A_128 = %scan3A, %scan3A_129 = %scan3A_65, %scan3A_130 = %scan3A_66, %scan3A_131 = %scan3A_67) -> (i32, i32, i32, i32, i32)  : i32 {
        %eq3A_132 = arith.constant 0 : i32
        %eq3A_133 = arith.cmpi eq, %scan3A_126, %eq3A_132 : i32
        %eq3A_134 = arith.constant 12 : i32
        %eq3A_135 = arith.cmpi eq, %scan3A_126, %eq3A_134 : i32
        %add3A_136 = arith.addi %scan3A_131, %mul3A_11 : i32
        %sub3A_137 = arith.constant 1 : i32
        %sub3A_138 = arith.subi %scan3A_131, %sub3A_137 : i32
        %select_n3A_139 = arith.constant true
        %select_n3A_140 = arith.select %select_n3A_139, %sub3A_138, %scan3A_131 : i32
        %eq3A_141 = arith.constant -1 : i32
        %eq3A_142 = arith.cmpi eq, %select_n3A_140, %eq3A_141 : i32
        %select_n3A_143 = arith.constant 12 : i32
        %select_n3A_144 = arith.select %eq3A_142, %select_n3A_143, %select_n3A_140 : i32
        %add3A_145 = arith.addi %select_n3A_144, %mul3A_11 : i32
        %add3A_146 = arith.constant 1 : i32
        %add3A_147 = arith.addi %scan3A_131, %add3A_146 : i32
        %select_n3A_148 = arith.constant true
        %select_n3A_149 = arith.select %select_n3A_148, %add3A_147, %scan3A_131 : i32
        %eq3A_150 = arith.constant 13 : i32
        %eq3A_151 = arith.cmpi eq, %select_n3A_149, %eq3A_150 : i32
        %select_n3A_152 = arith.constant 0 : i32
        %select_n3A_153 = arith.select %eq3A_151, %select_n3A_152, %select_n3A_149 : i32
        %add3A_154 = arith.addi %select_n3A_153, %mul3A_11 : i32
        %add3A_155 = arith.constant 1 : i32
        %add3A_156 = arith.addi %select_n3A_153, %add3A_155 : i32
        %select_n3A_157 = arith.constant true
        %select_n3A_158 = arith.select %select_n3A_157, %add3A_156, %select_n3A_153 : i32
        %eq3A_159 = arith.constant 13 : i32
        %eq3A_160 = arith.cmpi eq, %select_n3A_158, %eq3A_159 : i32
        %select_n3A_161 = arith.constant 0 : i32
        %select_n3A_162 = arith.select %eq3A_160, %select_n3A_161, %select_n3A_158 : i32
        %add3A_163 = arith.addi %select_n3A_162, %mul3A_11 : i32
        %ne3A = arith.cmpi ne, %add3A_136, %add3A_154 : i32
        %or3A = arith.constant false
        %or3A_164 = arith.ori %or3A, %ne3A : i1
        %ge3A = arith.constant 12 : i32
        %ge3A_165 = arith.cmpi sge, %scan3A_126, %ge3A : i32
        %not3A = arith.constant true
        %not3A_166 = arith.xori %ge3A_165, %not3A : i1
        %and3A_167 = arith.andi %or3A_164, %not3A_166 : i1
        %convert_element_type3A = arith.extui %and3A_167 : i1 to i32
        %cond3A = arith.constant 0 : i32
        %cond3A_168 = arith.cmpi ne, %convert_element_type3A, %cond3A : i32
        scf.if %cond3A_168 {
          "tpu.trace_start"() <{level = 10 : i32, message = "ep_copy_in"}> : () -> ()
          %rem3A_266 = arith.constant 2 : i32
          %rem3A_267 = arith.remui %scan3A_127, %rem3A_266 : i32
          %mul3A_268 = arith.constant 1024 : i32
          %mul3A_269 = arith.muli %mul3A_268, %add3A_154 : i32
          %dma_start3A_270 = arith.constant 0 : i32
          %dma_start3A_271 = arith.constant 0 : i32
          %dma_start3A_272 = tpu.memref_slice %run_scoped3A[%rem3A_267, %dma_start3A_270, %dma_start3A_271] : memref<2x1x1024xi32, #tpu.memory_space<vmem>> -> memref<1x1x1024xi32, #tpu.memory_space<vmem>>
          %dma_start3A_273 = tpu.memref_squeeze %dma_start3A_272 : memref<1x1x1024xi32, #tpu.memory_space<vmem>> -> memref<1x1024xi32, #tpu.memory_space<vmem>>
          %dma_start3A_274 = arith.constant 0 : i32
          %dma_start3A_275 = tpu.memref_slice %arg3[%dma_start3A_274, %mul3A_269] : memref<1x425984xi32, #tpu.memory_space<hbm>> -> memref<1x1024xi32, #tpu.memory_space<hbm>>
          %dma_start3A_276 = tpu.memref_slice %run_scoped3A_12[%rem3A_267] : memref<2x!tpu.dma_semaphore, #tpu.memory_space<semaphore_mem>> -> memref<1x!tpu.dma_semaphore, #tpu.memory_space<semaphore_mem>>
          %dma_start3A_277 = tpu.memref_squeeze %dma_start3A_276 : memref<1x!tpu.dma_semaphore, #tpu.memory_space<semaphore_mem>> -> memref<!tpu.dma_semaphore, #tpu.memory_space<semaphore_mem>>
          %dma_start3A_278 = arith.constant 0 : i32
          %dma_start3A_279 = arith.constant 0 : i32
          %dma_start3A_280 = tpu.memref_slice %run_scoped3A[%rem3A_267, %dma_start3A_278, %dma_start3A_279] : memref<2x1x1024xi32, #tpu.memory_space<vmem>> -> memref<1x1x1024xi32, #tpu.memory_space<vmem>>
          %dma_start3A_281 = tpu.memref_squeeze %dma_start3A_280 : memref<1x1x1024xi32, #tpu.memory_space<vmem>> -> memref<1x1024xi32, #tpu.memory_space<vmem>>
          %dma_start3A_282 = arith.constant 0 : i32
          %dma_start3A_283 = tpu.memref_slice %arg3[%dma_start3A_282, %mul3A_269] : memref<1x425984xi32, #tpu.memory_space<hbm>> -> memref<1x1024xi32, #tpu.memory_space<hbm>>
          tpu.enqueue_dma source(%dma_start3A_283 : memref<1x1024xi32, #tpu.memory_space<hbm>>) target(%dma_start3A_281 : memref<1x1024xi32, #tpu.memory_space<vmem>>) target_semaphore(%dma_start3A_277 : memref<!tpu.dma_semaphore, #tpu.memory_space<semaphore_mem>>)
          "tpu.trace_stop"() : () -> ()
        } else {
        }
        %and3A_169 = arith.constant true
        %and3A_170 = arith.andi %and3A_167, %and3A_169 : i1
        %add3A_171 = arith.constant 1 : i32
        %add3A_172 = arith.addi %scan3A_127, %add3A_171 : i32
        %select_n3A_173 = arith.select %and3A_170, %add3A_172, %scan3A_127 : i32
        %ne3A_174 = arith.cmpi ne, %add3A_136, %add3A_154 : i32
        %or3A_175 = arith.constant false
        %or3A_176 = arith.ori %or3A_175, %ne3A_174 : i1
        %ge3A_177 = arith.constant 12 : i32
        %ge3A_178 = arith.cmpi sge, %scan3A_126, %ge3A_177 : i32
        %not3A_179 = arith.constant true
        %not3A_180 = arith.xori %ge3A_178, %not3A_179 : i1
        %and3A_181 = arith.andi %or3A_176, %not3A_180 : i1
        %ne3A_182 = arith.cmpi ne, %add3A_136, %add3A_145 : i32
        %or3A_183 = arith.constant false
        %or3A_184 = arith.ori %or3A_183, %ne3A_182 : i1
        %or3A_185 = arith.ori %or3A_184, %eq3A_133 : i1
        %convert_element_type3A_186 = arith.extui %or3A_185 : i1 to i32
        %cond3A_187 = arith.constant 0 : i32
        %cond3A_188 = arith.cmpi ne, %convert_element_type3A_186, %cond3A_187 : i32
        scf.if %cond3A_188 {
          "tpu.trace_start"() <{level = 10 : i32, message = "ep_wait_in"}> : () -> ()
          %mul3A_266 = arith.constant 1024 : i32
          %mul3A_267 = arith.muli %mul3A_266, %add3A_136 : i32
          %rem3A_268 = arith.constant 2 : i32
          %rem3A_269 = arith.remui %scan3A_128, %rem3A_268 : i32
          %dma_wait3A_270 = arith.constant 0 : i32
          %dma_wait3A_271 = arith.constant 0 : i32
          %dma_wait3A_272 = tpu.memref_slice %run_scoped3A[%rem3A_269, %dma_wait3A_270, %dma_wait3A_271] : memref<2x1x1024xi32, #tpu.memory_space<vmem>> -> memref<1x1x1024xi32, #tpu.memory_space<vmem>>
          %dma_wait3A_273 = tpu.memref_squeeze %dma_wait3A_272 : memref<1x1x1024xi32, #tpu.memory_space<vmem>> -> memref<1x1024xi32, #tpu.memory_space<vmem>>
          %dma_wait3A_274 = arith.constant 0 : i32
          %dma_wait3A_275 = tpu.memref_slice %arg3[%dma_wait3A_274, %mul3A_267] : memref<1x425984xi32, #tpu.memory_space<hbm>> -> memref<1x1024xi32, #tpu.memory_space<hbm>>
          %dma_wait3A_276 = tpu.memref_slice %run_scoped3A_12[%rem3A_269] : memref<2x!tpu.dma_semaphore, #tpu.memory_space<semaphore_mem>> -> memref<1x!tpu.dma_semaphore, #tpu.memory_space<semaphore_mem>>
          %dma_wait3A_277 = tpu.memref_squeeze %dma_wait3A_276 : memref<1x!tpu.dma_semaphore, #tpu.memory_space<semaphore_mem>> -> memref<!tpu.dma_semaphore, #tpu.memory_space<semaphore_mem>>
          %dma_wait3A_278 = arith.constant 0 : i32
          %dma_wait3A_279 = arith.constant 0 : i32
          %dma_wait3A_280 = tpu.memref_slice %run_scoped3A[%rem3A_269, %dma_wait3A_278, %dma_wait3A_279] : memref<2x1x1024xi32, #tpu.memory_space<vmem>> -> memref<1x1x1024xi32, #tpu.memory_space<vmem>>
          %dma_wait3A_281 = tpu.memref_squeeze %dma_wait3A_280 : memref<1x1x1024xi32, #tpu.memory_space<vmem>> -> memref<1x1024xi32, #tpu.memory_space<vmem>>
          %dma_wait3A_282 = arith.constant 0 : i32
          %dma_wait3A_283 = tpu.memref_slice %arg3[%dma_wait3A_282, %mul3A_267] : memref<1x425984xi32, #tpu.memory_space<hbm>> -> memref<1x1024xi32, #tpu.memory_space<hbm>>
          tpu.wait_dma2 semaphore(%dma_wait3A_277 : memref<!tpu.dma_semaphore, #tpu.memory_space<semaphore_mem>>) src(%dma_wait3A_283 : memref<1x1024xi32, #tpu.memory_space<hbm>>) dst(%dma_wait3A_281 : memref<1x1024xi32, #tpu.memory_space<vmem>>)
          "tpu.trace_stop"() : () -> ()
        } else {
        }
        %ne3A_189 = arith.cmpi ne, %add3A_136, %add3A_145 : i32
        %or3A_190 = arith.constant false
        %or3A_191 = arith.ori %or3A_190, %ne3A_189 : i1
        %or3A_192 = arith.ori %or3A_191, %eq3A_133 : i1
        %convert_element_type3A_193 = arith.extui %or3A_192 : i1 to i32
        %cond3A_194 = arith.constant 0 : i32
        %cond3A_195 = arith.cmpi ne, %convert_element_type3A_193, %cond3A_194 : i32
        scf.if %cond3A_195 {
        } else {
        }
        %rem3A_196 = arith.constant 2 : i32
        %rem3A_197 = arith.remui %scan3A_128, %rem3A_196 : i32
        %rem3A_198 = arith.constant 2 : i32
        %rem3A_199 = arith.remui %scan3A_129, %rem3A_198 : i32
        "tpu.trace_start"() <{level = 10 : i32, message = "ep_run_kernel"}> : () -> ()
        %scan3A_200 = arith.constant 0 : i32
        %scan3A_201 = arith.constant 256 : i32
        %scan3A_202 = arith.addi %scan3A_200, %scan3A_201 : i32
        %scan3A_203 = arith.constant 1 : i32
        scf.for %scan3A_266 = %scan3A_200 to %scan3A_202 step %scan3A_203  : i32 {
          %mul3A_267 = arith.constant 4 : i32
          %mul3A_268 = arith.muli %scan3A_266, %mul3A_267 : i32
          %add3A_269 = arith.constant 0 : i32
          %add3A_270 = arith.addi %add3A_269, %mul3A_268 : i32
          %add3A_271 = vector.broadcast %add3A_270 : i32 to vector<16xi32>
          %add3A_272 = arith.addi %add3A_271, %shift_right_arithmetic3A_1 : vector<16xi32>
          %add3A_273 = arith.constant 2 : i32
          %add3A_274 = vector.broadcast %add3A_273 : i32 to vector<16xi32>
          %add3A_275 = arith.addi %add3A_272, %add3A_274 : vector<16xi32>
          %gather3A = arith.constant 0 : i32
          %gather3A_276 = arith.constant 0 : i32
          %gather3A_277 = tpu.memref_slice %run_scoped3A[%rem3A_197, %gather3A, %gather3A_276] : memref<2x1x1024xi32, #tpu.memory_space<vmem>> -> memref<1x1x1024xi32, #tpu.memory_space<vmem>>
          %gather3A_278 = tpu.memref_squeeze %gather3A_277 : memref<1x1x1024xi32, #tpu.memory_space<vmem>> -> memref<1x1024xi32, #tpu.memory_space<vmem>>
          %gather3A_279 = tpu.vector_load_idx %gather3A_278[%broadcast_in_dim3A_4, %add3A_272] : memref<1x1024xi32, #tpu.memory_space<vmem>>[vector<16xi32>, vector<16xi32>], vector<16xi32>,
          %gather3A_280 = arith.constant 0 : i32
          %gather3A_281 = arith.constant 0 : i32
          %gather3A_282 = tpu.memref_slice %run_scoped3A[%rem3A_197, %gather3A_280, %gather3A_281] : memref<2x1x1024xi32, #tpu.memory_space<vmem>> -> memref<1x1x1024xi32, #tpu.memory_space<vmem>>
          %gather3A_283 = tpu.memref_squeeze %gather3A_282 : memref<1x1x1024xi32, #tpu.memory_space<vmem>> -> memref<1x1024xi32, #tpu.memory_space<vmem>>
          %gather3A_284 = tpu.vector_load_idx %gather3A_283[%broadcast_in_dim3A_4, %add3A_275] : memref<1x1024xi32, #tpu.memory_space<vmem>>[vector<16xi32>, vector<16xi32>], vector<16xi32>,
          %shift_left3A = arith.constant 3 : i32
          %shift_left3A_285 = vector.broadcast %shift_left3A : i32 to vector<16xi32>
          %shift_left3A_286 = arith.shli %gather3A_279, %shift_left3A_285 : vector<16xi32>
          %add3A_287 = arith.addi %shift_left3A_286, %and3A_3 : vector<16xi32>
          %shift_left3A_288 = arith.constant 3 : i32
          %shift_left3A_289 = vector.broadcast %shift_left3A_288 : i32 to vector<16xi32>
          %shift_left3A_290 = arith.shli %gather3A_284, %shift_left3A_289 : vector<16xi32>
          %add3A_291 = arith.addi %shift_left3A_290, %and3A_3 : vector<16xi32>
          %shift_right_arithmetic3A_292 = arith.constant 7 : i32
          %shift_right_arithmetic3A_293 = vector.broadcast %shift_right_arithmetic3A_292 : i32 to vector<16xi32>
          %shift_right_arithmetic3A_294 = arith.shrsi %add3A_287, %shift_right_arithmetic3A_293 : vector<16xi32>
          %and3A_295 = arith.constant 127 : i32
          %and3A_296 = vector.broadcast %and3A_295 : i32 to vector<16xi32>
          %and3A_297 = arith.andi %add3A_287, %and3A_296 : vector<16xi32>
          %gather3A_298 = tpu.vector_load_idx %arg5[%shift_right_arithmetic3A_294, %and3A_297] : memref<64x128xf32, #tpu.memory_space<vmem>>[vector<16xi32>, vector<16xi32>], vector<16xf32>,
          %shift_right_arithmetic3A_299 = arith.constant 7 : i32
          %shift_right_arithmetic3A_300 = vector.broadcast %shift_right_arithmetic3A_299 : i32 to vector<16xi32>
          %shift_right_arithmetic3A_301 = arith.shrsi %add3A_291, %shift_right_arithmetic3A_300 : vector<16xi32>
          %and3A_302 = arith.constant 127 : i32
          %and3A_303 = vector.broadcast %and3A_302 : i32 to vector<16xi32>
          %and3A_304 = arith.andi %add3A_291, %and3A_303 : vector<16xi32>
          %gather3A_305 = tpu.vector_load_idx %arg5[%shift_right_arithmetic3A_301, %and3A_304] : memref<64x128xf32, #tpu.memory_space<vmem>>[vector<16xi32>, vector<16xi32>], vector<16xf32>,
          %scatter3A = arith.constant 0 : i32
          %scatter3A_306 = arith.constant 0 : i32
          %scatter3A_307 = tpu.memref_slice %run_scoped3A_13[%rem3A_199, %scatter3A, %scatter3A_306] : memref<2x8x1024xf32, #tpu.memory_space<vmem>> -> memref<1x8x1024xf32, #tpu.memory_space<vmem>>
          %scatter3A_308 = tpu.memref_squeeze %scatter3A_307 : memref<1x8x1024xf32, #tpu.memory_space<vmem>> -> memref<8x1024xf32, #tpu.memory_space<vmem>>
          tpu.vector_store_idx %scatter3A_308[%and3A_3, %add3A_272], %gather3A_298 : memref<8x1024xf32, #tpu.memory_space<vmem>>[vector<16xi32>, vector<16xi32>], vector<16xf32>,
          %scatter3A_309 = arith.constant 0 : i32
          %scatter3A_310 = arith.constant 0 : i32
          %scatter3A_311 = tpu.memref_slice %run_scoped3A_13[%rem3A_199, %scatter3A_309, %scatter3A_310] : memref<2x8x1024xf32, #tpu.memory_space<vmem>> -> memref<1x8x1024xf32, #tpu.memory_space<vmem>>
          %scatter3A_312 = tpu.memref_squeeze %scatter3A_311 : memref<1x8x1024xf32, #tpu.memory_space<vmem>> -> memref<8x1024xf32, #tpu.memory_space<vmem>>
          tpu.vector_store_idx %scatter3A_312[%and3A_3, %add3A_275], %gather3A_305 : memref<8x1024xf32, #tpu.memory_space<vmem>>[vector<16xi32>, vector<16xi32>], vector<16xf32>,
        }
        %scan3A_204 = arith.constant 256 : i32
        "tpu.trace_stop"() : () -> ()
        %ne3A_205 = arith.cmpi ne, %add3A_136, %add3A_154 : i32
        %or3A_206 = arith.constant false
        %or3A_207 = arith.ori %or3A_206, %ne3A_205 : i1
        %or3A_208 = arith.ori %or3A_207, %eq3A_135 : i1
        %convert_element_type3A_209 = arith.extui %or3A_208 : i1 to i32
        %cond3A_210 = arith.constant 0 : i32
        %cond3A_211 = arith.cmpi ne, %convert_element_type3A_209, %cond3A_210 : i32
        scf.if %cond3A_211 {
        } else {
        }
        %and3A_212 = arith.constant false
        %and3A_213 = arith.andi %or3A_208, %and3A_212 : i1
        %ne3A_214 = arith.cmpi ne, %add3A_136, %add3A_154 : i32
        %or3A_215 = arith.constant false
        %or3A_216 = arith.ori %or3A_215, %ne3A_214 : i1
        %or3A_217 = arith.ori %or3A_216, %eq3A_135 : i1
        %convert_element_type3A_218 = arith.extui %or3A_217 : i1 to i32
        %cond3A_219 = arith.constant 0 : i32
        %cond3A_220 = arith.cmpi ne, %convert_element_type3A_218, %cond3A_219 : i32
        scf.if %cond3A_220 {
          "tpu.trace_start"() <{level = 10 : i32, message = "ep_copy_out"}> : () -> ()
          %rem3A_266 = arith.constant 2 : i32
          %rem3A_267 = arith.remui %scan3A_129, %rem3A_266 : i32
          %mul3A_268 = arith.constant 1024 : i32
          %mul3A_269 = arith.muli %mul3A_268, %add3A_136 : i32
          %dma_start3A_270 = arith.constant 0 : i32
          %dma_start3A_271 = arith.constant 0 : i32
          %dma_start3A_272 = tpu.memref_slice %run_scoped3A_13[%rem3A_267, %dma_start3A_270, %dma_start3A_271] : memref<2x8x1024xf32, #tpu.memory_space<vmem>> -> memref<1x8x1024xf32, #tpu.memory_space<vmem>>
          %dma_start3A_273 = tpu.memref_squeeze %dma_start3A_272 : memref<1x8x1024xf32, #tpu.memory_space<vmem>> -> memref<8x1024xf32, #tpu.memory_space<vmem>>
          %dma_start3A_274 = arith.constant 0 : i32
          %dma_start3A_275 = tpu.memref_slice %arg4[%dma_start3A_274, %mul3A_269] : memref<8x425984xf32, #tpu.memory_space<hbm>> -> memref<8x1024xf32, #tpu.memory_space<hbm>>
          %dma_start3A_276 = tpu.memref_slice %run_scoped3A_14[%rem3A_267] : memref<2x!tpu.dma_semaphore, #tpu.memory_space<semaphore_mem>> -> memref<1x!tpu.dma_semaphore, #tpu.memory_space<semaphore_mem>>
          %dma_start3A_277 = tpu.memref_squeeze %dma_start3A_276 : memref<1x!tpu.dma_semaphore, #tpu.memory_space<semaphore_mem>> -> memref<!tpu.dma_semaphore, #tpu.memory_space<semaphore_mem>>
          %dma_start3A_278 = arith.constant 0 : i32
          %dma_start3A_279 = tpu.memref_slice %arg4[%dma_start3A_278, %mul3A_269] : memref<8x425984xf32, #tpu.memory_space<hbm>> -> memref<8x1024xf32, #tpu.memory_space<hbm>>
          %dma_start3A_280 = arith.constant 0 : i32
          %dma_start3A_281 = arith.constant 0 : i32
          %dma_start3A_282 = tpu.memref_slice %run_scoped3A_13[%rem3A_267, %dma_start3A_280, %dma_start3A_281] : memref<2x8x1024xf32, #tpu.memory_space<vmem>> -> memref<1x8x1024xf32, #tpu.memory_space<vmem>>
          %dma_start3A_283 = tpu.memref_squeeze %dma_start3A_282 : memref<1x8x1024xf32, #tpu.memory_space<vmem>> -> memref<8x1024xf32, #tpu.memory_space<vmem>>
          tpu.enqueue_dma source(%dma_start3A_283 : memref<8x1024xf32, #tpu.memory_space<vmem>>) target(%dma_start3A_279 : memref<8x1024xf32, #tpu.memory_space<hbm>>) target_semaphore(%dma_start3A_277 : memref<!tpu.dma_semaphore, #tpu.memory_space<semaphore_mem>>)
          "tpu.trace_stop"() : () -> ()
        } else {
        }
        %and3A_221 = arith.constant true
        %and3A_222 = arith.andi %or3A_217, %and3A_221 : i1
        %add3A_223 = arith.constant 1 : i32
        %add3A_224 = arith.addi %scan3A_129, %add3A_223 : i32
        %select_n3A_225 = arith.select %and3A_222, %add3A_224, %scan3A_129 : i32
        %ne3A_226 = arith.cmpi ne, %add3A_136, %add3A_145 : i32
        %or3A_227 = arith.constant false
        %or3A_228 = arith.ori %or3A_227, %ne3A_226 : i1
        %not3A_229 = arith.constant true
        %not3A_230 = arith.xori %eq3A_133, %not3A_229 : i1
        %and3A_231 = arith.andi %or3A_228, %not3A_230 : i1
        %convert_element_type3A_232 = arith.extui %and3A_231 : i1 to i32
        %cond3A_233 = arith.constant 0 : i32
        %cond3A_234 = arith.cmpi ne, %convert_element_type3A_232, %cond3A_233 : i32
        scf.if %cond3A_234 {
        } else {
        }
        %and3A_235 = arith.constant false
        %and3A_236 = arith.andi %and3A_231, %and3A_235 : i1
        %ne3A_237 = arith.cmpi ne, %add3A_136, %add3A_145 : i32
        %or3A_238 = arith.constant false
        %or3A_239 = arith.ori %or3A_238, %ne3A_237 : i1
        %not3A_240 = arith.constant true
        %not3A_241 = arith.xori %eq3A_133, %not3A_240 : i1
        %and3A_242 = arith.andi %or3A_239, %not3A_241 : i1
        %convert_element_type3A_243 = arith.extui %and3A_242 : i1 to i32
        %cond3A_244 = arith.constant 0 : i32
        %cond3A_245 = arith.cmpi ne, %convert_element_type3A_243, %cond3A_244 : i32
        scf.if %cond3A_245 {
          "tpu.trace_start"() <{level = 10 : i32, message = "ep_wait_out"}> : () -> ()
          %rem3A_266 = arith.constant 2 : i32
          %rem3A_267 = arith.remui %scan3A_130, %rem3A_266 : i32
          %mul3A_268 = arith.constant 1024 : i32
          %mul3A_269 = arith.muli %mul3A_268, %add3A_145 : i32
          %dma_wait3A_270 = arith.constant 0 : i32
          %dma_wait3A_271 = arith.constant 0 : i32
          %dma_wait3A_272 = tpu.memref_slice %run_scoped3A_13[%rem3A_267, %dma_wait3A_270, %dma_wait3A_271] : memref<2x8x1024xf32, #tpu.memory_space<vmem>> -> memref<1x8x1024xf32, #tpu.memory_space<vmem>>
          %dma_wait3A_273 = tpu.memref_squeeze %dma_wait3A_272 : memref<1x8x1024xf32, #tpu.memory_space<vmem>> -> memref<8x1024xf32, #tpu.memory_space<vmem>>
          %dma_wait3A_274 = arith.constant 0 : i32
          %dma_wait3A_275 = tpu.memref_slice %arg4[%dma_wait3A_274, %mul3A_269] : memref<8x425984xf32, #tpu.memory_space<hbm>> -> memref<8x1024xf32, #tpu.memory_space<hbm>>
          %dma_wait3A_276 = tpu.memref_slice %run_scoped3A_14[%rem3A_267] : memref<2x!tpu.dma_semaphore, #tpu.memory_space<semaphore_mem>> -> memref<1x!tpu.dma_semaphore, #tpu.memory_space<semaphore_mem>>
          %dma_wait3A_277 = tpu.memref_squeeze %dma_wait3A_276 : memref<1x!tpu.dma_semaphore, #tpu.memory_space<semaphore_mem>> -> memref<!tpu.dma_semaphore, #tpu.memory_space<semaphore_mem>>
          %dma_wait3A_278 = arith.constant 0 : i32
          %dma_wait3A_279 = tpu.memref_slice %arg4[%dma_wait3A_278, %mul3A_269] : memref<8x425984xf32, #tpu.memory_space<hbm>> -> memref<8x1024xf32, #tpu.memory_space<hbm>>
          %dma_wait3A_280 = arith.constant 0 : i32
          %dma_wait3A_281 = arith.constant 0 : i32
          %dma_wait3A_282 = tpu.memref_slice %run_scoped3A_13[%rem3A_267, %dma_wait3A_280, %dma_wait3A_281] : memref<2x8x1024xf32, #tpu.memory_space<vmem>> -> memref<1x8x1024xf32, #tpu.memory_space<vmem>>
          %dma_wait3A_283 = tpu.memref_squeeze %dma_wait3A_282 : memref<1x8x1024xf32, #tpu.memory_space<vmem>> -> memref<8x1024xf32, #tpu.memory_space<vmem>>
          tpu.wait_dma2 semaphore(%dma_wait3A_277 : memref<!tpu.dma_semaphore, #tpu.memory_space<semaphore_mem>>) src(%dma_wait3A_283 : memref<8x1024xf32, #tpu.memory_space<vmem>>) dst(%dma_wait3A_279 : memref<8x1024xf32, #tpu.memory_space<hbm>>)
          "tpu.trace_stop"() : () -> ()
        } else {
        }
        %and3A_246 = arith.constant true
        %and3A_247 = arith.andi %and3A_242, %and3A_246 : i1
        %add3A_248 = arith.constant 1 : i32
        %add3A_249 = arith.addi %scan3A_130, %add3A_248 : i32
        %select_n3A_250 = arith.select %and3A_247, %add3A_249, %scan3A_130 : i32
        %ne3A_251 = arith.cmpi ne, %add3A_136, %add3A_154 : i32
        %or3A_252 = arith.constant false
        %or3A_253 = arith.ori %or3A_252, %ne3A_251 : i1
        %or3A_254 = arith.ori %or3A_253, %eq3A_135 : i1
        %add3A_255 = arith.constant 1 : i32
        %add3A_256 = arith.addi %scan3A_128, %add3A_255 : i32
        %select_n3A_257 = arith.select %or3A_254, %add3A_256, %scan3A_128 : i32
        %add3A_258 = arith.constant 1 : i32
        %add3A_259 = arith.addi %scan3A_131, %add3A_258 : i32
        %select_n3A_260 = arith.constant true
        %select_n3A_261 = arith.select %select_n3A_260, %add3A_259, %scan3A_131 : i32
        %eq3A_262 = arith.constant 13 : i32
        %eq3A_263 = arith.cmpi eq, %select_n3A_261, %eq3A_262 : i32
        %select_n3A_264 = arith.constant 0 : i32
        %select_n3A_265 = arith.select %eq3A_263, %select_n3A_264, %select_n3A_261 : i32
        scf.yield %select_n3A_173, %select_n3A_257, %select_n3A_225, %select_n3A_250, %select_n3A_265 : i32, i32, i32, i32, i32
      }
      %scan3A_73 = arith.constant 13 : i32
      %sub3A = arith.constant 1 : i32
      %sub3A_74 = arith.subi %scan3A_72#4, %sub3A : i32
      %select_n3A_75 = arith.constant true
      %select_n3A_76 = arith.select %select_n3A_75, %sub3A_74, %scan3A_72#4 : i32
      %eq3A_77 = arith.constant -1 : i32
      %eq3A_78 = arith.cmpi eq, %select_n3A_76, %eq3A_77 : i32
      %select_n3A_79 = arith.constant 12 : i32
      %select_n3A_80 = arith.select %eq3A_78, %select_n3A_79, %select_n3A_76 : i32
      %add3A_81 = arith.addi %select_n3A_80, %mul3A_11 : i32
      %sub3A_82 = arith.constant 1 : i32
      %sub3A_83 = arith.subi %select_n3A_80, %sub3A_82 : i32
      %select_n3A_84 = arith.constant true
      %select_n3A_85 = arith.select %select_n3A_84, %sub3A_83, %select_n3A_80 : i32
      %eq3A_86 = arith.constant -1 : i32
      %eq3A_87 = arith.cmpi eq, %select_n3A_85, %eq3A_86 : i32
      %select_n3A_88 = arith.constant 12 : i32
      %select_n3A_89 = arith.select %eq3A_87, %select_n3A_88, %select_n3A_85 : i32
      %add3A_90 = arith.addi %select_n3A_89, %mul3A_11 : i32
      %add3A_91 = arith.constant 1 : i32
      %add3A_92 = arith.addi %select_n3A_80, %add3A_91 : i32
      %select_n3A_93 = arith.constant true
      %select_n3A_94 = arith.select %select_n3A_93, %add3A_92, %select_n3A_80 : i32
      %eq3A_95 = arith.constant 13 : i32
      %eq3A_96 = arith.cmpi eq, %select_n3A_94, %eq3A_95 : i32
      %select_n3A_97 = arith.constant 0 : i32
      %select_n3A_98 = arith.select %eq3A_96, %select_n3A_97, %select_n3A_94 : i32
      %add3A_99 = arith.addi %select_n3A_98, %mul3A_11 : i32
      %add3A_100 = arith.constant 1 : i32
      %add3A_101 = arith.addi %select_n3A_98, %add3A_100 : i32
      %select_n3A_102 = arith.constant true
      %select_n3A_103 = arith.select %select_n3A_102, %add3A_101, %select_n3A_98 : i32
      %eq3A_104 = arith.constant 13 : i32
      %eq3A_105 = arith.cmpi eq, %select_n3A_103, %eq3A_104 : i32
      %select_n3A_106 = arith.constant 0 : i32
      %select_n3A_107 = arith.select %eq3A_105, %select_n3A_106, %select_n3A_103 : i32
      %add3A_108 = arith.addi %select_n3A_107, %mul3A_11 : i32
      "tpu.trace_start"() <{level = 10 : i32, message = "ep_finalize"}> : () -> ()
      %rem3A_109 = arith.constant 2 : i32
      %rem3A_110 = arith.remui %scan3A_72#3, %rem3A_109 : i32
      %mul3A_111 = arith.constant 1024 : i32
      %mul3A_112 = arith.muli %mul3A_111, %add3A_81 : i32
      %dma_wait3A = arith.constant 0 : i32
      %dma_wait3A_113 = arith.constant 0 : i32
      %dma_wait3A_114 = tpu.memref_slice %run_scoped3A_13[%rem3A_110, %dma_wait3A, %dma_wait3A_113] : memref<2x8x1024xf32, #tpu.memory_space<vmem>> -> memref<1x8x1024xf32, #tpu.memory_space<vmem>>
      %dma_wait3A_115 = tpu.memref_squeeze %dma_wait3A_114 : memref<1x8x1024xf32, #tpu.memory_space<vmem>> -> memref<8x1024xf32, #tpu.memory_space<vmem>>
      %dma_wait3A_116 = arith.constant 0 : i32
      %dma_wait3A_117 = tpu.memref_slice %arg4[%dma_wait3A_116, %mul3A_112] : memref<8x425984xf32, #tpu.memory_space<hbm>> -> memref<8x1024xf32, #tpu.memory_space<hbm>>
      %dma_wait3A_118 = tpu.memref_slice %run_scoped3A_14[%rem3A_110] : memref<2x!tpu.dma_semaphore, #tpu.memory_space<semaphore_mem>> -> memref<1x!tpu.dma_semaphore, #tpu.memory_space<semaphore_mem>>
      %dma_wait3A_119 = tpu.memref_squeeze %dma_wait3A_118 : memref<1x!tpu.dma_semaphore, #tpu.memory_space<semaphore_mem>> -> memref<!tpu.dma_semaphore, #tpu.memory_space<semaphore_mem>>
      %dma_wait3A_120 = arith.constant 0 : i32
      %dma_wait3A_121 = tpu.memref_slice %arg4[%dma_wait3A_120, %mul3A_112] : memref<8x425984xf32, #tpu.memory_space<hbm>> -> memref<8x1024xf32, #tpu.memory_space<hbm>>
      %dma_wait3A_122 = arith.constant 0 : i32
      %dma_wait3A_123 = arith.constant 0 : i32
      %dma_wait3A_124 = tpu.memref_slice %run_scoped3A_13[%rem3A_110, %dma_wait3A_122, %dma_wait3A_123] : memref<2x8x1024xf32, #tpu.memory_space<vmem>> -> memref<1x8x1024xf32, #tpu.memory_space<vmem>>
      %dma_wait3A_125 = tpu.memref_squeeze %dma_wait3A_124 : memref<1x8x1024xf32, #tpu.memory_space<vmem>> -> memref<8x1024xf32, #tpu.memory_space<vmem>>
      tpu.wait_dma2 semaphore(%dma_wait3A_119 : memref<!tpu.dma_semaphore, #tpu.memory_space<semaphore_mem>>) src(%dma_wait3A_125 : memref<8x1024xf32, #tpu.memory_space<vmem>>) dst(%dma_wait3A_121 : memref<8x1024xf32, #tpu.memory_space<hbm>>)
      "tpu.trace_stop"() : () -> ()
      tpu.yield
    }) : () -> ()
    return
  }
}

#map = affine_map<(d0, d1) -> (0, 0)>
module attributes {stable_mosaic.version = 14 : i64} {
  func.func @gather_kernel(%arg0: i32, %arg1: i32, %arg2: memref<64x128xf32, #tpu.memory_space<hbm>>, %arg3: memref<1x327680xi32, #tpu.memory_space<hbm>>, %arg4: memref<8x327680xf32, #tpu.memory_space<hbm>>, %arg5: memref<64x128xf32, #tpu.memory_space<vmem>>) attributes {dimension_semantics = [#tpu.dimension_semantics<core_parallel>, #tpu.dimension_semantics<subcore_parallel>], iteration_bounds = array<i64: 2, 16>, scalar_prefetch = 0 : i64, scratch_operands = 1 : i64, tpu.core_type = #tpu.core_type<sc_vector_subcore>, window_params = [{transform_indices = #map}, {transform_indices = #map}, {transform_indices = #map}]} {
    "tpu.region"() ({
      %run_scoped3A = tpu.sem_alloc : memref<!tpu.dma_semaphore, #tpu.memory_space<semaphore_mem>>
      tpu.enqueue_dma source(%arg2 : memref<64x128xf32, #tpu.memory_space<hbm>>) target(%arg5 : memref<64x128xf32, #tpu.memory_space<vmem>>) target_semaphore(%run_scoped3A : memref<!tpu.dma_semaphore, #tpu.memory_space<semaphore_mem>>)
      tpu.wait_dma2 semaphore(%run_scoped3A : memref<!tpu.dma_semaphore, #tpu.memory_space<semaphore_mem>>) src(%arg2 : memref<64x128xf32, #tpu.memory_space<hbm>>) dst(%arg5 : memref<64x128xf32, #tpu.memory_space<vmem>>)
      tpu.yield
    }) : () -> ()
    %iota3A = tpu.iota {dimensions = array<i32: 0>} : vector<16xi32>
    %shift_right_arithmetic3A = arith.constant 3 : i32
    %shift_right_arithmetic3A_0 = vector.broadcast %shift_right_arithmetic3A : i32 to vector<16xi32>
    %shift_right_arithmetic3A_1 = arith.shrsi %iota3A, %shift_right_arithmetic3A_0 : vector<16xi32>
    %and3A = arith.constant 7 : i32
    %and3A_2 = vector.broadcast %and3A : i32 to vector<16xi32>
    %and3A_3 = arith.andi %iota3A, %and3A_2 : vector<16xi32>
    %broadcast_in_dim3A = arith.constant 0 : i32
    %broadcast_in_dim3A_4 = vector.broadcast %broadcast_in_dim3A : i32 to vector<16xi32>
    %mul3A = arith.constant 1 : i32
    %mul3A_5 = arith.muli %arg1, %mul3A : i32
    %add3A = arith.constant 0 : i32
    %add3A_6 = arith.addi %add3A, %mul3A_5 : i32
    %mul3A_7 = arith.constant 16 : i32
    %mul3A_8 = arith.muli %arg0, %mul3A_7 : i32
    %add3A_9 = arith.addi %add3A_6, %mul3A_8 : i32
    %mul3A_10 = arith.constant 10 : i32
    %mul3A_11 = arith.muli %add3A_9, %mul3A_10 : i32
    "tpu.region"() ({
      %run_scoped3A = memref.alloca() : memref<2x1x1024xi32, #tpu.memory_space<vmem>>
      %run_scoped3A_12 = tpu.sem_alloc : memref<2x!tpu.dma_semaphore, #tpu.memory_space<semaphore_mem>>
      %run_scoped3A_13 = memref.alloca() : memref<2x8x1024xf32, #tpu.memory_space<vmem>>
      %run_scoped3A_14 = tpu.sem_alloc : memref<2x!tpu.dma_semaphore, #tpu.memory_space<semaphore_mem>>
      %add3A_15 = arith.constant 0 : i32
      %add3A_16 = arith.addi %add3A_15, %mul3A_11 : i32
      %select_n3A = arith.constant true
      %select_n3A_17 = arith.constant 0 : i32
      %select_n3A_18 = arith.constant -1 : i32
      %select_n3A_19 = arith.select %select_n3A, %select_n3A_18, %select_n3A_17 : i32
      %eq3A = arith.constant -1 : i32
      %eq3A_20 = arith.cmpi eq, %select_n3A_19, %eq3A : i32
      %select_n3A_21 = arith.constant 9 : i32
      %select_n3A_22 = arith.select %eq3A_20, %select_n3A_21, %select_n3A_19 : i32
      %add3A_23 = arith.addi %select_n3A_22, %mul3A_11 : i32
      %select_n3A_24 = arith.constant true
      %select_n3A_25 = arith.constant 0 : i32
      %select_n3A_26 = arith.constant 1 : i32
      %select_n3A_27 = arith.select %select_n3A_24, %select_n3A_26, %select_n3A_25 : i32
      %eq3A_28 = arith.constant 10 : i32
      %eq3A_29 = arith.cmpi eq, %select_n3A_27, %eq3A_28 : i32
      %select_n3A_30 = arith.constant 0 : i32
      %select_n3A_31 = arith.select %eq3A_29, %select_n3A_30, %select_n3A_27 : i32
      %add3A_32 = arith.addi %select_n3A_31, %mul3A_11 : i32
      %add3A_33 = arith.constant 1 : i32
      %add3A_34 = arith.addi %select_n3A_31, %add3A_33 : i32
      %select_n3A_35 = arith.constant true
      %select_n3A_36 = arith.select %select_n3A_35, %add3A_34, %select_n3A_31 : i32
      %eq3A_37 = arith.constant 10 : i32
      %eq3A_38 = arith.cmpi eq, %select_n3A_36, %eq3A_37 : i32
      %select_n3A_39 = arith.constant 0 : i32
      %select_n3A_40 = arith.select %eq3A_38, %select_n3A_39, %select_n3A_36 : i32
      %add3A_41 = arith.addi %select_n3A_40, %mul3A_11 : i32
      "tpu.trace_start"() <{level = 10 : i32, message = "ep_initialize_0"}> : () -> ()
      %rem3A = arith.constant 0 : i32
      %rem3A_42 = arith.constant 2 : i32
      %rem3A_43 = arith.remui %rem3A, %rem3A_42 : i32
      %mul3A_44 = arith.constant 1024 : i32
      %mul3A_45 = arith.muli %mul3A_44, %add3A_16 : i32
      %dma_start3A = arith.constant 0 : i32
      %dma_start3A_46 = arith.constant 0 : i32
      %dma_start3A_47 = tpu.memref_slice %run_scoped3A[%rem3A_43, %dma_start3A, %dma_start3A_46] : memref<2x1x1024xi32, #tpu.memory_space<vmem>> -> memref<1x1x1024xi32, #tpu.memory_space<vmem>>
      %dma_start3A_48 = tpu.memref_squeeze %dma_start3A_47 : memref<1x1x1024xi32, #tpu.memory_space<vmem>> -> memref<1x1024xi32, #tpu.memory_space<vmem>>
      %dma_start3A_49 = arith.constant 0 : i32
      %dma_start3A_50 = tpu.memref_slice %arg3[%dma_start3A_49, %mul3A_45] : memref<1x327680xi32, #tpu.memory_space<hbm>> -> memref<1x1024xi32, #tpu.memory_space<hbm>>
      %dma_start3A_51 = tpu.memref_slice %run_scoped3A_12[%rem3A_43] : memref<2x!tpu.dma_semaphore, #tpu.memory_space<semaphore_mem>> -> memref<1x!tpu.dma_semaphore, #tpu.memory_space<semaphore_mem>>
      %dma_start3A_52 = tpu.memref_squeeze %dma_start3A_51 : memref<1x!tpu.dma_semaphore, #tpu.memory_space<semaphore_mem>> -> memref<!tpu.dma_semaphore, #tpu.memory_space<semaphore_mem>>
      %dma_start3A_53 = arith.constant 0 : i32
      %dma_start3A_54 = arith.constant 0 : i32
      %dma_start3A_55 = tpu.memref_slice %run_scoped3A[%rem3A_43, %dma_start3A_53, %dma_start3A_54] : memref<2x1x1024xi32, #tpu.memory_space<vmem>> -> memref<1x1x1024xi32, #tpu.memory_space<vmem>>
      %dma_start3A_56 = tpu.memref_squeeze %dma_start3A_55 : memref<1x1x1024xi32, #tpu.memory_space<vmem>> -> memref<1x1024xi32, #tpu.memory_space<vmem>>
      %dma_start3A_57 = arith.constant 0 : i32
      %dma_start3A_58 = tpu.memref_slice %arg3[%dma_start3A_57, %mul3A_45] : memref<1x327680xi32, #tpu.memory_space<hbm>> -> memref<1x1024xi32, #tpu.memory_space<hbm>>
      tpu.enqueue_dma source(%dma_start3A_58 : memref<1x1024xi32, #tpu.memory_space<hbm>>) target(%dma_start3A_56 : memref<1x1024xi32, #tpu.memory_space<vmem>>) target_semaphore(%dma_start3A_52 : memref<!tpu.dma_semaphore, #tpu.memory_space<semaphore_mem>>)
      %add3A_59 = arith.constant 0 : i32
      %add3A_60 = arith.constant 1 : i32
      %add3A_61 = arith.addi %add3A_59, %add3A_60 : i32
      %select_n3A_62 = arith.constant true
      %select_n3A_63 = arith.constant 0 : i32
      %select_n3A_64 = arith.select %select_n3A_62, %add3A_61, %select_n3A_63 : i32
      "tpu.trace_stop"() : () -> ()
      %scan3A = arith.constant 0 : i32
      %scan3A_65 = arith.constant 0 : i32
      %scan3A_66 = arith.constant 0 : i32
      %scan3A_67 = arith.constant 0 : i32
      %scan3A_68 = arith.constant 0 : i32
      %scan3A_69 = arith.constant 10 : i32
      %scan3A_70 = arith.addi %scan3A_68, %scan3A_69 : i32
      %scan3A_71 = arith.constant 1 : i32
      %scan3A_72:5 = scf.for %scan3A_126 = %scan3A_68 to %scan3A_70 step %scan3A_71 iter_args(%scan3A_127 = %select_n3A_64, %scan3A_128 = %scan3A, %scan3A_129 = %scan3A_65, %scan3A_130 = %scan3A_66, %scan3A_131 = %scan3A_67) -> (i32, i32, i32, i32, i32)  : i32 {
        %eq3A_132 = arith.constant 0 : i32
        %eq3A_133 = arith.cmpi eq, %scan3A_126, %eq3A_132 : i32
        %eq3A_134 = arith.constant 9 : i32
        %eq3A_135 = arith.cmpi eq, %scan3A_126, %eq3A_134 : i32
        %add3A_136 = arith.addi %scan3A_131, %mul3A_11 : i32
        %sub3A_137 = arith.constant 1 : i32
        %sub3A_138 = arith.subi %scan3A_131, %sub3A_137 : i32
        %select_n3A_139 = arith.constant true
        %select_n3A_140 = arith.select %select_n3A_139, %sub3A_138, %scan3A_131 : i32
        %eq3A_141 = arith.constant -1 : i32
        %eq3A_142 = arith.cmpi eq, %select_n3A_140, %eq3A_141 : i32
        %select_n3A_143 = arith.constant 9 : i32
        %select_n3A_144 = arith.select %eq3A_142, %select_n3A_143, %select_n3A_140 : i32
        %add3A_145 = arith.addi %select_n3A_144, %mul3A_11 : i32
        %add3A_146 = arith.constant 1 : i32
        %add3A_147 = arith.addi %scan3A_131, %add3A_146 : i32
        %select_n3A_148 = arith.constant true
        %select_n3A_149 = arith.select %select_n3A_148, %add3A_147, %scan3A_131 : i32
        %eq3A_150 = arith.constant 10 : i32
        %eq3A_151 = arith.cmpi eq, %select_n3A_149, %eq3A_150 : i32
        %select_n3A_152 = arith.constant 0 : i32
        %select_n3A_153 = arith.select %eq3A_151, %select_n3A_152, %select_n3A_149 : i32
        %add3A_154 = arith.addi %select_n3A_153, %mul3A_11 : i32
        %add3A_155 = arith.constant 1 : i32
        %add3A_156 = arith.addi %select_n3A_153, %add3A_155 : i32
        %select_n3A_157 = arith.constant true
        %select_n3A_158 = arith.select %select_n3A_157, %add3A_156, %select_n3A_153 : i32
        %eq3A_159 = arith.constant 10 : i32
        %eq3A_160 = arith.cmpi eq, %select_n3A_158, %eq3A_159 : i32
        %select_n3A_161 = arith.constant 0 : i32
        %select_n3A_162 = arith.select %eq3A_160, %select_n3A_161, %select_n3A_158 : i32
        %add3A_163 = arith.addi %select_n3A_162, %mul3A_11 : i32
        %ne3A = arith.cmpi ne, %add3A_136, %add3A_154 : i32
        %or3A = arith.constant false
        %or3A_164 = arith.ori %or3A, %ne3A : i1
        %ge3A = arith.constant 9 : i32
        %ge3A_165 = arith.cmpi sge, %scan3A_126, %ge3A : i32
        %not3A = arith.constant true
        %not3A_166 = arith.xori %ge3A_165, %not3A : i1
        %and3A_167 = arith.andi %or3A_164, %not3A_166 : i1
        %convert_element_type3A = arith.extui %and3A_167 : i1 to i32
        %cond3A = arith.constant 0 : i32
        %cond3A_168 = arith.cmpi ne, %convert_element_type3A, %cond3A : i32
        scf.if %cond3A_168 {
          "tpu.trace_start"() <{level = 10 : i32, message = "ep_copy_in"}> : () -> ()
          %rem3A_266 = arith.constant 2 : i32
          %rem3A_267 = arith.remui %scan3A_127, %rem3A_266 : i32
          %mul3A_268 = arith.constant 1024 : i32
          %mul3A_269 = arith.muli %mul3A_268, %add3A_154 : i32
          %dma_start3A_270 = arith.constant 0 : i32
          %dma_start3A_271 = arith.constant 0 : i32
          %dma_start3A_272 = tpu.memref_slice %run_scoped3A[%rem3A_267, %dma_start3A_270, %dma_start3A_271] : memref<2x1x1024xi32, #tpu.memory_space<vmem>> -> memref<1x1x1024xi32, #tpu.memory_space<vmem>>
          %dma_start3A_273 = tpu.memref_squeeze %dma_start3A_272 : memref<1x1x1024xi32, #tpu.memory_space<vmem>> -> memref<1x1024xi32, #tpu.memory_space<vmem>>
          %dma_start3A_274 = arith.constant 0 : i32
          %dma_start3A_275 = tpu.memref_slice %arg3[%dma_start3A_274, %mul3A_269] : memref<1x327680xi32, #tpu.memory_space<hbm>> -> memref<1x1024xi32, #tpu.memory_space<hbm>>
          %dma_start3A_276 = tpu.memref_slice %run_scoped3A_12[%rem3A_267] : memref<2x!tpu.dma_semaphore, #tpu.memory_space<semaphore_mem>> -> memref<1x!tpu.dma_semaphore, #tpu.memory_space<semaphore_mem>>
          %dma_start3A_277 = tpu.memref_squeeze %dma_start3A_276 : memref<1x!tpu.dma_semaphore, #tpu.memory_space<semaphore_mem>> -> memref<!tpu.dma_semaphore, #tpu.memory_space<semaphore_mem>>
          %dma_start3A_278 = arith.constant 0 : i32
          %dma_start3A_279 = arith.constant 0 : i32
          %dma_start3A_280 = tpu.memref_slice %run_scoped3A[%rem3A_267, %dma_start3A_278, %dma_start3A_279] : memref<2x1x1024xi32, #tpu.memory_space<vmem>> -> memref<1x1x1024xi32, #tpu.memory_space<vmem>>
          %dma_start3A_281 = tpu.memref_squeeze %dma_start3A_280 : memref<1x1x1024xi32, #tpu.memory_space<vmem>> -> memref<1x1024xi32, #tpu.memory_space<vmem>>
          %dma_start3A_282 = arith.constant 0 : i32
          %dma_start3A_283 = tpu.memref_slice %arg3[%dma_start3A_282, %mul3A_269] : memref<1x327680xi32, #tpu.memory_space<hbm>> -> memref<1x1024xi32, #tpu.memory_space<hbm>>
          tpu.enqueue_dma source(%dma_start3A_283 : memref<1x1024xi32, #tpu.memory_space<hbm>>) target(%dma_start3A_281 : memref<1x1024xi32, #tpu.memory_space<vmem>>) target_semaphore(%dma_start3A_277 : memref<!tpu.dma_semaphore, #tpu.memory_space<semaphore_mem>>)
          "tpu.trace_stop"() : () -> ()
        } else {
        }
        %and3A_169 = arith.constant true
        %and3A_170 = arith.andi %and3A_167, %and3A_169 : i1
        %add3A_171 = arith.constant 1 : i32
        %add3A_172 = arith.addi %scan3A_127, %add3A_171 : i32
        %select_n3A_173 = arith.select %and3A_170, %add3A_172, %scan3A_127 : i32
        %ne3A_174 = arith.cmpi ne, %add3A_136, %add3A_154 : i32
        %or3A_175 = arith.constant false
        %or3A_176 = arith.ori %or3A_175, %ne3A_174 : i1
        %ge3A_177 = arith.constant 9 : i32
        %ge3A_178 = arith.cmpi sge, %scan3A_126, %ge3A_177 : i32
        %not3A_179 = arith.constant true
        %not3A_180 = arith.xori %ge3A_178, %not3A_179 : i1
        %and3A_181 = arith.andi %or3A_176, %not3A_180 : i1
        %ne3A_182 = arith.cmpi ne, %add3A_136, %add3A_145 : i32
        %or3A_183 = arith.constant false
        %or3A_184 = arith.ori %or3A_183, %ne3A_182 : i1
        %or3A_185 = arith.ori %or3A_184, %eq3A_133 : i1
        %convert_element_type3A_186 = arith.extui %or3A_185 : i1 to i32
        %cond3A_187 = arith.constant 0 : i32
        %cond3A_188 = arith.cmpi ne, %convert_element_type3A_186, %cond3A_187 : i32
        scf.if %cond3A_188 {
          "tpu.trace_start"() <{level = 10 : i32, message = "ep_wait_in"}> : () -> ()
          %mul3A_266 = arith.constant 1024 : i32
          %mul3A_267 = arith.muli %mul3A_266, %add3A_136 : i32
          %rem3A_268 = arith.constant 2 : i32
          %rem3A_269 = arith.remui %scan3A_128, %rem3A_268 : i32
          %dma_wait3A_270 = arith.constant 0 : i32
          %dma_wait3A_271 = arith.constant 0 : i32
          %dma_wait3A_272 = tpu.memref_slice %run_scoped3A[%rem3A_269, %dma_wait3A_270, %dma_wait3A_271] : memref<2x1x1024xi32, #tpu.memory_space<vmem>> -> memref<1x1x1024xi32, #tpu.memory_space<vmem>>
          %dma_wait3A_273 = tpu.memref_squeeze %dma_wait3A_272 : memref<1x1x1024xi32, #tpu.memory_space<vmem>> -> memref<1x1024xi32, #tpu.memory_space<vmem>>
          %dma_wait3A_274 = arith.constant 0 : i32
          %dma_wait3A_275 = tpu.memref_slice %arg3[%dma_wait3A_274, %mul3A_267] : memref<1x327680xi32, #tpu.memory_space<hbm>> -> memref<1x1024xi32, #tpu.memory_space<hbm>>
          %dma_wait3A_276 = tpu.memref_slice %run_scoped3A_12[%rem3A_269] : memref<2x!tpu.dma_semaphore, #tpu.memory_space<semaphore_mem>> -> memref<1x!tpu.dma_semaphore, #tpu.memory_space<semaphore_mem>>
          %dma_wait3A_277 = tpu.memref_squeeze %dma_wait3A_276 : memref<1x!tpu.dma_semaphore, #tpu.memory_space<semaphore_mem>> -> memref<!tpu.dma_semaphore, #tpu.memory_space<semaphore_mem>>
          %dma_wait3A_278 = arith.constant 0 : i32
          %dma_wait3A_279 = arith.constant 0 : i32
          %dma_wait3A_280 = tpu.memref_slice %run_scoped3A[%rem3A_269, %dma_wait3A_278, %dma_wait3A_279] : memref<2x1x1024xi32, #tpu.memory_space<vmem>> -> memref<1x1x1024xi32, #tpu.memory_space<vmem>>
          %dma_wait3A_281 = tpu.memref_squeeze %dma_wait3A_280 : memref<1x1x1024xi32, #tpu.memory_space<vmem>> -> memref<1x1024xi32, #tpu.memory_space<vmem>>
          %dma_wait3A_282 = arith.constant 0 : i32
          %dma_wait3A_283 = tpu.memref_slice %arg3[%dma_wait3A_282, %mul3A_267] : memref<1x327680xi32, #tpu.memory_space<hbm>> -> memref<1x1024xi32, #tpu.memory_space<hbm>>
          tpu.wait_dma2 semaphore(%dma_wait3A_277 : memref<!tpu.dma_semaphore, #tpu.memory_space<semaphore_mem>>) src(%dma_wait3A_283 : memref<1x1024xi32, #tpu.memory_space<hbm>>) dst(%dma_wait3A_281 : memref<1x1024xi32, #tpu.memory_space<vmem>>)
          "tpu.trace_stop"() : () -> ()
        } else {
        }
        %ne3A_189 = arith.cmpi ne, %add3A_136, %add3A_145 : i32
        %or3A_190 = arith.constant false
        %or3A_191 = arith.ori %or3A_190, %ne3A_189 : i1
        %or3A_192 = arith.ori %or3A_191, %eq3A_133 : i1
        %convert_element_type3A_193 = arith.extui %or3A_192 : i1 to i32
        %cond3A_194 = arith.constant 0 : i32
        %cond3A_195 = arith.cmpi ne, %convert_element_type3A_193, %cond3A_194 : i32
        scf.if %cond3A_195 {
        } else {
        }
        %rem3A_196 = arith.constant 2 : i32
        %rem3A_197 = arith.remui %scan3A_128, %rem3A_196 : i32
        %rem3A_198 = arith.constant 2 : i32
        %rem3A_199 = arith.remui %scan3A_129, %rem3A_198 : i32
        "tpu.trace_start"() <{level = 10 : i32, message = "ep_run_kernel"}> : () -> ()
        %scan3A_200 = arith.constant 0 : i32
        %scan3A_201 = arith.constant 256 : i32
        %scan3A_202 = arith.addi %scan3A_200, %scan3A_201 : i32
        %scan3A_203 = arith.constant 1 : i32
        scf.for %scan3A_266 = %scan3A_200 to %scan3A_202 step %scan3A_203  : i32 {
          %mul3A_267 = arith.constant 4 : i32
          %mul3A_268 = arith.muli %scan3A_266, %mul3A_267 : i32
          %add3A_269 = arith.constant 0 : i32
          %add3A_270 = arith.addi %add3A_269, %mul3A_268 : i32
          %add3A_271 = vector.broadcast %add3A_270 : i32 to vector<16xi32>
          %add3A_272 = arith.addi %add3A_271, %shift_right_arithmetic3A_1 : vector<16xi32>
          %add3A_273 = arith.constant 2 : i32
          %add3A_274 = vector.broadcast %add3A_273 : i32 to vector<16xi32>
          %add3A_275 = arith.addi %add3A_272, %add3A_274 : vector<16xi32>
          %gather3A = arith.constant 0 : i32
          %gather3A_276 = arith.constant 0 : i32
          %gather3A_277 = tpu.memref_slice %run_scoped3A[%rem3A_197, %gather3A, %gather3A_276] : memref<2x1x1024xi32, #tpu.memory_space<vmem>> -> memref<1x1x1024xi32, #tpu.memory_space<vmem>>
          %gather3A_278 = tpu.memref_squeeze %gather3A_277 : memref<1x1x1024xi32, #tpu.memory_space<vmem>> -> memref<1x1024xi32, #tpu.memory_space<vmem>>
          %gather3A_279 = tpu.vector_load_idx %gather3A_278[%broadcast_in_dim3A_4, %add3A_272] : memref<1x1024xi32, #tpu.memory_space<vmem>>[vector<16xi32>, vector<16xi32>], vector<16xi32>,
          %gather3A_280 = arith.constant 0 : i32
          %gather3A_281 = arith.constant 0 : i32
          %gather3A_282 = tpu.memref_slice %run_scoped3A[%rem3A_197, %gather3A_280, %gather3A_281] : memref<2x1x1024xi32, #tpu.memory_space<vmem>> -> memref<1x1x1024xi32, #tpu.memory_space<vmem>>
          %gather3A_283 = tpu.memref_squeeze %gather3A_282 : memref<1x1x1024xi32, #tpu.memory_space<vmem>> -> memref<1x1024xi32, #tpu.memory_space<vmem>>
          %gather3A_284 = tpu.vector_load_idx %gather3A_283[%broadcast_in_dim3A_4, %add3A_275] : memref<1x1024xi32, #tpu.memory_space<vmem>>[vector<16xi32>, vector<16xi32>], vector<16xi32>,
          %shift_left3A = arith.constant 3 : i32
          %shift_left3A_285 = vector.broadcast %shift_left3A : i32 to vector<16xi32>
          %shift_left3A_286 = arith.shli %gather3A_279, %shift_left3A_285 : vector<16xi32>
          %add3A_287 = arith.addi %shift_left3A_286, %and3A_3 : vector<16xi32>
          %shift_left3A_288 = arith.constant 3 : i32
          %shift_left3A_289 = vector.broadcast %shift_left3A_288 : i32 to vector<16xi32>
          %shift_left3A_290 = arith.shli %gather3A_284, %shift_left3A_289 : vector<16xi32>
          %add3A_291 = arith.addi %shift_left3A_290, %and3A_3 : vector<16xi32>
          %shift_right_arithmetic3A_292 = arith.constant 7 : i32
          %shift_right_arithmetic3A_293 = vector.broadcast %shift_right_arithmetic3A_292 : i32 to vector<16xi32>
          %shift_right_arithmetic3A_294 = arith.shrsi %add3A_287, %shift_right_arithmetic3A_293 : vector<16xi32>
          %and3A_295 = arith.constant 127 : i32
          %and3A_296 = vector.broadcast %and3A_295 : i32 to vector<16xi32>
          %and3A_297 = arith.andi %add3A_287, %and3A_296 : vector<16xi32>
          %gather3A_298 = tpu.vector_load_idx %arg5[%shift_right_arithmetic3A_294, %and3A_297] : memref<64x128xf32, #tpu.memory_space<vmem>>[vector<16xi32>, vector<16xi32>], vector<16xf32>,
          %shift_right_arithmetic3A_299 = arith.constant 7 : i32
          %shift_right_arithmetic3A_300 = vector.broadcast %shift_right_arithmetic3A_299 : i32 to vector<16xi32>
          %shift_right_arithmetic3A_301 = arith.shrsi %add3A_291, %shift_right_arithmetic3A_300 : vector<16xi32>
          %and3A_302 = arith.constant 127 : i32
          %and3A_303 = vector.broadcast %and3A_302 : i32 to vector<16xi32>
          %and3A_304 = arith.andi %add3A_291, %and3A_303 : vector<16xi32>
          %gather3A_305 = tpu.vector_load_idx %arg5[%shift_right_arithmetic3A_301, %and3A_304] : memref<64x128xf32, #tpu.memory_space<vmem>>[vector<16xi32>, vector<16xi32>], vector<16xf32>,
          %scatter3A = arith.constant 0 : i32
          %scatter3A_306 = arith.constant 0 : i32
          %scatter3A_307 = tpu.memref_slice %run_scoped3A_13[%rem3A_199, %scatter3A, %scatter3A_306] : memref<2x8x1024xf32, #tpu.memory_space<vmem>> -> memref<1x8x1024xf32, #tpu.memory_space<vmem>>
          %scatter3A_308 = tpu.memref_squeeze %scatter3A_307 : memref<1x8x1024xf32, #tpu.memory_space<vmem>> -> memref<8x1024xf32, #tpu.memory_space<vmem>>
          tpu.vector_store_idx %scatter3A_308[%and3A_3, %add3A_272], %gather3A_298 : memref<8x1024xf32, #tpu.memory_space<vmem>>[vector<16xi32>, vector<16xi32>], vector<16xf32>,
          %scatter3A_309 = arith.constant 0 : i32
          %scatter3A_310 = arith.constant 0 : i32
          %scatter3A_311 = tpu.memref_slice %run_scoped3A_13[%rem3A_199, %scatter3A_309, %scatter3A_310] : memref<2x8x1024xf32, #tpu.memory_space<vmem>> -> memref<1x8x1024xf32, #tpu.memory_space<vmem>>
          %scatter3A_312 = tpu.memref_squeeze %scatter3A_311 : memref<1x8x1024xf32, #tpu.memory_space<vmem>> -> memref<8x1024xf32, #tpu.memory_space<vmem>>
          tpu.vector_store_idx %scatter3A_312[%and3A_3, %add3A_275], %gather3A_305 : memref<8x1024xf32, #tpu.memory_space<vmem>>[vector<16xi32>, vector<16xi32>], vector<16xf32>,
        }
        %scan3A_204 = arith.constant 256 : i32
        "tpu.trace_stop"() : () -> ()
        %ne3A_205 = arith.cmpi ne, %add3A_136, %add3A_154 : i32
        %or3A_206 = arith.constant false
        %or3A_207 = arith.ori %or3A_206, %ne3A_205 : i1
        %or3A_208 = arith.ori %or3A_207, %eq3A_135 : i1
        %convert_element_type3A_209 = arith.extui %or3A_208 : i1 to i32
        %cond3A_210 = arith.constant 0 : i32
        %cond3A_211 = arith.cmpi ne, %convert_element_type3A_209, %cond3A_210 : i32
        scf.if %cond3A_211 {
        } else {
        }
        %and3A_212 = arith.constant false
        %and3A_213 = arith.andi %or3A_208, %and3A_212 : i1
        %ne3A_214 = arith.cmpi ne, %add3A_136, %add3A_154 : i32
        %or3A_215 = arith.constant false
        %or3A_216 = arith.ori %or3A_215, %ne3A_214 : i1
        %or3A_217 = arith.ori %or3A_216, %eq3A_135 : i1
        %convert_element_type3A_218 = arith.extui %or3A_217 : i1 to i32
        %cond3A_219 = arith.constant 0 : i32
        %cond3A_220 = arith.cmpi ne, %convert_element_type3A_218, %cond3A_219 : i32
        scf.if %cond3A_220 {
          "tpu.trace_start"() <{level = 10 : i32, message = "ep_copy_out"}> : () -> ()
          %rem3A_266 = arith.constant 2 : i32
          %rem3A_267 = arith.remui %scan3A_129, %rem3A_266 : i32
          %mul3A_268 = arith.constant 1024 : i32
          %mul3A_269 = arith.muli %mul3A_268, %add3A_136 : i32
          %dma_start3A_270 = arith.constant 0 : i32
          %dma_start3A_271 = arith.constant 0 : i32
          %dma_start3A_272 = tpu.memref_slice %run_scoped3A_13[%rem3A_267, %dma_start3A_270, %dma_start3A_271] : memref<2x8x1024xf32, #tpu.memory_space<vmem>> -> memref<1x8x1024xf32, #tpu.memory_space<vmem>>
          %dma_start3A_273 = tpu.memref_squeeze %dma_start3A_272 : memref<1x8x1024xf32, #tpu.memory_space<vmem>> -> memref<8x1024xf32, #tpu.memory_space<vmem>>
          %dma_start3A_274 = arith.constant 0 : i32
          %dma_start3A_275 = tpu.memref_slice %arg4[%dma_start3A_274, %mul3A_269] : memref<8x327680xf32, #tpu.memory_space<hbm>> -> memref<8x1024xf32, #tpu.memory_space<hbm>>
          %dma_start3A_276 = tpu.memref_slice %run_scoped3A_14[%rem3A_267] : memref<2x!tpu.dma_semaphore, #tpu.memory_space<semaphore_mem>> -> memref<1x!tpu.dma_semaphore, #tpu.memory_space<semaphore_mem>>
          %dma_start3A_277 = tpu.memref_squeeze %dma_start3A_276 : memref<1x!tpu.dma_semaphore, #tpu.memory_space<semaphore_mem>> -> memref<!tpu.dma_semaphore, #tpu.memory_space<semaphore_mem>>
          %dma_start3A_278 = arith.constant 0 : i32
          %dma_start3A_279 = tpu.memref_slice %arg4[%dma_start3A_278, %mul3A_269] : memref<8x327680xf32, #tpu.memory_space<hbm>> -> memref<8x1024xf32, #tpu.memory_space<hbm>>
          %dma_start3A_280 = arith.constant 0 : i32
          %dma_start3A_281 = arith.constant 0 : i32
          %dma_start3A_282 = tpu.memref_slice %run_scoped3A_13[%rem3A_267, %dma_start3A_280, %dma_start3A_281] : memref<2x8x1024xf32, #tpu.memory_space<vmem>> -> memref<1x8x1024xf32, #tpu.memory_space<vmem>>
          %dma_start3A_283 = tpu.memref_squeeze %dma_start3A_282 : memref<1x8x1024xf32, #tpu.memory_space<vmem>> -> memref<8x1024xf32, #tpu.memory_space<vmem>>
          tpu.enqueue_dma source(%dma_start3A_283 : memref<8x1024xf32, #tpu.memory_space<vmem>>) target(%dma_start3A_279 : memref<8x1024xf32, #tpu.memory_space<hbm>>) target_semaphore(%dma_start3A_277 : memref<!tpu.dma_semaphore, #tpu.memory_space<semaphore_mem>>)
          "tpu.trace_stop"() : () -> ()
        } else {
        }
        %and3A_221 = arith.constant true
        %and3A_222 = arith.andi %or3A_217, %and3A_221 : i1
        %add3A_223 = arith.constant 1 : i32
        %add3A_224 = arith.addi %scan3A_129, %add3A_223 : i32
        %select_n3A_225 = arith.select %and3A_222, %add3A_224, %scan3A_129 : i32
        %ne3A_226 = arith.cmpi ne, %add3A_136, %add3A_145 : i32
        %or3A_227 = arith.constant false
        %or3A_228 = arith.ori %or3A_227, %ne3A_226 : i1
        %not3A_229 = arith.constant true
        %not3A_230 = arith.xori %eq3A_133, %not3A_229 : i1
        %and3A_231 = arith.andi %or3A_228, %not3A_230 : i1
        %convert_element_type3A_232 = arith.extui %and3A_231 : i1 to i32
        %cond3A_233 = arith.constant 0 : i32
        %cond3A_234 = arith.cmpi ne, %convert_element_type3A_232, %cond3A_233 : i32
        scf.if %cond3A_234 {
        } else {
        }
        %and3A_235 = arith.constant false
        %and3A_236 = arith.andi %and3A_231, %and3A_235 : i1
        %ne3A_237 = arith.cmpi ne, %add3A_136, %add3A_145 : i32
        %or3A_238 = arith.constant false
        %or3A_239 = arith.ori %or3A_238, %ne3A_237 : i1
        %not3A_240 = arith.constant true
        %not3A_241 = arith.xori %eq3A_133, %not3A_240 : i1
        %and3A_242 = arith.andi %or3A_239, %not3A_241 : i1
        %convert_element_type3A_243 = arith.extui %and3A_242 : i1 to i32
        %cond3A_244 = arith.constant 0 : i32
        %cond3A_245 = arith.cmpi ne, %convert_element_type3A_243, %cond3A_244 : i32
        scf.if %cond3A_245 {
          "tpu.trace_start"() <{level = 10 : i32, message = "ep_wait_out"}> : () -> ()
          %rem3A_266 = arith.constant 2 : i32
          %rem3A_267 = arith.remui %scan3A_130, %rem3A_266 : i32
          %mul3A_268 = arith.constant 1024 : i32
          %mul3A_269 = arith.muli %mul3A_268, %add3A_145 : i32
          %dma_wait3A_270 = arith.constant 0 : i32
          %dma_wait3A_271 = arith.constant 0 : i32
          %dma_wait3A_272 = tpu.memref_slice %run_scoped3A_13[%rem3A_267, %dma_wait3A_270, %dma_wait3A_271] : memref<2x8x1024xf32, #tpu.memory_space<vmem>> -> memref<1x8x1024xf32, #tpu.memory_space<vmem>>
          %dma_wait3A_273 = tpu.memref_squeeze %dma_wait3A_272 : memref<1x8x1024xf32, #tpu.memory_space<vmem>> -> memref<8x1024xf32, #tpu.memory_space<vmem>>
          %dma_wait3A_274 = arith.constant 0 : i32
          %dma_wait3A_275 = tpu.memref_slice %arg4[%dma_wait3A_274, %mul3A_269] : memref<8x327680xf32, #tpu.memory_space<hbm>> -> memref<8x1024xf32, #tpu.memory_space<hbm>>
          %dma_wait3A_276 = tpu.memref_slice %run_scoped3A_14[%rem3A_267] : memref<2x!tpu.dma_semaphore, #tpu.memory_space<semaphore_mem>> -> memref<1x!tpu.dma_semaphore, #tpu.memory_space<semaphore_mem>>
          %dma_wait3A_277 = tpu.memref_squeeze %dma_wait3A_276 : memref<1x!tpu.dma_semaphore, #tpu.memory_space<semaphore_mem>> -> memref<!tpu.dma_semaphore, #tpu.memory_space<semaphore_mem>>
          %dma_wait3A_278 = arith.constant 0 : i32
          %dma_wait3A_279 = tpu.memref_slice %arg4[%dma_wait3A_278, %mul3A_269] : memref<8x327680xf32, #tpu.memory_space<hbm>> -> memref<8x1024xf32, #tpu.memory_space<hbm>>
          %dma_wait3A_280 = arith.constant 0 : i32
          %dma_wait3A_281 = arith.constant 0 : i32
          %dma_wait3A_282 = tpu.memref_slice %run_scoped3A_13[%rem3A_267, %dma_wait3A_280, %dma_wait3A_281] : memref<2x8x1024xf32, #tpu.memory_space<vmem>> -> memref<1x8x1024xf32, #tpu.memory_space<vmem>>
          %dma_wait3A_283 = tpu.memref_squeeze %dma_wait3A_282 : memref<1x8x1024xf32, #tpu.memory_space<vmem>> -> memref<8x1024xf32, #tpu.memory_space<vmem>>
          tpu.wait_dma2 semaphore(%dma_wait3A_277 : memref<!tpu.dma_semaphore, #tpu.memory_space<semaphore_mem>>) src(%dma_wait3A_283 : memref<8x1024xf32, #tpu.memory_space<vmem>>) dst(%dma_wait3A_279 : memref<8x1024xf32, #tpu.memory_space<hbm>>)
          "tpu.trace_stop"() : () -> ()
        } else {
        }
        %and3A_246 = arith.constant true
        %and3A_247 = arith.andi %and3A_242, %and3A_246 : i1
        %add3A_248 = arith.constant 1 : i32
        %add3A_249 = arith.addi %scan3A_130, %add3A_248 : i32
        %select_n3A_250 = arith.select %and3A_247, %add3A_249, %scan3A_130 : i32
        %ne3A_251 = arith.cmpi ne, %add3A_136, %add3A_154 : i32
        %or3A_252 = arith.constant false
        %or3A_253 = arith.ori %or3A_252, %ne3A_251 : i1
        %or3A_254 = arith.ori %or3A_253, %eq3A_135 : i1
        %add3A_255 = arith.constant 1 : i32
        %add3A_256 = arith.addi %scan3A_128, %add3A_255 : i32
        %select_n3A_257 = arith.select %or3A_254, %add3A_256, %scan3A_128 : i32
        %add3A_258 = arith.constant 1 : i32
        %add3A_259 = arith.addi %scan3A_131, %add3A_258 : i32
        %select_n3A_260 = arith.constant true
        %select_n3A_261 = arith.select %select_n3A_260, %add3A_259, %scan3A_131 : i32
        %eq3A_262 = arith.constant 10 : i32
        %eq3A_263 = arith.cmpi eq, %select_n3A_261, %eq3A_262 : i32
        %select_n3A_264 = arith.constant 0 : i32
        %select_n3A_265 = arith.select %eq3A_263, %select_n3A_264, %select_n3A_261 : i32
        scf.yield %select_n3A_173, %select_n3A_257, %select_n3A_225, %select_n3A_250, %select_n3A_265 : i32, i32, i32, i32, i32
      }
      %scan3A_73 = arith.constant 10 : i32
      %sub3A = arith.constant 1 : i32
      %sub3A_74 = arith.subi %scan3A_72#4, %sub3A : i32
      %select_n3A_75 = arith.constant true
      %select_n3A_76 = arith.select %select_n3A_75, %sub3A_74, %scan3A_72#4 : i32
      %eq3A_77 = arith.constant -1 : i32
      %eq3A_78 = arith.cmpi eq, %select_n3A_76, %eq3A_77 : i32
      %select_n3A_79 = arith.constant 9 : i32
      %select_n3A_80 = arith.select %eq3A_78, %select_n3A_79, %select_n3A_76 : i32
      %add3A_81 = arith.addi %select_n3A_80, %mul3A_11 : i32
      %sub3A_82 = arith.constant 1 : i32
      %sub3A_83 = arith.subi %select_n3A_80, %sub3A_82 : i32
      %select_n3A_84 = arith.constant true
      %select_n3A_85 = arith.select %select_n3A_84, %sub3A_83, %select_n3A_80 : i32
      %eq3A_86 = arith.constant -1 : i32
      %eq3A_87 = arith.cmpi eq, %select_n3A_85, %eq3A_86 : i32
      %select_n3A_88 = arith.constant 9 : i32
      %select_n3A_89 = arith.select %eq3A_87, %select_n3A_88, %select_n3A_85 : i32
      %add3A_90 = arith.addi %select_n3A_89, %mul3A_11 : i32
      %add3A_91 = arith.constant 1 : i32
      %add3A_92 = arith.addi %select_n3A_80, %add3A_91 : i32
      %select_n3A_93 = arith.constant true
      %select_n3A_94 = arith.select %select_n3A_93, %add3A_92, %select_n3A_80 : i32
      %eq3A_95 = arith.constant 10 : i32
      %eq3A_96 = arith.cmpi eq, %select_n3A_94, %eq3A_95 : i32
      %select_n3A_97 = arith.constant 0 : i32
      %select_n3A_98 = arith.select %eq3A_96, %select_n3A_97, %select_n3A_94 : i32
      %add3A_99 = arith.addi %select_n3A_98, %mul3A_11 : i32
      %add3A_100 = arith.constant 1 : i32
      %add3A_101 = arith.addi %select_n3A_98, %add3A_100 : i32
      %select_n3A_102 = arith.constant true
      %select_n3A_103 = arith.select %select_n3A_102, %add3A_101, %select_n3A_98 : i32
      %eq3A_104 = arith.constant 10 : i32
      %eq3A_105 = arith.cmpi eq, %select_n3A_103, %eq3A_104 : i32
      %select_n3A_106 = arith.constant 0 : i32
      %select_n3A_107 = arith.select %eq3A_105, %select_n3A_106, %select_n3A_103 : i32
      %add3A_108 = arith.addi %select_n3A_107, %mul3A_11 : i32
      "tpu.trace_start"() <{level = 10 : i32, message = "ep_finalize"}> : () -> ()
      %rem3A_109 = arith.constant 2 : i32
      %rem3A_110 = arith.remui %scan3A_72#3, %rem3A_109 : i32
      %mul3A_111 = arith.constant 1024 : i32
      %mul3A_112 = arith.muli %mul3A_111, %add3A_81 : i32
      %dma_wait3A = arith.constant 0 : i32
      %dma_wait3A_113 = arith.constant 0 : i32
      %dma_wait3A_114 = tpu.memref_slice %run_scoped3A_13[%rem3A_110, %dma_wait3A, %dma_wait3A_113] : memref<2x8x1024xf32, #tpu.memory_space<vmem>> -> memref<1x8x1024xf32, #tpu.memory_space<vmem>>
      %dma_wait3A_115 = tpu.memref_squeeze %dma_wait3A_114 : memref<1x8x1024xf32, #tpu.memory_space<vmem>> -> memref<8x1024xf32, #tpu.memory_space<vmem>>
      %dma_wait3A_116 = arith.constant 0 : i32
      %dma_wait3A_117 = tpu.memref_slice %arg4[%dma_wait3A_116, %mul3A_112] : memref<8x327680xf32, #tpu.memory_space<hbm>> -> memref<8x1024xf32, #tpu.memory_space<hbm>>
      %dma_wait3A_118 = tpu.memref_slice %run_scoped3A_14[%rem3A_110] : memref<2x!tpu.dma_semaphore, #tpu.memory_space<semaphore_mem>> -> memref<1x!tpu.dma_semaphore, #tpu.memory_space<semaphore_mem>>
      %dma_wait3A_119 = tpu.memref_squeeze %dma_wait3A_118 : memref<1x!tpu.dma_semaphore, #tpu.memory_space<semaphore_mem>> -> memref<!tpu.dma_semaphore, #tpu.memory_space<semaphore_mem>>
      %dma_wait3A_120 = arith.constant 0 : i32
      %dma_wait3A_121 = tpu.memref_slice %arg4[%dma_wait3A_120, %mul3A_112] : memref<8x327680xf32, #tpu.memory_space<hbm>> -> memref<8x1024xf32, #tpu.memory_space<hbm>>
      %dma_wait3A_122 = arith.constant 0 : i32
      %dma_wait3A_123 = arith.constant 0 : i32
      %dma_wait3A_124 = tpu.memref_slice %run_scoped3A_13[%rem3A_110, %dma_wait3A_122, %dma_wait3A_123] : memref<2x8x1024xf32, #tpu.memory_space<vmem>> -> memref<1x8x1024xf32, #tpu.memory_space<vmem>>
      %dma_wait3A_125 = tpu.memref_squeeze %dma_wait3A_124 : memref<1x8x1024xf32, #tpu.memory_space<vmem>> -> memref<8x1024xf32, #tpu.memory_space<vmem>>
      tpu.wait_dma2 semaphore(%dma_wait3A_119 : memref<!tpu.dma_semaphore, #tpu.memory_space<semaphore_mem>>) src(%dma_wait3A_125 : memref<8x1024xf32, #tpu.memory_space<vmem>>) dst(%dma_wait3A_121 : memref<8x1024xf32, #tpu.memory_space<hbm>>)
      "tpu.trace_stop"() : () -> ()
      tpu.yield
    }) : () -> ()
    return
  }
}

module attributes {stable_mosaic.version = 14 : i64} {
  func.func @_tc_body_chain(%arg0: i32, %arg1: memref<8x8192xf32, #tpu.memory_space<vmem>>, %arg2: memref<11x8192xf32, #tpu.memory_space<vmem>>, %arg3: memref<19x256xbf16, #tpu.memory_space<vmem>>, %arg4: memref<1x256xf32, #tpu.memory_space<vmem>>, %arg5: memref<1000000x256xf32, #tpu.memory_space<hbm>>, %arg6: memref<8192x256xf32, #tpu.memory_space<vmem>>) attributes {dimension_semantics = [#tpu.dimension_semantics<arbitrary>], iteration_bounds = array<i64: 24>, scalar_prefetch = 0 : i64, scratch_operands = 0 : i64, tpu.core_type = #tpu.core_type<tc>, window_params = [{transform_indices = @transform_0, window_bounds = array<i64: 8, 8192>}, {transform_indices = @transform_1, window_bounds = array<i64: 11, 8192>}, {pipeline_mode = #tpu.pipeline_mode<synchronous>, transform_indices = @transform_2, window_bounds = array<i64: 19, 256>}, {pipeline_mode = #tpu.pipeline_mode<synchronous>, transform_indices = @transform_3, window_bounds = array<i64: 1, 256>}, {}, {transform_indices = @transform_5, window_bounds = array<i64: 8192, 256>}]} {
    %get3A = arith.constant 0 : index
    %get3A_0 = arith.constant 0 : index
    %get3A_1 = vector.load %arg1[%get3A, %get3A_0] : memref<8x8192xf32, #tpu.memory_space<vmem>>, vector<8x8192xf32>
    %convert_element_type3A = arith.truncf %get3A_1 : vector<8x8192xf32> to vector<8x8192xbf16>
    %get3A_2 = arith.constant 0 : index
    %get3A_3 = arith.constant 0 : index
    %get3A_4 = vector.load %arg2[%get3A_2, %get3A_3] : memref<11x8192xf32, #tpu.memory_space<vmem>>, vector<11x8192xf32>
    %convert_element_type3A_5 = arith.truncf %get3A_4 : vector<11x8192xf32> to vector<11x8192xbf16>
    %concatenate3A = tpu.concatenate %convert_element_type3A, %convert_element_type3A_5 in 0 : vector<8x8192xbf16>, vector<11x8192xbf16> -> vector<19x8192xbf16>
    %get3A_6 = arith.constant 0 : index
    %get3A_7 = arith.constant 0 : index
    %get3A_8 = vector.load %arg3[%get3A_6, %get3A_7] : memref<19x256xbf16, #tpu.memory_space<vmem>>, vector<19x256xbf16>
    %dot_general3A = arith.constant dense<0.000000e+00> : vector<8192x256xf32>
    %dot_general3A_9 = tpu.matmul %concatenate3A, %get3A_8, %dot_general3A {dimension_numbers = #tpu.dot_dimension_numbers<[0], [0], [1], [1], [0, 1, 1, 1], [], []>, transpose_lhs_hint = false} : vector<19x8192xbf16>, vector<19x256xbf16>, vector<8192x256xf32> -> vector<8192x256xf32>
    %get3A_10 = arith.constant 0 : index
    %get3A_11 = arith.constant 0 : index
    %get3A_12 = vector.load %arg4[%get3A_10, %get3A_11] : memref<1x256xf32, #tpu.memory_space<vmem>>, vector<1x256xf32>
    %add3A = vector.broadcast %get3A_12 : vector<1x256xf32> to vector<8192x256xf32>
    %add3A_13 = arith.addf %dot_general3A_9, %add3A : vector<8192x256xf32>
    %swap3A = arith.constant 0 : index
    %swap3A_14 = arith.constant 0 : index
    %swap3A_15 = vector.load %arg6[%swap3A, %swap3A_14] : memref<8192x256xf32, #tpu.memory_space<vmem>>, vector<8192x256xf32>
    tpu.vector_store %arg6[%swap3A, %swap3A_14], %add3A_13 {strides = array<i32>} : memref<8192x256xf32, #tpu.memory_space<vmem>>, vector<8192x256xf32>,
    return
  }
  func.func @transform_0(%arg0: i32) -> (i32, i32) {
    %c0_i32 = arith.constant 0 : i32
    %c0_i32_0 = arith.constant 0 : i32
    return %c0_i32, %arg0 : i32, i32
  }
  func.func @transform_1(%arg0: i32) -> (i32, i32) {
    %add3A = arith.constant 8 : i32
    %add3A_0 = arith.addi %add3A, %arg0 : i32
    %c0_i32 = arith.constant 0 : i32
    %c0_i32_1 = arith.constant 0 : i32
    return %c0_i32, %add3A_0 : i32, i32
  }
  func.func @transform_2(%arg0: i32) -> (i32, i32) {
    %c0_i32 = arith.constant 0 : i32
    %c0_i32_0 = arith.constant 0 : i32
    %c0_i32_1 = arith.constant 0 : i32
    return %c0_i32, %c0_i32_0 : i32, i32
  }
  func.func @transform_3(%arg0: i32) -> (i32, i32) {
    %c0_i32 = arith.constant 0 : i32
    %c0_i32_0 = arith.constant 0 : i32
    %c0_i32_1 = arith.constant 0 : i32
    return %c0_i32, %c0_i32_0 : i32, i32
  }
  func.func @transform_5(%arg0: i32) -> (i32, i32) {
    %add3A = arith.constant 8 : i32
    %add3A_0 = arith.addi %add3A, %arg0 : i32
    %c0_i32 = arith.constant 0 : i32
    %c0_i32_1 = arith.constant 0 : i32
    return %add3A_0, %c0_i32 : i32, i32
  }
}

module attributes {stable_mosaic.version = 14 : i64} {
  func.func @_tc_body_first(%arg0: i32, %arg1: memref<8x8192xf32, #tpu.memory_space<vmem>>, %arg2: memref<11x8192xf32, #tpu.memory_space<vmem>>, %arg3: memref<19x256xbf16, #tpu.memory_space<vmem>>, %arg4: memref<1x256xf32, #tpu.memory_space<vmem>>, %arg5: memref<8192x256xf32, #tpu.memory_space<vmem>>) attributes {dimension_semantics = [#tpu.dimension_semantics<arbitrary>], iteration_bounds = array<i64: 8>, scalar_prefetch = 0 : i64, scratch_operands = 0 : i64, tpu.core_type = #tpu.core_type<tc>, window_params = [{transform_indices = @transform_0, window_bounds = array<i64: 8, 8192>}, {transform_indices = @transform_1, window_bounds = array<i64: 11, 8192>}, {pipeline_mode = #tpu.pipeline_mode<synchronous>, transform_indices = @transform_2, window_bounds = array<i64: 19, 256>}, {pipeline_mode = #tpu.pipeline_mode<synchronous>, transform_indices = @transform_3, window_bounds = array<i64: 1, 256>}, {transform_indices = @transform_4, window_bounds = array<i64: 8192, 256>}]} {
    %get3A = arith.constant 0 : index
    %get3A_0 = arith.constant 0 : index
    %get3A_1 = vector.load %arg1[%get3A, %get3A_0] : memref<8x8192xf32, #tpu.memory_space<vmem>>, vector<8x8192xf32>
    %convert_element_type3A = arith.truncf %get3A_1 : vector<8x8192xf32> to vector<8x8192xbf16>
    %get3A_2 = arith.constant 0 : index
    %get3A_3 = arith.constant 0 : index
    %get3A_4 = vector.load %arg2[%get3A_2, %get3A_3] : memref<11x8192xf32, #tpu.memory_space<vmem>>, vector<11x8192xf32>
    %convert_element_type3A_5 = arith.truncf %get3A_4 : vector<11x8192xf32> to vector<11x8192xbf16>
    %concatenate3A = tpu.concatenate %convert_element_type3A, %convert_element_type3A_5 in 0 : vector<8x8192xbf16>, vector<11x8192xbf16> -> vector<19x8192xbf16>
    %get3A_6 = arith.constant 0 : index
    %get3A_7 = arith.constant 0 : index
    %get3A_8 = vector.load %arg3[%get3A_6, %get3A_7] : memref<19x256xbf16, #tpu.memory_space<vmem>>, vector<19x256xbf16>
    %dot_general3A = arith.constant dense<0.000000e+00> : vector<8192x256xf32>
    %dot_general3A_9 = tpu.matmul %concatenate3A, %get3A_8, %dot_general3A {dimension_numbers = #tpu.dot_dimension_numbers<[0], [0], [1], [1], [0, 1, 1, 1], [], []>, transpose_lhs_hint = false} : vector<19x8192xbf16>, vector<19x256xbf16>, vector<8192x256xf32> -> vector<8192x256xf32>
    %get3A_10 = arith.constant 0 : index
    %get3A_11 = arith.constant 0 : index
    %get3A_12 = vector.load %arg4[%get3A_10, %get3A_11] : memref<1x256xf32, #tpu.memory_space<vmem>>, vector<1x256xf32>
    %add3A = vector.broadcast %get3A_12 : vector<1x256xf32> to vector<8192x256xf32>
    %add3A_13 = arith.addf %dot_general3A_9, %add3A : vector<8192x256xf32>
    %swap3A = arith.constant 0 : index
    %swap3A_14 = arith.constant 0 : index
    %swap3A_15 = vector.load %arg5[%swap3A, %swap3A_14] : memref<8192x256xf32, #tpu.memory_space<vmem>>, vector<8192x256xf32>
    tpu.vector_store %arg5[%swap3A, %swap3A_14], %add3A_13 {strides = array<i32>} : memref<8192x256xf32, #tpu.memory_space<vmem>>, vector<8192x256xf32>,
    return
  }
  func.func @transform_0(%arg0: i32) -> (i32, i32) {
    %c0_i32 = arith.constant 0 : i32
    %c0_i32_0 = arith.constant 0 : i32
    return %c0_i32, %arg0 : i32, i32
  }
  func.func @transform_1(%arg0: i32) -> (i32, i32) {
    %add3A = arith.constant 0 : i32
    %add3A_0 = arith.addi %add3A, %arg0 : i32
    %c0_i32 = arith.constant 0 : i32
    %c0_i32_1 = arith.constant 0 : i32
    return %c0_i32, %add3A_0 : i32, i32
  }
  func.func @transform_2(%arg0: i32) -> (i32, i32) {
    %c0_i32 = arith.constant 0 : i32
    %c0_i32_0 = arith.constant 0 : i32
    %c0_i32_1 = arith.constant 0 : i32
    return %c0_i32, %c0_i32_0 : i32, i32
  }
  func.func @transform_3(%arg0: i32) -> (i32, i32) {
    %c0_i32 = arith.constant 0 : i32
    %c0_i32_0 = arith.constant 0 : i32
    %c0_i32_1 = arith.constant 0 : i32
    return %c0_i32, %c0_i32_0 : i32, i32
  }
  func.func @transform_4(%arg0: i32) -> (i32, i32) {
    %add3A = arith.constant 0 : i32
    %add3A_0 = arith.addi %add3A, %arg0 : i32
    %c0_i32 = arith.constant 0 : i32
    %c0_i32_1 = arith.constant 0 : i32
    return %add3A_0, %c0_i32 : i32, i32
  }
}

module attributes {stable_mosaic.version = 14 : i64} {
  func.func @_tc_body_chain(%arg0: i32, %arg1: memref<8x8192xf32, #tpu.memory_space<vmem>>, %arg2: memref<11x8192xf32, #tpu.memory_space<vmem>>, %arg3: memref<19x256xbf16, #tpu.memory_space<vmem>>, %arg4: memref<1x256xf32, #tpu.memory_space<vmem>>, %arg5: memref<1000000x256xf32, #tpu.memory_space<hbm>>, %arg6: memref<8192x256xf32, #tpu.memory_space<vmem>>) attributes {dimension_semantics = [#tpu.dimension_semantics<arbitrary>], iteration_bounds = array<i64: 40>, scalar_prefetch = 0 : i64, scratch_operands = 0 : i64, tpu.core_type = #tpu.core_type<tc>, window_params = [{transform_indices = @transform_0, window_bounds = array<i64: 8, 8192>}, {transform_indices = @transform_1, window_bounds = array<i64: 11, 8192>}, {pipeline_mode = #tpu.pipeline_mode<synchronous>, transform_indices = @transform_2, window_bounds = array<i64: 19, 256>}, {pipeline_mode = #tpu.pipeline_mode<synchronous>, transform_indices = @transform_3, window_bounds = array<i64: 1, 256>}, {}, {transform_indices = @transform_5, window_bounds = array<i64: 8192, 256>}]} {
    %get3A = arith.constant 0 : index
    %get3A_0 = arith.constant 0 : index
    %get3A_1 = vector.load %arg1[%get3A, %get3A_0] : memref<8x8192xf32, #tpu.memory_space<vmem>>, vector<8x8192xf32>
    %convert_element_type3A = arith.truncf %get3A_1 : vector<8x8192xf32> to vector<8x8192xbf16>
    %get3A_2 = arith.constant 0 : index
    %get3A_3 = arith.constant 0 : index
    %get3A_4 = vector.load %arg2[%get3A_2, %get3A_3] : memref<11x8192xf32, #tpu.memory_space<vmem>>, vector<11x8192xf32>
    %convert_element_type3A_5 = arith.truncf %get3A_4 : vector<11x8192xf32> to vector<11x8192xbf16>
    %concatenate3A = tpu.concatenate %convert_element_type3A, %convert_element_type3A_5 in 0 : vector<8x8192xbf16>, vector<11x8192xbf16> -> vector<19x8192xbf16>
    %get3A_6 = arith.constant 0 : index
    %get3A_7 = arith.constant 0 : index
    %get3A_8 = vector.load %arg3[%get3A_6, %get3A_7] : memref<19x256xbf16, #tpu.memory_space<vmem>>, vector<19x256xbf16>
    %dot_general3A = arith.constant dense<0.000000e+00> : vector<8192x256xf32>
    %dot_general3A_9 = tpu.matmul %concatenate3A, %get3A_8, %dot_general3A {dimension_numbers = #tpu.dot_dimension_numbers<[0], [0], [1], [1], [0, 1, 1, 1], [], []>, transpose_lhs_hint = false} : vector<19x8192xbf16>, vector<19x256xbf16>, vector<8192x256xf32> -> vector<8192x256xf32>
    %get3A_10 = arith.constant 0 : index
    %get3A_11 = arith.constant 0 : index
    %get3A_12 = vector.load %arg4[%get3A_10, %get3A_11] : memref<1x256xf32, #tpu.memory_space<vmem>>, vector<1x256xf32>
    %add3A = vector.broadcast %get3A_12 : vector<1x256xf32> to vector<8192x256xf32>
    %add3A_13 = arith.addf %dot_general3A_9, %add3A : vector<8192x256xf32>
    %swap3A = arith.constant 0 : index
    %swap3A_14 = arith.constant 0 : index
    %swap3A_15 = vector.load %arg6[%swap3A, %swap3A_14] : memref<8192x256xf32, #tpu.memory_space<vmem>>, vector<8192x256xf32>
    tpu.vector_store %arg6[%swap3A, %swap3A_14], %add3A_13 {strides = array<i32>} : memref<8192x256xf32, #tpu.memory_space<vmem>>, vector<8192x256xf32>,
    return
  }
  func.func @transform_0(%arg0: i32) -> (i32, i32) {
    %c0_i32 = arith.constant 0 : i32
    %c0_i32_0 = arith.constant 0 : i32
    return %c0_i32, %arg0 : i32, i32
  }
  func.func @transform_1(%arg0: i32) -> (i32, i32) {
    %add3A = arith.constant 32 : i32
    %add3A_0 = arith.addi %add3A, %arg0 : i32
    %c0_i32 = arith.constant 0 : i32
    %c0_i32_1 = arith.constant 0 : i32
    return %c0_i32, %add3A_0 : i32, i32
  }
  func.func @transform_2(%arg0: i32) -> (i32, i32) {
    %c0_i32 = arith.constant 0 : i32
    %c0_i32_0 = arith.constant 0 : i32
    %c0_i32_1 = arith.constant 0 : i32
    return %c0_i32, %c0_i32_0 : i32, i32
  }
  func.func @transform_3(%arg0: i32) -> (i32, i32) {
    %c0_i32 = arith.constant 0 : i32
    %c0_i32_0 = arith.constant 0 : i32
    %c0_i32_1 = arith.constant 0 : i32
    return %c0_i32, %c0_i32_0 : i32, i32
  }
  func.func @transform_5(%arg0: i32) -> (i32, i32) {
    %add3A = arith.constant 32 : i32
    %add3A_0 = arith.addi %add3A, %arg0 : i32
    %c0_i32 = arith.constant 0 : i32
    %c0_i32_1 = arith.constant 0 : i32
    return %add3A_0, %c0_i32 : i32, i32
  }
}

module attributes {stable_mosaic.version = 14 : i64} {
  func.func @_tc_body_chain(%arg0: i32, %arg1: memref<8x8192xf32, #tpu.memory_space<vmem>>, %arg2: memref<11x8192xf32, #tpu.memory_space<vmem>>, %arg3: memref<19x256xbf16, #tpu.memory_space<vmem>>, %arg4: memref<1x256xf32, #tpu.memory_space<vmem>>, %arg5: memref<1000000x256xf32, #tpu.memory_space<hbm>>, %arg6: memref<8192x256xf32, #tpu.memory_space<vmem>>) attributes {dimension_semantics = [#tpu.dimension_semantics<arbitrary>], iteration_bounds = array<i64: 51>, scalar_prefetch = 0 : i64, scratch_operands = 0 : i64, tpu.core_type = #tpu.core_type<tc>, window_params = [{transform_indices = @transform_0, window_bounds = array<i64: 8, 8192>}, {transform_indices = @transform_1, window_bounds = array<i64: 11, 8192>}, {pipeline_mode = #tpu.pipeline_mode<synchronous>, transform_indices = @transform_2, window_bounds = array<i64: 19, 256>}, {pipeline_mode = #tpu.pipeline_mode<synchronous>, transform_indices = @transform_3, window_bounds = array<i64: 1, 256>}, {}, {transform_indices = @transform_5, window_bounds = array<i64: 8192, 256>}]} {
    %get3A = arith.constant 0 : index
    %get3A_0 = arith.constant 0 : index
    %get3A_1 = vector.load %arg1[%get3A, %get3A_0] : memref<8x8192xf32, #tpu.memory_space<vmem>>, vector<8x8192xf32>
    %convert_element_type3A = arith.truncf %get3A_1 : vector<8x8192xf32> to vector<8x8192xbf16>
    %get3A_2 = arith.constant 0 : index
    %get3A_3 = arith.constant 0 : index
    %get3A_4 = vector.load %arg2[%get3A_2, %get3A_3] : memref<11x8192xf32, #tpu.memory_space<vmem>>, vector<11x8192xf32>
    %convert_element_type3A_5 = arith.truncf %get3A_4 : vector<11x8192xf32> to vector<11x8192xbf16>
    %concatenate3A = tpu.concatenate %convert_element_type3A, %convert_element_type3A_5 in 0 : vector<8x8192xbf16>, vector<11x8192xbf16> -> vector<19x8192xbf16>
    %get3A_6 = arith.constant 0 : index
    %get3A_7 = arith.constant 0 : index
    %get3A_8 = vector.load %arg3[%get3A_6, %get3A_7] : memref<19x256xbf16, #tpu.memory_space<vmem>>, vector<19x256xbf16>
    %dot_general3A = arith.constant dense<0.000000e+00> : vector<8192x256xf32>
    %dot_general3A_9 = tpu.matmul %concatenate3A, %get3A_8, %dot_general3A {dimension_numbers = #tpu.dot_dimension_numbers<[0], [0], [1], [1], [0, 1, 1, 1], [], []>, transpose_lhs_hint = false} : vector<19x8192xbf16>, vector<19x256xbf16>, vector<8192x256xf32> -> vector<8192x256xf32>
    %get3A_10 = arith.constant 0 : index
    %get3A_11 = arith.constant 0 : index
    %get3A_12 = vector.load %arg4[%get3A_10, %get3A_11] : memref<1x256xf32, #tpu.memory_space<vmem>>, vector<1x256xf32>
    %add3A = vector.broadcast %get3A_12 : vector<1x256xf32> to vector<8192x256xf32>
    %add3A_13 = arith.addf %dot_general3A_9, %add3A : vector<8192x256xf32>
    %swap3A = arith.constant 0 : index
    %swap3A_14 = arith.constant 0 : index
    %swap3A_15 = vector.load %arg6[%swap3A, %swap3A_14] : memref<8192x256xf32, #tpu.memory_space<vmem>>, vector<8192x256xf32>
    tpu.vector_store %arg6[%swap3A, %swap3A_14], %add3A_13 {strides = array<i32>} : memref<8192x256xf32, #tpu.memory_space<vmem>>, vector<8192x256xf32>,
    return
  }
  func.func @transform_0(%arg0: i32) -> (i32, i32) {
    %c0_i32 = arith.constant 0 : i32
    %c0_i32_0 = arith.constant 0 : i32
    return %c0_i32, %arg0 : i32, i32
  }
  func.func @transform_1(%arg0: i32) -> (i32, i32) {
    %add3A = arith.constant 72 : i32
    %add3A_0 = arith.addi %add3A, %arg0 : i32
    %c0_i32 = arith.constant 0 : i32
    %c0_i32_1 = arith.constant 0 : i32
    return %c0_i32, %add3A_0 : i32, i32
  }
  func.func @transform_2(%arg0: i32) -> (i32, i32) {
    %c0_i32 = arith.constant 0 : i32
    %c0_i32_0 = arith.constant 0 : i32
    %c0_i32_1 = arith.constant 0 : i32
    return %c0_i32, %c0_i32_0 : i32, i32
  }
  func.func @transform_3(%arg0: i32) -> (i32, i32) {
    %c0_i32 = arith.constant 0 : i32
    %c0_i32_0 = arith.constant 0 : i32
    %c0_i32_1 = arith.constant 0 : i32
    return %c0_i32, %c0_i32_0 : i32, i32
  }
  func.func @transform_5(%arg0: i32) -> (i32, i32) {
    %add3A = arith.constant 72 : i32
    %add3A_0 = arith.addi %add3A, %arg0 : i32
    %c0_i32 = arith.constant 0 : i32
    %c0_i32_1 = arith.constant 0 : i32
    return %add3A_0, %c0_i32 : i32, i32
  }
}

</mosaic_0001>

<sc_bundles>
// kernel: kernel.10.cloned.1.call-start
scs
__scs_entry_jumppad:
0x0: {  	(pc) =	sbr.rel $0x88, $3  }
0x1: {  	(tag) =	ssettag $0x0;
	lr =	simm.s32 $0x1  }
0x2: {  	[smem:$0x3F9C] =	sst lr;
	_ =	strace $0xD0000000  }
0x3: {  	_ = 	snop  }
0x4: {  	_ = 	snop  }
0x5: {  	_ = 	snop  }
0x6: {  	_ = 	snop  }
0x7: {  	_ = 	snop  }
__scs_overlays_trampoline_lowered:
0x8: {  	[smem:$0x3FAB] =	sst s0  }
0x9: {  	[smem:$0x3FAC] =	sst s1  }
0xa: {  	[smem:$0x3FAD] =	sst s2  }
0xb: {  	[smem:$0x3FAE] =	sst s3  }
0xc: {  	[smem:$0x3FAF] =	sst s4  }
0xd: {  	[smem:$0x3FB0] =	sst s5  }
0xe: {  	[smem:$0x3FB1] =	sst s6  }
0xf: {  	[smem:$0x3FB2] =	sst s7  }
0x10: {  	[smem:$0x3FB3] =	sst s8  }
0x11: {  	[smem:$0x3FB4] =	sst s9;
	s0 =	simm.s32 @!p0 $0x0  }
0x12: {  	s1 =	sld [smem:$0x3F9A];
	s0 =	simm.s32 @p0 $0x1  }
0x13: {  	[smem:$0x3FB5] =	sst s0;
	s0 =	simm.s32 @!p1 $0x0  }
0x14: {  	s2 =	sld [smem:$0x3F99];
	s0 =	simm.s32 @p1 $0x1  }
0x15: {  	[smem:$0x3FB6] =	sst s0;
	s0 =	simm.s32 @!p2 $0x0  }
0x16: {  	s3 =	sld [smem:$0x3FDB];
	s0 =	simm.s32 @p2 $0x1  }
0x17: {  	s4 =	simm.s32 $0x1BF5;
	[smem:$0x3FB8] =	sst s0  }
0x18: {  	s0 =	sld [smem:$0x3F9B];
	_ =	swait.ge [sflag:s4], $0x0  }
0x19: {  	s7 =	sld [smem:$0x3F9C]  }
0x1a: {  	s8 =	sadd.s32 $0xFFFFE003, lr  }
0x1b: {  	s9 =	sadd.s32 $0xFFFFFEF7, lr;
	s5 =	simm.s32 $0xFFFFFFFF;
	p2 =	slt.u32 s8, $0xFFFFF086  }
0x1c: {  	p1 =	slt.u32 s9, $0xF7A;
	s5 =	simm.s32 @!p2 $0x0  }
0x1d: {  	s5 =	simm.s32 @p1 $0x1;
	p0 =	seq.s32 s7, s2  }
0x1e: {  	s7 =	smul.u32 @!p0 $0xF7A, s2;
	p2 =	seq.s32 @!p0 s5, $0x0  }
0x1f: {  	s9 =	smul.u32 $0xF7A, s1;
	s8 =	simm.s32 @!p0 $0x1BF5;
	p2 =	por !p2, p0  }
0x20: {  	[sflag:s8] =	ssyncset.s32 @!p0 $0xFFFFF086;
	s6 =	sadd.s32 @!p0 s3, s7;
	s7 =	simm.s32 @!p0 $0x108  }
0x21: {  	s3 =	sadd.s32 s3, s9;
	s6 =	sadd.s32 @!p0 $0x88, s6;
	s7 =	simm.s32 @p2 $0x1082  }
0x22: {  	[simem:s7], [sflag:s8] =	dma.local @!p0 [hbm:s6], $0xF7A  }
0x23: {  	s9 =	sor.u32 $0xD0000000, s2;
	s6 =	simm.s32 $0x108;
	_ =	swait.ge @!p0 [sflag:s8], $0x0  }
0x24: {  	s3 =	sadd.s32 $0x88, s3;
	s6 =	simm.s32 @!p1 $0x1082;
	[sflag:s4] =	ssyncset.s32 $0xFFFFF086  }
0x25: {  	[simem:s6], [sflag:s4] =	dma.local [hbm:s3], $0xF7A  }
0x26: {  	[smem:$0x3F9C] =	sst s1;
	(tag) =	ssettag s2;
	_ =	strace s9  }
0x27: {  	s1 =	sld [smem:$0x3FAC]  }
0x28: {  	s2 =	sld [smem:$0x3FAD]  }
0x29: {  	s4 =	sld [smem:$0x3FAF]  }
0x2a: {  	p0 =	seq.s32 s5, $0x0;
	s5 =	sld [smem:$0x3FB0]  }
0x2b: {  	s6 =	sld [smem:$0x3FB1]  }
0x2c: {  	s7 =	sld [smem:$0x3FB2]  }
0x2d: {  	s3 =	simm.s32 $0x108;
	s8 =	sld [smem:$0x3FB3]  }
0x2e: {  	s3 =	simm.s32 @!p0 $0x1082;
	s9 =	sld [smem:$0x3FB4]  }
0x2f: {  	lr =	sadd.s32 s0, s3;
	s0 =	sld [smem:$0x3FAB]  }
0x30: {  	s3 =	sld [smem:$0x3FAE]  }
0x31: {  	[smem:$0x3FB7] =	sst s10  }
0x32: {  	s10 =	sld [smem:$0x3FB5];
	_ =	sdelay $0x3  }
0x33: {  	p0 =	seq.s32 s10, $0x1;
	s10 =	sld [smem:$0x3FB7];
	_ =	sdelay $0x3  }
0x34: {  	[smem:$0x3FB7] =	sst s10  }
0x35: {  	s10 =	sld [smem:$0x3FB6];
	_ =	sdelay $0x3  }
0x36: {  	p1 =	seq.s32 s10, $0x1;
	s10 =	sld [smem:$0x3FB7];
	_ =	sdelay $0x3  }
0x37: {  	[smem:$0x3FB7] =	sst s10  }
0x38: {  	s10 =	sld [smem:$0x3FB8]  }
0x39: {  	_ = 	snop;
	(pc) =	sbr.ind lr, $3  }
0x3a: {  	_ = 	snop  }
0x3b: {  	_ = 	snop  }
0x3c: {  	p2 =	seq.s32 s10, $0x1;
	s10 =	sld [smem:$0x3FB7]  }
0x3d: {  	_ =	shalt  }
0x3e: {  	_ =	shalt  }
0x3f: {  	_ =	shalt  }
0x40: {  	_ =	shalt  }
0x41: {  	_ =	shalt  }
0x42: {  	_ =	shalt  }
0x43: {  	_ =	shalt  }
0x44: {  	_ =	shalt  }
0x45: {  	_ =	shalt  }
0x46: {  	_ =	shalt  }
0x47: {  	_ =	shalt  }
0x48: {  	_ =	shalt  }
0x49: {  	_ =	shalt  }
0x4a: {  	_ =	shalt  }
0x4b: {  	_ =	shalt  }
0x4c: {  	_ =	shalt  }
0x4d: {  	_ =	shalt  }
0x4e: {  	_ =	shalt  }
0x4f: {  	_ =	shalt  }
0x50: {  	_ =	shalt  }
0x51: {  	_ =	shalt  }
0x52: {  	_ =	shalt  }
0x53: {  	_ =	shalt  }
0x54: {  	_ =	shalt  }
0x55: {  	_ =	shalt  }
0x56: {  	_ =	shalt  }
0x57: {  	_ =	shalt  }
0x58: {  	_ =	shalt  }
0x59: {  	_ =	shalt  }
0x5a: {  	_ =	shalt  }
0x5b: {  	_ =	shalt  }
0x5c: {  	_ =	shalt  }
0x5d: {  	_ =	shalt  }
0x5e: {  	_ =	shalt  }
0x5f: {  	_ =	shalt  }
0x60: {  	_ =	shalt  }
0x61: {  	_ =	shalt  }
0x62: {  	_ =	shalt  }
0x63: {  	_ =	shalt  }
0x64: {  	_ =	shalt  }
0x65: {  	_ =	shalt  }
0x66: {  	_ =	shalt  }
0x67: {  	_ =	shalt  }
0x68: {  	_ =	shalt  }
0x69: {  	_ =	shalt  }
0x6a: {  	_ =	shalt  }
0x6b: {  	_ =	shalt  }
0x6c: {  	_ =	shalt  }
0x6d: {  	_ =	shalt  }
0x6e: {  	_ =	shalt  }
0x6f: {  	_ =	shalt  }
0x70: {  	_ =	shalt  }
0x71: {  	_ =	shalt  }
0x72: {  	_ =	shalt  }
0x73: {  	_ =	shalt  }
0x74: {  	_ =	shalt  }
0x75: {  	_ =	shalt  }
0x76: {  	_ =	shalt  }
0x77: {  	_ =	shalt  }
0x78: {  	_ =	shalt  }
0x79: {  	_ =	shalt  }
0x7a: {  	_ =	shalt  }
0x7b: {  	_ =	shalt  }
0x7c: {  	_ =	shalt  }
0x7d: {  	_ =	shalt  }
0x7e: {  	_ =	shalt  }
0x7f: {  	_ =	shalt  }
0x80: {  	_ =	shalt  }
0x81: {  	_ =	shalt  }
0x82: {  	_ =	shalt  }
0x83: {  	_ =	shalt  }
0x84: {  	_ =	shalt  }
0x85: {  	_ =	shalt  }
0x86: {  	_ =	shalt  }
0x87: {  	_ =	shalt  }
.Lfunc_end0:
.L_simem_size_0:
called_computation_lowered:
.L_overlay_start_0:
0x88: {  	s2 =	sld [smem:$0x3FD9]  }
0x89: {  	s3 =	sld [smem:$0x3FFE];
	_ =	sdelay $0x1  }
0x8a: {  	s1 =	srdreg.scid  }
0x8b: {  	s0 =	sand.u32 $0x1, s1  }
0x8c: {  	s17 =	sshll.u32 s0, $0xA;
	s2 =	sadd.s32 s3, s2  }
0x8d: {  	s2 =	sadd.s32 s2, s17  }
0x8e: {  	[smem:$0x3FC3] =	sst s2  }
0x8f: {  	_ = 	snop  }
0x90: {  	s2 =	sld [smem:$0x3FD0];
	(tm) =	ssettm $0x1  }
0x91: {  	s18 =	sld [smem:$0x3FFB];
	_ =	sdelay $0x3  }
0x92: {  	_ =	strace s18  }
0x93: {  	s3 =	sld [smem:$0x3FFC];
	_ =	sdelay $0x3  }
0x94: {  	_ =	strace s3  }
0x95: {  	s3 =	sld [smem:$0x3FFD];
	_ =	sdelay $0x3  }
0x96: {  	_ =	strace s3  }
0x97: {  	_ =	strace $0x8FFFFFFF  }
0x98: {  	s19 =	sld [smem:$0x3FDB];
	_ =	sdelay $0x1  }
0x99: {  	s4 =	simm.s32 $_scs_section_size  }
0x9a: {  	s5 =	simm.s32 $_size__tile_overlayer_lowered;
	s6 =	simm.s32 $_tile_overlayer_lowered  }
0x9b: {  	s22 =	simm.s32 $0x1BFF;
	s21 =	sshll.u32 s6, $0x1;
	s3 =	sadd.s32 s4, s19  }
0x9c: {  	s7 =	simm.s32 $0x0;
	s20 =	sshll.u32 s5, $0x1;
	s5 =	sadd.s32 s21, s3  }
0x9d: {  	[timem:s7], [sflag:s22] =	dma.local [hbm:s5], s20  }
0x9e: {  	_ =	swait.ge [sflag:s22], s20  }
0x9f: {  	s4 =	ssub.s32 $0x0, s20;
	[sflag:s22] =	ssyncset.done $0x0  }
0xa0: {  	[sflag:s22] =	ssyncadd.s32 s4;
	_ =	sdelay $0x1  }
0xa1: {  	s23 =	simm.s32 $0x1B8B  }
0xa2: {  	_ =	swait.ge [sflag:s23], $0x1  }
0xa3: {  	[sflag:s23] =	ssyncset.done $0x0  }
0xa4: {  	s25 =	simm.s32 $0x1B8E;
	s24 =	sld [smem:$0x3FFE];
	[sflag:s23] =	ssyncadd.s32 $0xFFFFFFFF  }
0xa5: {  	s26 =	simm.s32 $execute0_lowered;
	[smem:$0x3FD2] =	sst s25  }
0xa6: {  	s5 =	sshll.u32 s26, $0x1;
	_ =	strace $0x80000046;
	[dreg:$0x1] =	wrdreg $0xFFFFFFFF  }
0xa7: {  	s28 =	simm.s32 $_size_execute0_lowered;
	s3 =	sadd.s32 s3, s5;
	[dreg:$0x0] =	wrdreg $0x0  }
0xa8: {  	s5 =	sshll.u32 s28, $0x1;
	[dreg:$0x2] =	wrdreg s3  }
0xa9: {  	[dreg:$0x3] =	wrdreg s5  }
0xaa: {  	[dreg:$0x4] =	wrdreg $0xC0  }
0xab: {  	_ =	task [dreg:s7], $0x5FFFF  }
0xac: {  	[dreg:$0x1] =	wrdreg $0xFFFFFFFF  }
0xad: {  	[dreg:$0x0] =	wrdreg $0x60  }
0xae: {  	[dreg:$0x2] =	wrdreg s24  }
0xaf: {  	[dreg:$0x3] =	wrdreg s2  }
0xb0: {  	[dreg:$0x4] =	wrdreg $0x9  }
0xb1: {  	_ =	task.clear_ibuf [dreg:s7], $0x5FFFF;
	_ =	strace $0x90000046  }
0xb2: {  	s29 =	simm.s32 $0x9;
	_ =	strace $0x8000004F  }
0xb3: {  	_ =	swait.ge [sflag:s29], $0x1  }
0xb4: {  	[sflag:s29] =	ssyncadd.s32 $0xFFFFFFFF  }
0xb5: {  	_ =	strace $0x9000004F  }
0xb6: {  	_ =	sfence  }
0xb7: {  	s30 =	sld [smem:$0x0];
	_ =	sdelay $0x2  }
0xb8: {  	s31 =	sshll.u32 s1, $0xD;
	s1 =	sshrl.u32 s1, $0x2  }
0xb9: {  	s3 =	sand.u32 $0x4000, s31;
	s1 =	sadd.s32 s1, s30  }
0xba: {  	s0 =	sor.u32 s3, s0;
	s1 =	sshll.u32 s1, $0x11  }
0xbb: {  	s0 =	sor.u32 s1, s0  }
0xbc: {  	s0 =	sadd.s32 $0x8F2B, s0  }
0xbd: {  	[sflag:s0] =	ssyncadd.remote.s32 $0x1  }
0xbe: {  	_ =	sfence.sel $0xFFFF  }
0xbf: {  	[dreg:$0x0] =	wrdreg $0xFFFFFFFF;
	(pc) =	sbr.abs _section_cstart, $3  }
0xc0: {  	[dreg:$0x1] =	wrdreg $0xFFFFFFFF  }
0xc1: {  	_ =	task.clear_ibuf [dreg:s7], $0x2FFFF;
	_ =	strace $0x9FFFFFFF  }
0xc2: {  	(tm) =	ssettm $0x7FFFFFFF  }
0xc3: {  	_ =	shalt  }
tec
execute0_lowered:
.L_overlay_start_1:
0x0: {  	(tag) =	ssettag $0x1  }
0x1: {  	s5 =	rddreg [dreg:$0x0]  }
0x2: {  	s1 =	rddreg [dreg:$0x1]  }
0x3: {  	s0 =	rddreg [dreg:$0x2];
	s2 =	simm.s32 $0x0  }
0x4: {  	s3 =	srdreg.scid;
	s10 =	simm.s32 $0x1;
	s11 =	simm.s32 $0x4  }
0x5: {  	s12 =	simm.s32 $0x0;
	[smem:$0x7FF] =	sst s2;
	s4 =	sadd.s32 $0x3C00, s5  }
.Ltmp0:
0x6: {  	s6 =	sand.u32 $0x1, s3;
	s3 =	stileid.u32;
	(pc) =	sbr.rel .LBB2_1-.Ltmp0, $4  }
0x7: {  	s5 =	sadd.s32 $0x1C00, s5;
	s7 =	ssub.s32 $0x2, s6;
	s6 =	sshll.u32 s6, $0x4  }
0x8: {  	v1 =	vlaneseq.u32;
	_ =	strace $0x80000047;
	s8 =	sshrl.u32 s7, $0x1;
	s9 =	sor.u32 s3, s6  }
0x9: {  	v0 =	vshrl.u32 v1, $0x3;
	v1 =	vand.u32 $0x7, v1;
	s8 =	ssub.s32 s7, s8;
	s6 =	sshll.u32 s9, $0x1;
	s31 =	sshll.u32 s9, $0x8  }
0xa: {  	v2 =	vor.u32 $0x2, v0;
	v3 =	vmul.u32 $0x80, v1;
	s9 =	simm.s32 $0x2000;
	s7 =	sadd.s32 s5, s31;
	s8 =	smax.u32 s8, $0x1  }
.LBB2_6:
0xb: {  	s13 =	sand.u32 $0x1, s13  }
0xc: {  	_ =	strace $0x8000004D;
	s13 =	sadd.s32 $0x3, s13  }
0xd: {  	_ =	swait.ge [sflag:s13], $0x2000  }
0xe: {  	[sflag:s13] =	ssyncset.done $0x0  }
0xf: {  	s12 =	sadd.s32 $0x1, s12;
	[sflag:s13] =	ssyncadd.s32 $0xFFFFE000  }
0x10: {  	p0 =	sne.s32 s12, s8;
	_ =	strace $0x9000004D  }
.Ltmp1:
0x11: {  	_ =	strace $0x8000004E;
	(pc) =	sbr.rel @!p0 .LBB2_7-.Ltmp1, $4  }
0x12: {  	_ =	swait.ge [sflag:s11], $0x2000  }
0x13: {  	[sflag:s11] =	ssyncset.done $0x0  }
0x14: {  	[sflag:s11] =	ssyncadd.s32 $0xFFFFE000  }
0x15: {  	_ =	strace $0x9000004E  }
.LBB2_1:
0x16: {  	[tilespmem:s2], [sflag:$0x1] =	stream.linear.gather [hbm4b:s4+s2], $0x2000, $0x38;
	[tilespmem:$0x6800] =	vst v63  }
0x17: {  	_ =	swait.ge [sflag:s10], $0x2000  }
0x18: {  	p0 =	por $0x1, $0x1;
	p2 =	por $0x0, $0x0;
	[sflag:s10] =	ssyncset.done $0x0  }
0x19: {  	s19 =	simm.s32 $0x0;
	s13 =	simm.s32 $0x0;
	[sflag:s10] =	ssyncadd.s32 $0xFFFFE000  }
0x1a: {  	s17 =	simm.s32 $0x0;
	s14 =	simm.s32 $0x0;
	_ =	strace $0x80000048  }
0x1b: {  	[tilespmem:s9], [sflag:$0x1] =	stream.linear.gather [hbm4b:s7+s2], $0x400, $0x200038;
	[tilespmem:$0x6800] =	vst v63  }
0x1c: {  	s15 =	simm.s32 $0x1;
	s16 =	simm.s32 $0x0;
	_ =	strace $0x90000048  }
.LBB2_2:
0x1d: {  	s18 =	sadd.s32 $0x1, s19  }
0x1e: {  	p1 =	seq.s32 s18, $0x2  }
0x1f: {  	s18 =	simm.s32 @p1 $0x0  }
0x20: {  	p1 =	sne.s32 s19, s18  }
0x21: {  	p1 =	por !p0, !p1  }
0x22: {  	p1 =	por !p1, !p1  }
0x23: {  	s21 =	sadd.s32 @p1 s6, s18  }
0x24: {  	s20 =	sand.u32 @p1 $0x1, s15;
	_ =	strace @p1 $0x80000049;
	s21 =	sshll.u32 @p1 s21, $0x7  }
0x25: {  	s23 =	simm.s32 @p1 $0x0;
	s22 =	sshll.u32 @p1 s20, $0xA;
	s21 =	sand.u32 @p1 $0x1FFFFF80, s21  }
0x26: {  	s20 =	sadd.s32 @p1 $0x1, s20;
	s22 =	sor.u32 @p1 $0x2000, s22;
	s21 =	sadd.s32 @p1 s5, s21  }
0x27: {  	[tilespmem:s22], [sflag:s20] =	stream.linear.gather @p1 [hbm4b:s21+s23], $0x400, $0x200038;
	[tilespmem:$0x6800] =	vst v63  }
0x28: {  	s28 =	sand.u32 $0x1, s14;
	_ =	strace @p1 $0x90000049  }
0x29: {  	s29 =	simm.s32 $0x0;
	s20 =	sadd.s32 $0x1, s28;
	_ =	strace $0x8000004A  }
0x2a: {  	v4 =	vor.u32 s29, v0;
	_ =	swait.ge [sflag:s20], $0x400  }
0x2b: {  	v5 =	vor.u32 s29, v2;
	[sflag:s20] =	ssyncset.done $0x0  }
0x2c: {  	s30 =	sshll.u32 s14, $0xA;
	[sflag:s20] =	ssyncadd.s32 $0xFFFFFC00  }
0x2d: {  	s20 =	sand.u32 $0x400, s30;
	_ =	strace $0x9000004A  }
0x2e: {  	s23 =	sor.u32 $0x2000, s20;
	_ =	strace $0x8000004B  }
0x2f: {  	v6 =	vld.idx.msk [tilespmem:v4+s23+$0x0], $0xffff  }
0x30: {  	v7 =	vld.idx.msk [tilespmem:v5+s23+$0x0], $0xffff;
	_ =	sdelay $0x3  }
0x31: {  	v6 =	vshll.u32 v6, $0x3  }
0x32: {  	v7 =	vshll.u32 v7, $0x3;
	v6 =	vor.u32 v1, v6  }
0x33: {  	v8 =	vmov s29;
	v7 =	vor.u32 v1, v7  }
0x34: {  	v8 =	vshll.u32 v8, $0x3  }
0x35: {  	v8 =	vand.u32 $0x1C00, v8  }
0x36: {  	v9 =	vor.u32 v3, v8;
	v4 =	vand.u32 $0x7D, v4  }
0x37: {  	v5 =	vand.u32 $0x7F, v5;
	v8 =	vor.u32 v4, v9;
	v6 =	vld.idx.msk [tilespmem:v6+s2+$0x0], $0xffff  }
0x38: {  	s24 =	simm.s32 $0x4;
	s20 =	sand.u32 $0x1, s17;
	v9 =	vor.u32 v5, v9;
	v7 =	vld.idx.msk [tilespmem:v7+s2+$0x0], $0xffff  }
0x39: {  	s31 =	sshll.u32 s20, $0xD;
	v5 =	vor.u32 s24, v0  }
0x3a: {  	s25 =	simm.s32 $0x8;
	s22 =	sadd.s32 s6, s19;
	s21 =	sadd.s32 $0x2800, s31;
	v4 =	vor.u32 s24, v2  }
.LBB2_3:
0x3b: {  	p3 =	sne.s32 s25, $0x3FC  }
0x3c: {  	[tilespmem:v8+s21+$0x0] =	vst.idx.msk $0xffff, v6  }
0x3d: {  	[tilespmem:v9+s21+$0x0] =	vst.idx.msk $0xffff, v7  }
0x3e: {  	v6 =	vld.idx.msk [tilespmem:v5+s23+$0x0], $0xffff  }
0x3f: {  	v7 =	vld.idx.msk [tilespmem:v4+s23+$0x0], $0xffff;
	_ =	sdelay $0x4  }
0x40: {  	v6 =	vshll.u32 v6, $0x3  }
0x41: {  	v7 =	vshll.u32 v7, $0x3;
	v6 =	vor.u32 v1, v6  }
0x42: {  	v7 =	vor.u32 v1, v7  }
0x43: {  	v8 =	vmov s24;
	s24 =	smov.u32 s25  }
0x44: {  	v8 =	vshll.u32 v8, $0x3  }
0x45: {  	v8 =	vand.u32 $0x1C00, v8  }
.Ltmp2:
0x46: {  	v5 =	vand.u32 $0x7D, v5;
	v9 =	vor.u32 v3, v8;
	v6 =	vld.idx.msk [tilespmem:v6+s2+$0x0], $0xffff;
	(pc) =	sbr.rel @p3 .LBB2_3-.Ltmp2, $4  }
0x47: {  	v4 =	vand.u32 $0x7F, v4;
	v8 =	vor.u32 v5, v9;
	v7 =	vld.idx.msk [tilespmem:v7+s2+$0x0], $0xffff  }
0x48: {  	v9 =	vor.u32 v4, v9  }
0x49: {  	v5 =	vor.u32 s25, v0  }
0x4a: {  	v4 =	vor.u32 s24, v2;
	s25 =	sadd.s32 $0x4, s25  }
0x4b: {  	_ =	sdelay $0x3  }
0x4c: {  	[tilespmem:v8+s21+$0x0] =	vst.idx.msk $0xffff, v6  }
0x4d: {  	[tilespmem:v9+s21+$0x0] =	vst.idx.msk $0xffff, v7  }
0x4e: {  	v6 =	vld.idx.msk [tilespmem:v5+s23+$0x0], $0xffff  }
0x4f: {  	v7 =	vld.idx.msk [tilespmem:v4+s23+$0x0], $0xffff;
	_ =	sdelay $0x3  }
0x50: {  	v6 =	vshll.u32 v6, $0x3  }
0x51: {  	v7 =	vshll.u32 v7, $0x3;
	v6 =	vor.u32 v1, v6  }
0x52: {  	v63 =	vmov s24;
	v7 =	vor.u32 v1, v7  }
0x53: {  	v8 =	vshll.u32 v63, $0x3  }
0x54: {  	v8 =	vand.u32 $0x1C00, v8  }
0x55: {  	v5 =	vand.u32 $0x7D, v5;
	v8 =	vor.u32 v3, v8  }
0x56: {  	v4 =	vand.u32 $0x7F, v4;
	v5 =	vor.u32 v5, v8;
	v6 =	vld.idx.msk [tilespmem:v6+s2+$0x0], $0xffff  }
0x57: {  	v4 =	vor.u32 v4, v8;
	v7 =	vld.idx.msk [tilespmem:v7+s2+$0x0], $0xffff  }
0x58: {  	p3 =	seq.s32 s19, s18;
	p2 =	por !p2, !p2  }
0x59: {  	p2 =	por !p2, !p3  }
0x5a: {  	p2 =	por !p2, !p2  }
0x5b: {  	p0 =	por p2, p0;
	[tilespmem:v5+s21+$0x0] =	vst.idx.msk $0xffff, v6  }
.Ltmp3:
0x5c: {  	s19 =	sshll.u32 @!p2 s22, $0xA;
	[tilespmem:v4+s21+$0x0] =	vst.idx.msk $0xffff, v7;
	(pc) =	sbr.rel @!p0 .LBB2_6-.Ltmp3, $4  }
0x5d: {  	s20 =	sadd.s32 @!p2 $0x3, s20;
	s19 =	sand.u32 @!p2 $0x1FFFFC00, s19;
	_ =	strace $0x9000004B  }
0x5e: {  	s22 =	simm.s32 @!p2 $0x0;
	s19 =	sadd.s32 @!p2 s1, s19;
	_ =	strace @!p2 $0x8000004C  }
0x5f: {  	[hbm4b:s19+s22] =	stream.linear.scatter @!p2 [tilespmem:s21], [sflag:s20], $0x2000, $0x200038;
	[tilespmem:$0x6800] =	vst v63  }
0x60: {  	_ =	strace @!p2 $0x9000004C  }
.Ltmp4:
0x61: {  	s19 =	simm.s32 $0x1;
	s20 =	simm.s32 @!p2 $0x1;
	(pc) =	sbr.rel .LBB2_2-.Ltmp4, $4  }
0x62: {  	s21 =	sadd.s32 @!p2 $0x1, s17;
	s13 =	sadd.s32 s16, s13;
	s16 =	simm.s32 $0x1  }
0x63: {  	p0 =	por $0x0, $0x0;
	s19 =	simm.s32 @!p1 $0x0;
	s20 =	simm.s32 @p2 $0x0  }
0x64: {  	s21 =	smov.u32 @p2 s17;
	p2 =	por $0x1, $0x1;
	s15 =	sadd.s32 s19, s15  }
0x65: {  	s14 =	sadd.s32 s20, s14;
	s19 =	smov.u32 s18;
	s17 =	smov.u32 s21  }
.LBB2_7:
0x66: {  	_ =	sfence.sel $0x180000  }
0x67: {  	[bflag:$0x0] =	sbarrier.arrive $0xFFFF  }
0x68: {  	p0 =	sne.s32 s3, $0x0;
	_ =	strace $0x90000047  }
0x69: {  	s0 =	sadd.s32 @!p0 $0x100000, s0;
	[bflag:$0x2] =	sbarrier.arrive $0xFFFF  }
0x6a: {  	[sflag:s0] =	ssyncadd.tile.s32 @!p0 $0x1;
	_ =	shalt  }
.Lfunc_end2:
_tile_overlayer_lowered:
.L_overlay_start_2:
0x6b: {  	(tag) =	ssettag $0x2  }
0x6c: {  	s0 =	rddreg [dreg:$0x0];
	s2 =	stileid.u32  }
0x6d: {  	s1 =	rddreg [dreg:$0x1];
	p0 =	sne.s32 s2, $0x0  }
0x6e: {  	s3 =	rddreg [dreg:$0x2];
	[bflag:$0x3] =	sbarrier.arrive $0xFFFF;
	s2 =	simm.s32 @!p0 $0x1C01  }
0x6f: {  	[timem:s3], [sflag:s2] =	dma.local @!p0 [hbm:s0], s1  }
0x70: {  	s0 =	simm.s32 @!p0 $0x1  }
0x71: {  	_ =	swait.ge @!p0 [sflag:s0], s1  }
0x72: {  	s1 =	ssub.s32 @!p0 $0x0, s1;
	[sflag:s0] =	ssyncset.done @!p0 $0x0  }
0x73: {  	[sflag:s0] =	ssyncadd.s32 @!p0 s1  }
0x74: {  	[bflag:$0x3] =	sbarrier.arrive $0xFFFF  }
0x75: {  	_ =	shalt  }

// kernel: kernel.13.cloned.1.call-start
scs
__scs_entry_jumppad:
0x0: {  	(pc) =	sbr.rel $0x88, $3  }
0x1: {  	(tag) =	ssettag $0x0;
	lr =	simm.s32 $0x1  }
0x2: {  	[smem:$0x3F9C] =	sst lr;
	_ =	strace $0xD0000000  }
0x3: {  	_ = 	snop  }
0x4: {  	_ = 	snop  }
0x5: {  	_ = 	snop  }
0x6: {  	_ = 	snop  }
0x7: {  	_ = 	snop  }
__scs_overlays_trampoline_lowered:
0x8: {  	[smem:$0x3FAB] =	sst s0  }
0x9: {  	[smem:$0x3FAC] =	sst s1  }
0xa: {  	[smem:$0x3FAD] =	sst s2  }
0xb: {  	[smem:$0x3FAE] =	sst s3  }
0xc: {  	[smem:$0x3FAF] =	sst s4  }
0xd: {  	[smem:$0x3FB0] =	sst s5  }
0xe: {  	[smem:$0x3FB1] =	sst s6  }
0xf: {  	[smem:$0x3FB2] =	sst s7  }
0x10: {  	[smem:$0x3FB3] =	sst s8  }
0x11: {  	[smem:$0x3FB4] =	sst s9;
	s0 =	simm.s32 @!p0 $0x0  }
0x12: {  	s1 =	sld [smem:$0x3F9A];
	s0 =	simm.s32 @p0 $0x1  }
0x13: {  	[smem:$0x3FB5] =	sst s0;
	s0 =	simm.s32 @!p1 $0x0  }
0x14: {  	s2 =	sld [smem:$0x3F99];
	s0 =	simm.s32 @p1 $0x1  }
0x15: {  	[smem:$0x3FB6] =	sst s0;
	s0 =	simm.s32 @!p2 $0x0  }
0x16: {  	s3 =	sld [smem:$0x3FDB];
	s0 =	simm.s32 @p2 $0x1  }
0x17: {  	s4 =	simm.s32 $0x1BF5;
	[smem:$0x3FB8] =	sst s0  }
0x18: {  	s0 =	sld [smem:$0x3F9B];
	_ =	swait.ge [sflag:s4], $0x0  }
0x19: {  	s7 =	sld [smem:$0x3F9C]  }
0x1a: {  	s8 =	sadd.s32 $0xFFFFE003, lr  }
0x1b: {  	s9 =	sadd.s32 $0xFFFFFEF7, lr;
	s5 =	simm.s32 $0xFFFFFFFF;
	p2 =	slt.u32 s8, $0xFFFFF086  }
0x1c: {  	p1 =	slt.u32 s9, $0xF7A;
	s5 =	simm.s32 @!p2 $0x0  }
0x1d: {  	s5 =	simm.s32 @p1 $0x1;
	p0 =	seq.s32 s7, s2  }
0x1e: {  	s7 =	smul.u32 @!p0 $0xF7A, s2;
	p2 =	seq.s32 @!p0 s5, $0x0  }
0x1f: {  	s9 =	smul.u32 $0xF7A, s1;
	s8 =	simm.s32 @!p0 $0x1BF5;
	p2 =	por !p2, p0  }
0x20: {  	[sflag:s8] =	ssyncset.s32 @!p0 $0xFFFFF086;
	s6 =	sadd.s32 @!p0 s3, s7;
	s7 =	simm.s32 @!p0 $0x108  }
0x21: {  	s3 =	sadd.s32 s3, s9;
	s6 =	sadd.s32 @!p0 $0x88, s6;
	s7 =	simm.s32 @p2 $0x1082  }
0x22: {  	[simem:s7], [sflag:s8] =	dma.local @!p0 [hbm:s6], $0xF7A  }
0x23: {  	s9 =	sor.u32 $0xD0000000, s2;
	s6 =	simm.s32 $0x108;
	_ =	swait.ge @!p0 [sflag:s8], $0x0  }
0x24: {  	s3 =	sadd.s32 $0x88, s3;
	s6 =	simm.s32 @!p1 $0x1082;
	[sflag:s4] =	ssyncset.s32 $0xFFFFF086  }
0x25: {  	[simem:s6], [sflag:s4] =	dma.local [hbm:s3], $0xF7A  }
0x26: {  	[smem:$0x3F9C] =	sst s1;
	(tag) =	ssettag s2;
	_ =	strace s9  }
0x27: {  	s1 =	sld [smem:$0x3FAC]  }
0x28: {  	s2 =	sld [smem:$0x3FAD]  }
0x29: {  	s4 =	sld [smem:$0x3FAF]  }
0x2a: {  	p0 =	seq.s32 s5, $0x0;
	s5 =	sld [smem:$0x3FB0]  }
0x2b: {  	s6 =	sld [smem:$0x3FB1]  }
0x2c: {  	s7 =	sld [smem:$0x3FB2]  }
0x2d: {  	s3 =	simm.s32 $0x108;
	s8 =	sld [smem:$0x3FB3]  }
0x2e: {  	s3 =	simm.s32 @!p0 $0x1082;
	s9 =	sld [smem:$0x3FB4]  }
0x2f: {  	lr =	sadd.s32 s0, s3;
	s0 =	sld [smem:$0x3FAB]  }
0x30: {  	s3 =	sld [smem:$0x3FAE]  }
0x31: {  	[smem:$0x3FB7] =	sst s10  }
0x32: {  	s10 =	sld [smem:$0x3FB5];
	_ =	sdelay $0x3  }
0x33: {  	p0 =	seq.s32 s10, $0x1;
	s10 =	sld [smem:$0x3FB7];
	_ =	sdelay $0x3  }
0x34: {  	[smem:$0x3FB7] =	sst s10  }
0x35: {  	s10 =	sld [smem:$0x3FB6];
	_ =	sdelay $0x3  }
0x36: {  	p1 =	seq.s32 s10, $0x1;
	s10 =	sld [smem:$0x3FB7];
	_ =	sdelay $0x3  }
0x37: {  	[smem:$0x3FB7] =	sst s10  }
0x38: {  	s10 =	sld [smem:$0x3FB8]  }
0x39: {  	_ = 	snop;
	(pc) =	sbr.ind lr, $3  }
0x3a: {  	_ = 	snop  }
0x3b: {  	_ = 	snop  }
0x3c: {  	p2 =	seq.s32 s10, $0x1;
	s10 =	sld [smem:$0x3FB7]  }
0x3d: {  	_ =	shalt  }
0x3e: {  	_ =	shalt  }
0x3f: {  	_ =	shalt  }
0x40: {  	_ =	shalt  }
0x41: {  	_ =	shalt  }
0x42: {  	_ =	shalt  }
0x43: {  	_ =	shalt  }
0x44: {  	_ =	shalt  }
0x45: {  	_ =	shalt  }
0x46: {  	_ =	shalt  }
0x47: {  	_ =	shalt  }
0x48: {  	_ =	shalt  }
0x49: {  	_ =	shalt  }
0x4a: {  	_ =	shalt  }
0x4b: {  	_ =	shalt  }
0x4c: {  	_ =	shalt  }
0x4d: {  	_ =	shalt  }
0x4e: {  	_ =	shalt  }
0x4f: {  	_ =	shalt  }
0x50: {  	_ =	shalt  }
0x51: {  	_ =	shalt  }
0x52: {  	_ =	shalt  }
0x53: {  	_ =	shalt  }
0x54: {  	_ =	shalt  }
0x55: {  	_ =	shalt  }
0x56: {  	_ =	shalt  }
0x57: {  	_ =	shalt  }
0x58: {  	_ =	shalt  }
0x59: {  	_ =	shalt  }
0x5a: {  	_ =	shalt  }
0x5b: {  	_ =	shalt  }
0x5c: {  	_ =	shalt  }
0x5d: {  	_ =	shalt  }
0x5e: {  	_ =	shalt  }
0x5f: {  	_ =	shalt  }
0x60: {  	_ =	shalt  }
0x61: {  	_ =	shalt  }
0x62: {  	_ =	shalt  }
0x63: {  	_ =	shalt  }
0x64: {  	_ =	shalt  }
0x65: {  	_ =	shalt  }
0x66: {  	_ =	shalt  }
0x67: {  	_ =	shalt  }
0x68: {  	_ =	shalt  }
0x69: {  	_ =	shalt  }
0x6a: {  	_ =	shalt  }
0x6b: {  	_ =	shalt  }
0x6c: {  	_ =	shalt  }
0x6d: {  	_ =	shalt  }
0x6e: {  	_ =	shalt  }
0x6f: {  	_ =	shalt  }
0x70: {  	_ =	shalt  }
0x71: {  	_ =	shalt  }
0x72: {  	_ =	shalt  }
0x73: {  	_ =	shalt  }
0x74: {  	_ =	shalt  }
0x75: {  	_ =	shalt  }
0x76: {  	_ =	shalt  }
0x77: {  	_ =	shalt  }
0x78: {  	_ =	shalt  }
0x79: {  	_ =	shalt  }
0x7a: {  	_ =	shalt  }
0x7b: {  	_ =	shalt  }
0x7c: {  	_ =	shalt  }
0x7d: {  	_ =	shalt  }
0x7e: {  	_ =	shalt  }
0x7f: {  	_ =	shalt  }
0x80: {  	_ =	shalt  }
0x81: {  	_ =	shalt  }
0x82: {  	_ =	shalt  }
0x83: {  	_ =	shalt  }
0x84: {  	_ =	shalt  }
0x85: {  	_ =	shalt  }
0x86: {  	_ =	shalt  }
0x87: {  	_ =	shalt  }
.Lfunc_end0:
.L_simem_size_0:
called_computation.1_lowered:
.L_overlay_start_0:
0x88: {  	s2 =	sld [smem:$0x3FD9]  }
0x89: {  	s3 =	sld [smem:$0x3FFE];
	_ =	sdelay $0x1  }
0x8a: {  	s1 =	srdreg.scid  }
0x8b: {  	s0 =	sand.u32 $0x1, s1  }
0x8c: {  	s17 =	sshll.u32 s0, $0xA;
	s2 =	sadd.s32 s3, s2  }
0x8d: {  	s2 =	sadd.s32 s2, s17  }
0x8e: {  	[smem:$0x3FC3] =	sst s2  }
0x8f: {  	_ = 	snop  }
0x90: {  	(tm) =	ssettm $0x1  }
0x91: {  	s18 =	sld [smem:$0x3FFB];
	_ =	sdelay $0x3  }
0x92: {  	_ =	strace s18  }
0x93: {  	s2 =	sld [smem:$0x3FFC];
	_ =	sdelay $0x3  }
0x94: {  	_ =	strace s2  }
0x95: {  	s2 =	sld [smem:$0x3FFD];
	_ =	sdelay $0x3  }
0x96: {  	_ =	strace s2  }
0x97: {  	_ =	strace $0x8FFFFFFF  }
0x98: {  	s19 =	sld [smem:$0x3FDB];
	_ =	sdelay $0x1  }
0x99: {  	s20 =	simm.s32 $_scs_section_size  }
0x9a: {  	s4 =	simm.s32 $_size__tile_overlayer_lowered;
	s5 =	simm.s32 $_tile_overlayer_lowered  }
0x9b: {  	s6 =	simm.s32 $0x1BFF;
	s21 =	sshll.u32 s5, $0x1;
	s3 =	sadd.s32 s20, s19  }
0x9c: {  	s22 =	simm.s32 $0x0;
	s4 =	sshll.u32 s4, $0x1;
	s5 =	sadd.s32 s21, s3  }
0x9d: {  	[timem:s22], [sflag:s6] =	dma.local [hbm:s5], s4  }
0x9e: {  	_ =	swait.ge [sflag:s6], s4  }
0x9f: {  	s4 =	ssub.s32 $0x0, s4;
	[sflag:s6] =	ssyncset.done $0x0  }
0xa0: {  	[sflag:s6] =	ssyncadd.s32 s4;
	_ =	sdelay $0x1  }
0xa1: {  	s23 =	simm.s32 $0x1B8B  }
0xa2: {  	_ =	swait.ge [sflag:s23], $0x1  }
0xa3: {  	[sflag:s23] =	ssyncset.done $0x0  }
0xa4: {  	[sflag:s23] =	ssyncadd.s32 $0xFFFFFFFF  }
0xa5: {  	s4 =	sld [smem:$0x0]  }
0xa6: {  	s5 =	sand.u32 $0xFFFFFFFE, s1  }
0xa7: {  	p0 =	sne.s32 s1, s5  }
0xa8: {  	s5 =	sshll.u32 @p0 s5, $0xE  }
0xa9: {  	s5 =	sadd.s32 @p0 $0x11B8D, s5;
	s6 =	sshll.u32 @p0 s4, $0x11  }
0xaa: {  	s5 =	sor.u32 @p0 s6, s5  }
0xab: {  	[sflag:s5] =	ssyncadd.remote.s32 @p0 $0x1;
	_ =	sdelay $0x1  }
0xac: {  	s5 =	simm.s32 @p0 $0x1B8D  }
0xad: {  	_ =	swait.eq @p0 [sflag:s5], $0x1  }
0xae: {  	[sflag:s5] =	ssyncadd.s32 @p0 $0xFFFFFFFF  }
0xaf: {  	s6 =	sshll.u32 @!p0 s1, $0xE  }
0xb0: {  	s6 =	sor.u32 @!p0 $0x4000, s6;
	s5 =	simm.s32 @!p0 $0x1B8D  }
0xb1: {  	s4 =	sshll.u32 @!p0 s4, $0x11;
	s6 =	sadd.s32 @!p0 $0x11B8D, s6;
	_ =	swait.eq @!p0 [sflag:s5], $0x1  }
0xb2: {  	s4 =	sor.u32 @!p0 s4, s6;
	[sflag:s5] =	ssyncadd.s32 @!p0 $0xFFFFFFFF  }
0xb3: {  	s25 =	simm.s32 $0x1B8E;
	s24 =	sld [smem:$0x3FFE];
	[sflag:s4] =	ssyncadd.remote.s32 @!p0 $0x1  }
0xb4: {  	s26 =	simm.s32 $execute0_lowered;
	[smem:$0x3FD2] =	sst s25  }
0xb5: {  	s5 =	sshll.u32 s26, $0x1;
	_ =	strace $0x80000050;
	[dreg:$0x1] =	wrdreg $0xFFFFFFFF  }
0xb6: {  	s28 =	simm.s32 $_size_execute0_lowered;
	s3 =	sadd.s32 s3, s5;
	[dreg:$0x0] =	wrdreg $0x0  }
0xb7: {  	s5 =	sshll.u32 s28, $0x1;
	[dreg:$0x2] =	wrdreg s3  }
0xb8: {  	[dreg:$0x3] =	wrdreg s5  }
0xb9: {  	[dreg:$0x4] =	wrdreg $0xC0  }
0xba: {  	_ =	task [dreg:s22], $0x5FFFF  }
0xbb: {  	[dreg:$0x1] =	wrdreg $0xFFFFFFFF  }
0xbc: {  	[dreg:$0x0] =	wrdreg $0x60  }
0xbd: {  	[dreg:$0x2] =	wrdreg s24  }
0xbe: {  	[dreg:$0x3] =	wrdreg $0xA  }
0xbf: {  	_ =	task.clear_ibuf [dreg:s22], $0x4FFFF;
	_ =	strace $0x90000050  }
0xc0: {  	s29 =	simm.s32 $0xA;
	_ =	strace $0x80000059  }
0xc1: {  	_ =	swait.ge [sflag:s29], $0x1  }
0xc2: {  	[sflag:s29] =	ssyncadd.s32 $0xFFFFFFFF  }
0xc3: {  	_ =	strace $0x90000059  }
0xc4: {  	_ =	sfence  }
0xc5: {  	s30 =	sld [smem:$0x0];
	_ =	sdelay $0x2  }
0xc6: {  	s31 =	sshll.u32 s1, $0xD;
	s1 =	sshrl.u32 s1, $0x2  }
0xc7: {  	s4 =	sand.u32 $0x4000, s31;
	s1 =	sadd.s32 s1, s30  }
0xc8: {  	s0 =	sor.u32 s4, s0;
	s1 =	sshll.u32 s1, $0x11  }
0xc9: {  	s0 =	sor.u32 s1, s0  }
0xca: {  	s0 =	sadd.s32 $0x8F2B, s0  }
0xcb: {  	[sflag:s0] =	ssyncadd.remote.s32 $0x1  }
0xcc: {  	_ =	sfence.sel $0xFFFF  }
0xcd: {  	[dreg:$0x0] =	wrdreg $0xFFFFFFFF;
	(pc) =	sbr.abs _section_cstart, $3  }
0xce: {  	[dreg:$0x1] =	wrdreg $0xFFFFFFFF  }
0xcf: {  	_ =	task.clear_ibuf [dreg:s22], $0x2FFFF;
	_ =	strace $0x9FFFFFFF  }
0xd0: {  	(tm) =	ssettm $0x7FFFFFFF  }
0xd1: {  	_ =	shalt  }
tec
execute0_lowered:
.L_overlay_start_1:
0x0: {  	(tag) =	ssettag $0x1  }
0x1: {  	s5 =	rddreg [dreg:$0x0]  }
0x2: {  	s0 =	rddreg [dreg:$0x1];
	s1 =	simm.s32 $0x0  }
0x3: {  	s2 =	srdreg.scid;
	s10 =	simm.s32 $0x1;
	s11 =	simm.s32 $0x4  }
0x4: {  	s12 =	simm.s32 $0x0;
	[smem:$0x7FF] =	sst s1;
	s4 =	sand.u32 $0x1, s2  }
0x5: {  	s2 =	stileid.u32;
	s3 =	sadd.s32 $0x3C00, s5;
	s6 =	sshll.u32 s4, $0x4  }
0x6: {  	_ =	strace $0x80000051;
	s7 =	ssub.s32 $0x2, s4;
	s6 =	sor.u32 s2, s6  }
0x7: {  	v1 =	vlaneseq.u32;
	s4 =	sadd.s32 $0x4000, s5;
	s8 =	sshrl.u32 s7, $0x1;
	s9 =	smul.u32 $0x300, s6  }
0x8: {  	v0 =	vshrl.u32 v1, $0x3;
	v1 =	vand.u32 $0x7, v1;
	s5 =	sadd.s32 $0xA000, s5;
	s8 =	ssub.s32 s7, s8;
	s6 =	smul.u32 $0x6, s6  }
0x9: {  	v2 =	vor.u32 $0x2, v0;
	v3 =	vmul.u32 $0x80, v1;
	s8 =	smax.u32 s8, $0x1;
	s7 =	sadd.s32 s4, s9;
	s9 =	simm.s32 $0x2000  }
.LBB2_1:
0xa: {  	[tilespmem:s1], [sflag:$0x1] =	stream.linear.gather [hbm4b:s3+s1], $0x2000, $0x38;
	[tilespmem:$0x6800] =	vst v63  }
0xb: {  	_ =	swait.ge [sflag:s10], $0x2000  }
0xc: {  	[sflag:s10] =	ssyncset.done $0x0  }
0xd: {  	s13 =	simm.s32 $0x0;
	s14 =	simm.s32 $0x0;
	[sflag:s10] =	ssyncadd.s32 $0xFFFFE000  }
0xe: {  	s15 =	simm.s32 $0x0;
	s16 =	simm.s32 $0x0;
	_ =	strace $0x80000052  }
0xf: {  	[tilespmem:s9], [sflag:$0x1] =	stream.linear.gather [hbm4b:s7+s1], $0x400, $0x200038;
	[tilespmem:$0x6800] =	vst v63  }
0x10: {  	s17 =	simm.s32 $0x1;
	s18 =	simm.s32 $0x0;
	_ =	strace $0x90000052  }
.LBB2_2:
0x11: {  	s20 =	smov.u32 s13;
	s13 =	sadd.s32 $0x1, s13  }
0x12: {  	p0 =	seq.s32 s13, $0x6  }
0x13: {  	s13 =	simm.s32 @p0 $0x0  }
0x14: {  	p6 =	sne.s32 s18, $0x5;
	p1 =	sne.s32 s20, s13  }
0x15: {  	p0 =	por !p6, !p1  }
0x16: {  	p0 =	por !p0, !p0  }
0x17: {  	s21 =	sadd.s32 @p0 s6, s13  }
0x18: {  	s19 =	sand.u32 @p0 $0x1, s17;
	_ =	strace @p0 $0x80000053;
	s21 =	sshll.u32 @p0 s21, $0x7  }
0x19: {  	s23 =	simm.s32 @p0 $0x0;
	s22 =	sshll.u32 @p0 s19, $0xA;
	s21 =	sand.u32 @p0 $0x1FFFFF80, s21  }
0x1a: {  	s19 =	sadd.s32 @p0 $0x1, s19;
	s22 =	sor.u32 @p0 $0x2000, s22;
	s21 =	sadd.s32 @p0 s4, s21  }
0x1b: {  	[tilespmem:s22], [sflag:s19] =	stream.linear.gather @p0 [hbm4b:s21+s23], $0x400, $0x200038;
	[tilespmem:$0x6800] =	vst v63  }
0x1c: {  	s29 =	sand.u32 $0x1, s16;
	_ =	strace @p0 $0x90000053  }
0x1d: {  	s30 =	simm.s32 $0x0;
	s19 =	sadd.s32 $0x1, s29;
	_ =	strace $0x80000054  }
0x1e: {  	v4 =	vor.u32 s30, v0;
	_ =	swait.ge [sflag:s19], $0x400  }
0x1f: {  	v5 =	vor.u32 s30, v2;
	[sflag:s19] =	ssyncset.done $0x0  }
0x20: {  	s31 =	sshll.u32 s16, $0xA;
	[sflag:s19] =	ssyncadd.s32 $0xFFFFFC00  }
0x21: {  	s19 =	sand.u32 $0x400, s31;
	_ =	strace $0x90000054  }
0x22: {  	s22 =	sor.u32 $0x2000, s19;
	_ =	strace $0x80000055  }
0x23: {  	v6 =	vld.idx.msk [tilespmem:v4+s22+$0x0], $0xffff  }
0x24: {  	v7 =	vld.idx.msk [tilespmem:v5+s22+$0x0], $0xffff;
	_ =	sdelay $0x3  }
0x25: {  	v6 =	vshll.u32 v6, $0x3  }
0x26: {  	v7 =	vshll.u32 v7, $0x3;
	v6 =	vor.u32 v1, v6  }
0x27: {  	v8 =	vmov s30;
	v7 =	vor.u32 v1, v7  }
0x28: {  	v8 =	vshll.u32 v8, $0x3  }
0x29: {  	v8 =	vand.u32 $0x1C00, v8  }
0x2a: {  	v9 =	vor.u32 v3, v8;
	v4 =	vand.u32 $0x7D, v4  }
0x2b: {  	v5 =	vand.u32 $0x7F, v5;
	v8 =	vor.u32 v4, v9;
	v6 =	vld.idx.msk [tilespmem:v6+s1+$0x0], $0xffff  }
0x2c: {  	s23 =	simm.s32 $0x4;
	s19 =	sand.u32 $0x1, s15;
	v9 =	vor.u32 v5, v9;
	v7 =	vld.idx.msk [tilespmem:v7+s1+$0x0], $0xffff  }
0x2d: {  	s24 =	sshll.u32 s19, $0xD;
	v5 =	vor.u32 s23, v0  }
0x2e: {  	s21 =	sadd.s32 s6, s20;
	s20 =	sadd.s32 $0x2800, s24;
	s24 =	simm.s32 $0x8;
	v4 =	vor.u32 s23, v2  }
.LBB2_3:
0x2f: {  	p2 =	sne.s32 s24, $0x3FC  }
0x30: {  	[tilespmem:v8+s20+$0x0] =	vst.idx.msk $0xffff, v6  }
0x31: {  	[tilespmem:v9+s20+$0x0] =	vst.idx.msk $0xffff, v7  }
0x32: {  	v6 =	vld.idx.msk [tilespmem:v5+s22+$0x0], $0xffff  }
0x33: {  	v7 =	vld.idx.msk [tilespmem:v4+s22+$0x0], $0xffff;
	_ =	sdelay $0x4  }
0x34: {  	v6 =	vshll.u32 v6, $0x3  }
0x35: {  	v7 =	vshll.u32 v7, $0x3;
	v6 =	vor.u32 v1, v6  }
0x36: {  	v7 =	vor.u32 v1, v7  }
0x37: {  	v8 =	vmov s23;
	s23 =	smov.u32 s24  }
0x38: {  	v8 =	vshll.u32 v8, $0x3  }
0x39: {  	v8 =	vand.u32 $0x1C00, v8  }
.Ltmp0:
0x3a: {  	v5 =	vand.u32 $0x7D, v5;
	v9 =	vor.u32 v3, v8;
	v6 =	vld.idx.msk [tilespmem:v6+s1+$0x0], $0xffff;
	(pc) =	sbr.rel @p2 .LBB2_3-.Ltmp0, $4  }
0x3b: {  	v4 =	vand.u32 $0x7F, v4;
	v8 =	vor.u32 v5, v9;
	v7 =	vld.idx.msk [tilespmem:v7+s1+$0x0], $0xffff  }
0x3c: {  	v9 =	vor.u32 v4, v9  }
0x3d: {  	v5 =	vor.u32 s24, v0  }
0x3e: {  	v4 =	vor.u32 s23, v2;
	s24 =	sadd.s32 $0x4, s24  }
0x3f: {  	_ =	sdelay $0x3  }
0x40: {  	[tilespmem:v8+s20+$0x0] =	vst.idx.msk $0xffff, v6  }
0x41: {  	[tilespmem:v9+s20+$0x0] =	vst.idx.msk $0xffff, v7  }
0x42: {  	v6 =	vld.idx.msk [tilespmem:v5+s22+$0x0], $0xffff  }
0x43: {  	v7 =	vld.idx.msk [tilespmem:v4+s22+$0x0], $0xffff;
	_ =	sdelay $0x3  }
0x44: {  	v6 =	vshll.u32 v6, $0x3  }
0x45: {  	v7 =	vshll.u32 v7, $0x3;
	v6 =	vor.u32 v1, v6  }
0x46: {  	v63 =	vmov s23;
	v7 =	vor.u32 v1, v7  }
0x47: {  	v8 =	vshll.u32 v63, $0x3  }
0x48: {  	v8 =	vand.u32 $0x1C00, v8  }
0x49: {  	v5 =	vand.u32 $0x7D, v5;
	v8 =	vor.u32 v3, v8  }
0x4a: {  	v4 =	vand.u32 $0x7F, v4;
	v5 =	vor.u32 v5, v8;
	v6 =	vld.idx.msk [tilespmem:v6+s1+$0x0], $0xffff  }
0x4b: {  	v4 =	vor.u32 v4, v8;
	v7 =	vld.idx.msk [tilespmem:v7+s1+$0x0], $0xffff;
	_ =	sdelay $0x2  }
0x4c: {  	p2 =	seq.s32 s18, $0x5  }
0x4d: {  	p1 =	por p2, p1;
	s22 =	simm.s32 $0x1;
	[tilespmem:v5+s20+$0x0] =	vst.idx.msk $0xffff, v6  }
0x4e: {  	s21 =	sshll.u32 @p1 s21, $0xA;
	s19 =	sadd.s32 @p1 $0x3, s19;
	s23 =	simm.s32 @p1 $0x0;
	[tilespmem:v4+s20+$0x0] =	vst.idx.msk $0xffff, v7  }
0x4f: {  	s22 =	simm.s32 @!p0 $0x0;
	s21 =	sand.u32 @p1 $0x1FFFFC00, s21;
	_ =	strace $0x90000055  }
0x50: {  	p0 =	seq.s32 s18, $0x0;
	s21 =	sadd.s32 @p1 s5, s21;
	_ =	strace @p1 $0x80000056  }
0x51: {  	[hbm4b:s21+s23] =	stream.linear.scatter @p1 [tilespmem:s20], [sflag:s19], $0x2000, $0x200038;
	[tilespmem:$0x6800] =	vst v63  }
0x52: {  	s19 =	simm.s32 $0x1;
	s21 =	simm.s32 $0x1;
	_ =	strace @p1 $0x90000056  }
0x53: {  	s19 =	simm.s32 @!p1 $0x0;
	p1 =	sne.s32 s18, $0x0;
	s18 =	sadd.s32 $0x1, s18  }
0x54: {  	s20 =	sand.u32 @!p0 $0x1, s14;
	s21 =	simm.s32 @!p1 $0x0;
	p1 =	sne.s32 s18, $0x6  }
.Ltmp1:
0x55: {  	s20 =	sadd.s32 @!p0 $0x3, s20;
	_ =	strace @!p0 $0x80000057;
	(pc) =	sbr.rel @p1 .LBB2_2-.Ltmp1, $4  }
0x56: {  	_ =	swait.ge @!p0 [sflag:s20], $0x2000  }
0x57: {  	[sflag:s20] =	ssyncset.done @!p0 $0x0  }
0x58: {  	s17 =	sadd.s32 s22, s17;
	s15 =	sadd.s32 s19, s15;
	[sflag:s20] =	ssyncadd.s32 @!p0 $0xFFFFE000  }
0x59: {  	s16 =	sadd.s32 s19, s16;
	s14 =	sadd.s32 s21, s14;
	_ =	strace @!p0 $0x90000057  }
0x5a: {  	s12 =	sadd.s32 $0x1, s12  }
0x5b: {  	p0 =	sne.s32 s12, s8  }
.Ltmp2:
0x5c: {  	_ =	strace $0x80000058;
	(pc) =	sbr.rel @p0 .LBB2_1-.Ltmp2, $4  }
0x5d: {  	_ =	swait.ge [sflag:s11], $0x2000  }
0x5e: {  	[sflag:s11] =	ssyncset.done $0x0  }
0x5f: {  	[sflag:s11] =	ssyncadd.s32 $0xFFFFE000  }
0x60: {  	_ =	strace $0x90000058  }
0x61: {  	_ =	sfence.sel $0x180000  }
0x62: {  	[bflag:$0x0] =	sbarrier.arrive $0xFFFF  }
0x63: {  	p0 =	sne.s32 s2, $0x0;
	_ =	strace $0x90000051  }
0x64: {  	s0 =	sadd.s32 @!p0 $0x100000, s0;
	[bflag:$0x2] =	sbarrier.arrive $0xFFFF  }
0x65: {  	[sflag:s0] =	ssyncadd.tile.s32 @!p0 $0x1;
	_ =	shalt  }
.Lfunc_end2:
_tile_overlayer_lowered:
.L_overlay_start_2:
0x66: {  	(tag) =	ssettag $0x2  }
0x67: {  	s0 =	rddreg [dreg:$0x0];
	s2 =	stileid.u32  }
0x68: {  	s1 =	rddreg [dreg:$0x1];
	p0 =	sne.s32 s2, $0x0  }
0x69: {  	s3 =	rddreg [dreg:$0x2];
	[bflag:$0x3] =	sbarrier.arrive $0xFFFF;
	s2 =	simm.s32 @!p0 $0x1C01  }
0x6a: {  	[timem:s3], [sflag:s2] =	dma.local @!p0 [hbm:s0], s1  }
0x6b: {  	s0 =	simm.s32 @!p0 $0x1  }
0x6c: {  	_ =	swait.ge @!p0 [sflag:s0], s1  }
0x6d: {  	s1 =	ssub.s32 @!p0 $0x0, s1;
	[sflag:s0] =	ssyncset.done @!p0 $0x0  }
0x6e: {  	[sflag:s0] =	ssyncadd.s32 @!p0 s1  }
0x6f: {  	[bflag:$0x3] =	sbarrier.arrive $0xFFFF  }
0x70: {  	_ =	shalt  }

// kernel: kernel.16.cloned.1.call-start
scs
__scs_entry_jumppad:
0x0: {  	(pc) =	sbr.rel $0x88, $3  }
0x1: {  	(tag) =	ssettag $0x0;
	lr =	simm.s32 $0x1  }
0x2: {  	[smem:$0x3F9C] =	sst lr;
	_ =	strace $0xD0000000  }
0x3: {  	_ = 	snop  }
0x4: {  	_ = 	snop  }
0x5: {  	_ = 	snop  }
0x6: {  	_ = 	snop  }
0x7: {  	_ = 	snop  }
__scs_overlays_trampoline_lowered:
0x8: {  	[smem:$0x3FAB] =	sst s0  }
0x9: {  	[smem:$0x3FAC] =	sst s1  }
0xa: {  	[smem:$0x3FAD] =	sst s2  }
0xb: {  	[smem:$0x3FAE] =	sst s3  }
0xc: {  	[smem:$0x3FAF] =	sst s4  }
0xd: {  	[smem:$0x3FB0] =	sst s5  }
0xe: {  	[smem:$0x3FB1] =	sst s6  }
0xf: {  	[smem:$0x3FB2] =	sst s7  }
0x10: {  	[smem:$0x3FB3] =	sst s8  }
0x11: {  	[smem:$0x3FB4] =	sst s9;
	s0 =	simm.s32 @!p0 $0x0  }
0x12: {  	s1 =	sld [smem:$0x3F9A];
	s0 =	simm.s32 @p0 $0x1  }
0x13: {  	[smem:$0x3FB5] =	sst s0;
	s0 =	simm.s32 @!p1 $0x0  }
0x14: {  	s2 =	sld [smem:$0x3F99];
	s0 =	simm.s32 @p1 $0x1  }
0x15: {  	[smem:$0x3FB6] =	sst s0;
	s0 =	simm.s32 @!p2 $0x0  }
0x16: {  	s3 =	sld [smem:$0x3FDB];
	s0 =	simm.s32 @p2 $0x1  }
0x17: {  	s4 =	simm.s32 $0x1BF5;
	[smem:$0x3FB8] =	sst s0  }
0x18: {  	s0 =	sld [smem:$0x3F9B];
	_ =	swait.ge [sflag:s4], $0x0  }
0x19: {  	s7 =	sld [smem:$0x3F9C]  }
0x1a: {  	s8 =	sadd.s32 $0xFFFFE003, lr  }
0x1b: {  	s9 =	sadd.s32 $0xFFFFFEF7, lr;
	s5 =	simm.s32 $0xFFFFFFFF;
	p2 =	slt.u32 s8, $0xFFFFF086  }
0x1c: {  	p1 =	slt.u32 s9, $0xF7A;
	s5 =	simm.s32 @!p2 $0x0  }
0x1d: {  	s5 =	simm.s32 @p1 $0x1;
	p0 =	seq.s32 s7, s2  }
0x1e: {  	s7 =	smul.u32 @!p0 $0xF7A, s2;
	p2 =	seq.s32 @!p0 s5, $0x0  }
0x1f: {  	s9 =	smul.u32 $0xF7A, s1;
	s8 =	simm.s32 @!p0 $0x1BF5;
	p2 =	por !p2, p0  }
0x20: {  	[sflag:s8] =	ssyncset.s32 @!p0 $0xFFFFF086;
	s6 =	sadd.s32 @!p0 s3, s7;
	s7 =	simm.s32 @!p0 $0x108  }
0x21: {  	s3 =	sadd.s32 s3, s9;
	s6 =	sadd.s32 @!p0 $0x88, s6;
	s7 =	simm.s32 @p2 $0x1082  }
0x22: {  	[simem:s7], [sflag:s8] =	dma.local @!p0 [hbm:s6], $0xF7A  }
0x23: {  	s9 =	sor.u32 $0xD0000000, s2;
	s6 =	simm.s32 $0x108;
	_ =	swait.ge @!p0 [sflag:s8], $0x0  }
0x24: {  	s3 =	sadd.s32 $0x88, s3;
	s6 =	simm.s32 @!p1 $0x1082;
	[sflag:s4] =	ssyncset.s32 $0xFFFFF086  }
0x25: {  	[simem:s6], [sflag:s4] =	dma.local [hbm:s3], $0xF7A  }
0x26: {  	[smem:$0x3F9C] =	sst s1;
	(tag) =	ssettag s2;
	_ =	strace s9  }
0x27: {  	s1 =	sld [smem:$0x3FAC]  }
0x28: {  	s2 =	sld [smem:$0x3FAD]  }
0x29: {  	s4 =	sld [smem:$0x3FAF]  }
0x2a: {  	p0 =	seq.s32 s5, $0x0;
	s5 =	sld [smem:$0x3FB0]  }
0x2b: {  	s6 =	sld [smem:$0x3FB1]  }
0x2c: {  	s7 =	sld [smem:$0x3FB2]  }
0x2d: {  	s3 =	simm.s32 $0x108;
	s8 =	sld [smem:$0x3FB3]  }
0x2e: {  	s3 =	simm.s32 @!p0 $0x1082;
	s9 =	sld [smem:$0x3FB4]  }
0x2f: {  	lr =	sadd.s32 s0, s3;
	s0 =	sld [smem:$0x3FAB]  }
0x30: {  	s3 =	sld [smem:$0x3FAE]  }
0x31: {  	[smem:$0x3FB7] =	sst s10  }
0x32: {  	s10 =	sld [smem:$0x3FB5];
	_ =	sdelay $0x3  }
0x33: {  	p0 =	seq.s32 s10, $0x1;
	s10 =	sld [smem:$0x3FB7];
	_ =	sdelay $0x3  }
0x34: {  	[smem:$0x3FB7] =	sst s10  }
0x35: {  	s10 =	sld [smem:$0x3FB6];
	_ =	sdelay $0x3  }
0x36: {  	p1 =	seq.s32 s10, $0x1;
	s10 =	sld [smem:$0x3FB7];
	_ =	sdelay $0x3  }
0x37: {  	[smem:$0x3FB7] =	sst s10  }
0x38: {  	s10 =	sld [smem:$0x3FB8]  }
0x39: {  	_ = 	snop;
	(pc) =	sbr.ind lr, $3  }
0x3a: {  	_ = 	snop  }
0x3b: {  	_ = 	snop  }
0x3c: {  	p2 =	seq.s32 s10, $0x1;
	s10 =	sld [smem:$0x3FB7]  }
0x3d: {  	_ =	shalt  }
0x3e: {  	_ =	shalt  }
0x3f: {  	_ =	shalt  }
0x40: {  	_ =	shalt  }
0x41: {  	_ =	shalt  }
0x42: {  	_ =	shalt  }
0x43: {  	_ =	shalt  }
0x44: {  	_ =	shalt  }
0x45: {  	_ =	shalt  }
0x46: {  	_ =	shalt  }
0x47: {  	_ =	shalt  }
0x48: {  	_ =	shalt  }
0x49: {  	_ =	shalt  }
0x4a: {  	_ =	shalt  }
0x4b: {  	_ =	shalt  }
0x4c: {  	_ =	shalt  }
0x4d: {  	_ =	shalt  }
0x4e: {  	_ =	shalt  }
0x4f: {  	_ =	shalt  }
0x50: {  	_ =	shalt  }
0x51: {  	_ =	shalt  }
0x52: {  	_ =	shalt  }
0x53: {  	_ =	shalt  }
0x54: {  	_ =	shalt  }
0x55: {  	_ =	shalt  }
0x56: {  	_ =	shalt  }
0x57: {  	_ =	shalt  }
0x58: {  	_ =	shalt  }
0x59: {  	_ =	shalt  }
0x5a: {  	_ =	shalt  }
0x5b: {  	_ =	shalt  }
0x5c: {  	_ =	shalt  }
0x5d: {  	_ =	shalt  }
0x5e: {  	_ =	shalt  }
0x5f: {  	_ =	shalt  }
0x60: {  	_ =	shalt  }
0x61: {  	_ =	shalt  }
0x62: {  	_ =	shalt  }
0x63: {  	_ =	shalt  }
0x64: {  	_ =	shalt  }
0x65: {  	_ =	shalt  }
0x66: {  	_ =	shalt  }
0x67: {  	_ =	shalt  }
0x68: {  	_ =	shalt  }
0x69: {  	_ =	shalt  }
0x6a: {  	_ =	shalt  }
0x6b: {  	_ =	shalt  }
0x6c: {  	_ =	shalt  }
0x6d: {  	_ =	shalt  }
0x6e: {  	_ =	shalt  }
0x6f: {  	_ =	shalt  }
0x70: {  	_ =	shalt  }
0x71: {  	_ =	shalt  }
0x72: {  	_ =	shalt  }
0x73: {  	_ =	shalt  }
0x74: {  	_ =	shalt  }
0x75: {  	_ =	shalt  }
0x76: {  	_ =	shalt  }
0x77: {  	_ =	shalt  }
0x78: {  	_ =	shalt  }
0x79: {  	_ =	shalt  }
0x7a: {  	_ =	shalt  }
0x7b: {  	_ =	shalt  }
0x7c: {  	_ =	shalt  }
0x7d: {  	_ =	shalt  }
0x7e: {  	_ =	shalt  }
0x7f: {  	_ =	shalt  }
0x80: {  	_ =	shalt  }
0x81: {  	_ =	shalt  }
0x82: {  	_ =	shalt  }
0x83: {  	_ =	shalt  }
0x84: {  	_ =	shalt  }
0x85: {  	_ =	shalt  }
0x86: {  	_ =	shalt  }
0x87: {  	_ =	shalt  }
.Lfunc_end0:
.L_simem_size_0:
called_computation.2_lowered:
.L_overlay_start_0:
0x88: {  	s2 =	sld [smem:$0x3FD9]  }
0x89: {  	s3 =	sld [smem:$0x3FFE];
	_ =	sdelay $0x1  }
0x8a: {  	s1 =	srdreg.scid  }
0x8b: {  	s0 =	sand.u32 $0x1, s1  }
0x8c: {  	s17 =	sshll.u32 s0, $0xA;
	s2 =	sadd.s32 s3, s2  }
0x8d: {  	s2 =	sadd.s32 s2, s17  }
0x8e: {  	[smem:$0x3FC3] =	sst s2  }
0x8f: {  	_ = 	snop  }
0x90: {  	(tm) =	ssettm $0x1  }
0x91: {  	s18 =	sld [smem:$0x3FFB];
	_ =	sdelay $0x3  }
0x92: {  	_ =	strace s18  }
0x93: {  	s2 =	sld [smem:$0x3FFC];
	_ =	sdelay $0x3  }
0x94: {  	_ =	strace s2  }
0x95: {  	s2 =	sld [smem:$0x3FFD];
	_ =	sdelay $0x3  }
0x96: {  	_ =	strace s2  }
0x97: {  	_ =	strace $0x8FFFFFFF  }
0x98: {  	s19 =	sld [smem:$0x3FDB];
	_ =	sdelay $0x1  }
0x99: {  	s20 =	simm.s32 $_scs_section_size  }
0x9a: {  	s4 =	simm.s32 $_size__tile_overlayer_lowered;
	s5 =	simm.s32 $_tile_overlayer_lowered  }
0x9b: {  	s6 =	simm.s32 $0x1BFF;
	s21 =	sshll.u32 s5, $0x1;
	s3 =	sadd.s32 s20, s19  }
0x9c: {  	s22 =	simm.s32 $0x0;
	s4 =	sshll.u32 s4, $0x1;
	s5 =	sadd.s32 s21, s3  }
0x9d: {  	[timem:s22], [sflag:s6] =	dma.local [hbm:s5], s4  }
0x9e: {  	_ =	swait.ge [sflag:s6], s4  }
0x9f: {  	s4 =	ssub.s32 $0x0, s4;
	[sflag:s6] =	ssyncset.done $0x0  }
0xa0: {  	[sflag:s6] =	ssyncadd.s32 s4;
	_ =	sdelay $0x1  }
0xa1: {  	s23 =	simm.s32 $0x1B8B  }
0xa2: {  	_ =	swait.ge [sflag:s23], $0x1  }
0xa3: {  	[sflag:s23] =	ssyncset.done $0x0  }
0xa4: {  	[sflag:s23] =	ssyncadd.s32 $0xFFFFFFFF  }
0xa5: {  	s4 =	sld [smem:$0x0]  }
0xa6: {  	s5 =	sand.u32 $0xFFFFFFFE, s1  }
0xa7: {  	p0 =	sne.s32 s1, s5  }
0xa8: {  	s5 =	sshll.u32 @p0 s5, $0xE  }
0xa9: {  	s5 =	sadd.s32 @p0 $0x11B8D, s5;
	s6 =	sshll.u32 @p0 s4, $0x11  }
0xaa: {  	s5 =	sor.u32 @p0 s6, s5  }
0xab: {  	[sflag:s5] =	ssyncadd.remote.s32 @p0 $0x1;
	_ =	sdelay $0x1  }
0xac: {  	s5 =	simm.s32 @p0 $0x1B8D  }
0xad: {  	_ =	swait.eq @p0 [sflag:s5], $0x1  }
0xae: {  	[sflag:s5] =	ssyncadd.s32 @p0 $0xFFFFFFFF  }
0xaf: {  	s6 =	sshll.u32 @!p0 s1, $0xE  }
0xb0: {  	s6 =	sor.u32 @!p0 $0x4000, s6;
	s5 =	simm.s32 @!p0 $0x1B8D  }
0xb1: {  	s4 =	sshll.u32 @!p0 s4, $0x11;
	s6 =	sadd.s32 @!p0 $0x11B8D, s6;
	_ =	swait.eq @!p0 [sflag:s5], $0x1  }
0xb2: {  	s4 =	sor.u32 @!p0 s4, s6;
	[sflag:s5] =	ssyncadd.s32 @!p0 $0xFFFFFFFF  }
0xb3: {  	s25 =	simm.s32 $0x1B8E;
	s24 =	sld [smem:$0x3FFE];
	[sflag:s4] =	ssyncadd.remote.s32 @!p0 $0x1  }
0xb4: {  	s26 =	simm.s32 $execute0_lowered;
	[smem:$0x3FD2] =	sst s25  }
0xb5: {  	s5 =	sshll.u32 s26, $0x1;
	_ =	strace $0x8000005A;
	[dreg:$0x1] =	wrdreg $0xFFFFFFFF  }
0xb6: {  	s28 =	simm.s32 $_size_execute0_lowered;
	s3 =	sadd.s32 s3, s5;
	[dreg:$0x0] =	wrdreg $0x0  }
0xb7: {  	s5 =	sshll.u32 s28, $0x1;
	[dreg:$0x2] =	wrdreg s3  }
0xb8: {  	[dreg:$0x3] =	wrdreg s5  }
0xb9: {  	[dreg:$0x4] =	wrdreg $0xC0  }
0xba: {  	_ =	task [dreg:s22], $0x5FFFF  }
0xbb: {  	[dreg:$0x1] =	wrdreg $0xFFFFFFFF  }
0xbc: {  	[dreg:$0x0] =	wrdreg $0x60  }
0xbd: {  	[dreg:$0x2] =	wrdreg s24  }
0xbe: {  	[dreg:$0x3] =	wrdreg $0xB  }
0xbf: {  	_ =	task.clear_ibuf [dreg:s22], $0x4FFFF;
	_ =	strace $0x9000005A  }
0xc0: {  	s29 =	simm.s32 $0xB;
	_ =	strace $0x80000063  }
0xc1: {  	_ =	swait.ge [sflag:s29], $0x1  }
0xc2: {  	[sflag:s29] =	ssyncadd.s32 $0xFFFFFFFF  }
0xc3: {  	_ =	strace $0x90000063  }
0xc4: {  	_ =	sfence  }
0xc5: {  	s30 =	sld [smem:$0x0];
	_ =	sdelay $0x2  }
0xc6: {  	s31 =	sshll.u32 s1, $0xD;
	s1 =	sshrl.u32 s1, $0x2  }
0xc7: {  	s4 =	sand.u32 $0x4000, s31;
	s1 =	sadd.s32 s1, s30  }
0xc8: {  	s0 =	sor.u32 s4, s0;
	s1 =	sshll.u32 s1, $0x11  }
0xc9: {  	s0 =	sor.u32 s1, s0  }
0xca: {  	s0 =	sadd.s32 $0x8F2B, s0  }
0xcb: {  	[sflag:s0] =	ssyncadd.remote.s32 $0x1  }
0xcc: {  	_ =	sfence.sel $0xFFFF  }
0xcd: {  	[dreg:$0x0] =	wrdreg $0xFFFFFFFF;
	(pc) =	sbr.abs _section_cstart, $3  }
0xce: {  	[dreg:$0x1] =	wrdreg $0xFFFFFFFF  }
0xcf: {  	_ =	task.clear_ibuf [dreg:s22], $0x2FFFF;
	_ =	strace $0x9FFFFFFF  }
0xd0: {  	(tm) =	ssettm $0x7FFFFFFF  }
0xd1: {  	_ =	shalt  }
tec
execute0_lowered:
.L_overlay_start_1:
0x0: {  	(tag) =	ssettag $0x1  }
0x1: {  	s5 =	rddreg [dreg:$0x0]  }
0x2: {  	s0 =	rddreg [dreg:$0x1];
	s1 =	simm.s32 $0x0  }
0x3: {  	s2 =	srdreg.scid;
	s10 =	simm.s32 $0x1;
	s11 =	simm.s32 $0x4  }
0x4: {  	s12 =	simm.s32 $0x0;
	[smem:$0x7FF] =	sst s1;
	s4 =	sand.u32 $0x1, s2  }
0x5: {  	s2 =	stileid.u32;
	s3 =	sadd.s32 $0x3C00, s5;
	s6 =	sshll.u32 s4, $0x4  }
0x6: {  	_ =	strace $0x8000005B;
	s7 =	ssub.s32 $0x2, s4;
	s6 =	sor.u32 s2, s6  }
0x7: {  	v1 =	vlaneseq.u32;
	s4 =	sadd.s32 $0x3A000, s5;
	s8 =	sshrl.u32 s7, $0x1;
	s9 =	smul.u32 $0x500, s6  }
0x8: {  	v0 =	vshrl.u32 v1, $0x3;
	v1 =	vand.u32 $0x7, v1;
	s5 =	sadd.s32 $0x44000, s5;
	s8 =	ssub.s32 s7, s8;
	s6 =	smul.u32 $0xA, s6  }
0x9: {  	v2 =	vor.u32 $0x2, v0;
	v3 =	vmul.u32 $0x80, v1;
	s8 =	smax.u32 s8, $0x1;
	s7 =	sadd.s32 s4, s9;
	s9 =	simm.s32 $0x2000  }
.LBB2_1:
0xa: {  	[tilespmem:s1], [sflag:$0x1] =	stream.linear.gather [hbm4b:s3+s1], $0x2000, $0x38;
	[tilespmem:$0x6800] =	vst v63  }
0xb: {  	_ =	swait.ge [sflag:s10], $0x2000  }
0xc: {  	[sflag:s10] =	ssyncset.done $0x0  }
0xd: {  	s13 =	simm.s32 $0x0;
	s14 =	simm.s32 $0x0;
	[sflag:s10] =	ssyncadd.s32 $0xFFFFE000  }
0xe: {  	s15 =	simm.s32 $0x0;
	s16 =	simm.s32 $0x0;
	_ =	strace $0x8000005C  }
0xf: {  	[tilespmem:s9], [sflag:$0x1] =	stream.linear.gather [hbm4b:s7+s1], $0x400, $0x200038;
	[tilespmem:$0x6800] =	vst v63  }
0x10: {  	s17 =	simm.s32 $0x1;
	s18 =	simm.s32 $0x0;
	_ =	strace $0x9000005C  }
.LBB2_2:
0x11: {  	s20 =	smov.u32 s13;
	s13 =	sadd.s32 $0x1, s13  }
0x12: {  	p0 =	seq.s32 s13, $0xA  }
0x13: {  	s13 =	simm.s32 @p0 $0x0  }
0x14: {  	p6 =	sne.s32 s18, $0x9;
	p1 =	sne.s32 s20, s13  }
0x15: {  	p0 =	por !p6, !p1  }
0x16: {  	p0 =	por !p0, !p0  }
0x17: {  	s21 =	sadd.s32 @p0 s6, s13  }
0x18: {  	s19 =	sand.u32 @p0 $0x1, s17;
	_ =	strace @p0 $0x8000005D;
	s21 =	sshll.u32 @p0 s21, $0x7  }
0x19: {  	s23 =	simm.s32 @p0 $0x0;
	s22 =	sshll.u32 @p0 s19, $0xA;
	s21 =	sand.u32 @p0 $0x1FFFFF80, s21  }
0x1a: {  	s19 =	sadd.s32 @p0 $0x1, s19;
	s22 =	sor.u32 @p0 $0x2000, s22;
	s21 =	sadd.s32 @p0 s4, s21  }
0x1b: {  	[tilespmem:s22], [sflag:s19] =	stream.linear.gather @p0 [hbm4b:s21+s23], $0x400, $0x200038;
	[tilespmem:$0x6800] =	vst v63  }
0x1c: {  	s29 =	sand.u32 $0x1, s16;
	_ =	strace @p0 $0x9000005D  }
0x1d: {  	s30 =	simm.s32 $0x0;
	s19 =	sadd.s32 $0x1, s29;
	_ =	strace $0x8000005E  }
0x1e: {  	v4 =	vor.u32 s30, v0;
	_ =	swait.ge [sflag:s19], $0x400  }
0x1f: {  	v5 =	vor.u32 s30, v2;
	[sflag:s19] =	ssyncset.done $0x0  }
0x20: {  	s31 =	sshll.u32 s16, $0xA;
	[sflag:s19] =	ssyncadd.s32 $0xFFFFFC00  }
0x21: {  	s19 =	sand.u32 $0x400, s31;
	_ =	strace $0x9000005E  }
0x22: {  	s22 =	sor.u32 $0x2000, s19;
	_ =	strace $0x8000005F  }
0x23: {  	v6 =	vld.idx.msk [tilespmem:v4+s22+$0x0], $0xffff  }
0x24: {  	v7 =	vld.idx.msk [tilespmem:v5+s22+$0x0], $0xffff;
	_ =	sdelay $0x3  }
0x25: {  	v6 =	vshll.u32 v6, $0x3  }
0x26: {  	v7 =	vshll.u32 v7, $0x3;
	v6 =	vor.u32 v1, v6  }
0x27: {  	v8 =	vmov s30;
	v7 =	vor.u32 v1, v7  }
0x28: {  	v8 =	vshll.u32 v8, $0x3  }
0x29: {  	v8 =	vand.u32 $0x1C00, v8  }
0x2a: {  	v9 =	vor.u32 v3, v8;
	v4 =	vand.u32 $0x7D, v4  }
0x2b: {  	v5 =	vand.u32 $0x7F, v5;
	v8 =	vor.u32 v4, v9;
	v6 =	vld.idx.msk [tilespmem:v6+s1+$0x0], $0xffff  }
0x2c: {  	s23 =	simm.s32 $0x4;
	s19 =	sand.u32 $0x1, s15;
	v9 =	vor.u32 v5, v9;
	v7 =	vld.idx.msk [tilespmem:v7+s1+$0x0], $0xffff  }
0x2d: {  	s24 =	sshll.u32 s19, $0xD;
	v5 =	vor.u32 s23, v0  }
0x2e: {  	s21 =	sadd.s32 s6, s20;
	s20 =	sadd.s32 $0x2800, s24;
	s24 =	simm.s32 $0x8;
	v4 =	vor.u32 s23, v2  }
.LBB2_3:
0x2f: {  	p2 =	sne.s32 s24, $0x3FC  }
0x30: {  	[tilespmem:v8+s20+$0x0] =	vst.idx.msk $0xffff, v6  }
0x31: {  	[tilespmem:v9+s20+$0x0] =	vst.idx.msk $0xffff, v7  }
0x32: {  	v6 =	vld.idx.msk [tilespmem:v5+s22+$0x0], $0xffff  }
0x33: {  	v7 =	vld.idx.msk [tilespmem:v4+s22+$0x0], $0xffff;
	_ =	sdelay $0x4  }
0x34: {  	v6 =	vshll.u32 v6, $0x3  }
0x35: {  	v7 =	vshll.u32 v7, $0x3;
	v6 =	vor.u32 v1, v6  }
0x36: {  	v7 =	vor.u32 v1, v7  }
0x37: {  	v8 =	vmov s23;
	s23 =	smov.u32 s24  }
0x38: {  	v8 =	vshll.u32 v8, $0x3  }
0x39: {  	v8 =	vand.u32 $0x1C00, v8  }
.Ltmp0:
0x3a: {  	v5 =	vand.u32 $0x7D, v5;
	v9 =	vor.u32 v3, v8;
	v6 =	vld.idx.msk [tilespmem:v6+s1+$0x0], $0xffff;
	(pc) =	sbr.rel @p2 .LBB2_3-.Ltmp0, $4  }
0x3b: {  	v4 =	vand.u32 $0x7F, v4;
	v8 =	vor.u32 v5, v9;
	v7 =	vld.idx.msk [tilespmem:v7+s1+$0x0], $0xffff  }
0x3c: {  	v9 =	vor.u32 v4, v9  }
0x3d: {  	v5 =	vor.u32 s24, v0  }
0x3e: {  	v4 =	vor.u32 s23, v2;
	s24 =	sadd.s32 $0x4, s24  }
0x3f: {  	_ =	sdelay $0x3  }
0x40: {  	[tilespmem:v8+s20+$0x0] =	vst.idx.msk $0xffff, v6  }
0x41: {  	[tilespmem:v9+s20+$0x0] =	vst.idx.msk $0xffff, v7  }
0x42: {  	v6 =	vld.idx.msk [tilespmem:v5+s22+$0x0], $0xffff  }
0x43: {  	v7 =	vld.idx.msk [tilespmem:v4+s22+$0x0], $0xffff;
	_ =	sdelay $0x3  }
0x44: {  	v6 =	vshll.u32 v6, $0x3  }
0x45: {  	v7 =	vshll.u32 v7, $0x3;
	v6 =	vor.u32 v1, v6  }
0x46: {  	v63 =	vmov s23;
	v7 =	vor.u32 v1, v7  }
0x47: {  	v8 =	vshll.u32 v63, $0x3  }
0x48: {  	v8 =	vand.u32 $0x1C00, v8  }
0x49: {  	v5 =	vand.u32 $0x7D, v5;
	v8 =	vor.u32 v3, v8  }
0x4a: {  	v4 =	vand.u32 $0x7F, v4;
	v5 =	vor.u32 v5, v8;
	v6 =	vld.idx.msk [tilespmem:v6+s1+$0x0], $0xffff  }
0x4b: {  	v4 =	vor.u32 v4, v8;
	v7 =	vld.idx.msk [tilespmem:v7+s1+$0x0], $0xffff;
	_ =	sdelay $0x2  }
0x4c: {  	p2 =	seq.s32 s18, $0x9  }
0x4d: {  	p1 =	por p2, p1;
	s22 =	simm.s32 $0x1;
	[tilespmem:v5+s20+$0x0] =	vst.idx.msk $0xffff, v6  }
0x4e: {  	s21 =	sshll.u32 @p1 s21, $0xA;
	s19 =	sadd.s32 @p1 $0x3, s19;
	s23 =	simm.s32 @p1 $0x0;
	[tilespmem:v4+s20+$0x0] =	vst.idx.msk $0xffff, v7  }
0x4f: {  	s22 =	simm.s32 @!p0 $0x0;
	s21 =	sand.u32 @p1 $0x1FFFFC00, s21;
	_ =	strace $0x9000005F  }
0x50: {  	p0 =	seq.s32 s18, $0x0;
	s21 =	sadd.s32 @p1 s5, s21;
	_ =	strace @p1 $0x80000060  }
0x51: {  	[hbm4b:s21+s23] =	stream.linear.scatter @p1 [tilespmem:s20], [sflag:s19], $0x2000, $0x200038;
	[tilespmem:$0x6800] =	vst v63  }
0x52: {  	s19 =	simm.s32 $0x1;
	s21 =	simm.s32 $0x1;
	_ =	strace @p1 $0x90000060  }
0x53: {  	s19 =	simm.s32 @!p1 $0x0;
	p1 =	sne.s32 s18, $0x0;
	s18 =	sadd.s32 $0x1, s18  }
0x54: {  	s20 =	sand.u32 @!p0 $0x1, s14;
	s21 =	simm.s32 @!p1 $0x0;
	p1 =	sne.s32 s18, $0xA  }
.Ltmp1:
0x55: {  	s20 =	sadd.s32 @!p0 $0x3, s20;
	_ =	strace @!p0 $0x80000061;
	(pc) =	sbr.rel @p1 .LBB2_2-.Ltmp1, $4  }
0x56: {  	_ =	swait.ge @!p0 [sflag:s20], $0x2000  }
0x57: {  	[sflag:s20] =	ssyncset.done @!p0 $0x0  }
0x58: {  	s17 =	sadd.s32 s22, s17;
	s15 =	sadd.s32 s19, s15;
	[sflag:s20] =	ssyncadd.s32 @!p0 $0xFFFFE000  }
0x59: {  	s16 =	sadd.s32 s19, s16;
	s14 =	sadd.s32 s21, s14;
	_ =	strace @!p0 $0x90000061  }
0x5a: {  	s12 =	sadd.s32 $0x1, s12  }
0x5b: {  	p0 =	sne.s32 s12, s8  }
.Ltmp2:
0x5c: {  	_ =	strace $0x80000062;
	(pc) =	sbr.rel @p0 .LBB2_1-.Ltmp2, $4  }
0x5d: {  	_ =	swait.ge [sflag:s11], $0x2000  }
0x5e: {  	[sflag:s11] =	ssyncset.done $0x0  }
0x5f: {  	[sflag:s11] =	ssyncadd.s32 $0xFFFFE000  }
0x60: {  	_ =	strace $0x90000062  }
0x61: {  	_ =	sfence.sel $0x180000  }
0x62: {  	[bflag:$0x0] =	sbarrier.arrive $0xFFFF  }
0x63: {  	p0 =	sne.s32 s2, $0x0;
	_ =	strace $0x9000005B  }
0x64: {  	s0 =	sadd.s32 @!p0 $0x100000, s0;
	[bflag:$0x2] =	sbarrier.arrive $0xFFFF  }
0x65: {  	[sflag:s0] =	ssyncadd.tile.s32 @!p0 $0x1;
	_ =	shalt  }
.Lfunc_end2:
_tile_overlayer_lowered:
.L_overlay_start_2:
0x66: {  	(tag) =	ssettag $0x2  }
0x67: {  	s0 =	rddreg [dreg:$0x0];
	s2 =	stileid.u32  }
0x68: {  	s1 =	rddreg [dreg:$0x1];
	p0 =	sne.s32 s2, $0x0  }
0x69: {  	s3 =	rddreg [dreg:$0x2];
	[bflag:$0x3] =	sbarrier.arrive $0xFFFF;
	s2 =	simm.s32 @!p0 $0x1C01  }
0x6a: {  	[timem:s3], [sflag:s2] =	dma.local @!p0 [hbm:s0], s1  }
0x6b: {  	s0 =	simm.s32 @!p0 $0x1  }
0x6c: {  	_ =	swait.ge @!p0 [sflag:s0], s1  }
0x6d: {  	s1 =	ssub.s32 @!p0 $0x0, s1;
	[sflag:s0] =	ssyncset.done @!p0 $0x0  }
0x6e: {  	[sflag:s0] =	ssyncadd.s32 @!p0 s1  }
0x6f: {  	[bflag:$0x3] =	sbarrier.arrive $0xFFFF  }
0x70: {  	_ =	shalt  }

// kernel: kernel.19.cloned.1.call-start
scs
__scs_entry_jumppad:
0x0: {  	(pc) =	sbr.rel $0x88, $3  }
0x1: {  	(tag) =	ssettag $0x0;
	lr =	simm.s32 $0x1  }
0x2: {  	[smem:$0x3F9C] =	sst lr;
	_ =	strace $0xD0000000  }
0x3: {  	_ = 	snop  }
0x4: {  	_ = 	snop  }
0x5: {  	_ = 	snop  }
0x6: {  	_ = 	snop  }
0x7: {  	_ = 	snop  }
__scs_overlays_trampoline_lowered:
0x8: {  	[smem:$0x3FAB] =	sst s0  }
0x9: {  	[smem:$0x3FAC] =	sst s1  }
0xa: {  	[smem:$0x3FAD] =	sst s2  }
0xb: {  	[smem:$0x3FAE] =	sst s3  }
0xc: {  	[smem:$0x3FAF] =	sst s4  }
0xd: {  	[smem:$0x3FB0] =	sst s5  }
0xe: {  	[smem:$0x3FB1] =	sst s6  }
0xf: {  	[smem:$0x3FB2] =	sst s7  }
0x10: {  	[smem:$0x3FB3] =	sst s8  }
0x11: {  	[smem:$0x3FB4] =	sst s9;
	s0 =	simm.s32 @!p0 $0x0  }
0x12: {  	s1 =	sld [smem:$0x3F9A];
	s0 =	simm.s32 @p0 $0x1  }
0x13: {  	[smem:$0x3FB5] =	sst s0;
	s0 =	simm.s32 @!p1 $0x0  }
0x14: {  	s2 =	sld [smem:$0x3F99];
	s0 =	simm.s32 @p1 $0x1  }
0x15: {  	[smem:$0x3FB6] =	sst s0;
	s0 =	simm.s32 @!p2 $0x0  }
0x16: {  	s3 =	sld [smem:$0x3FDB];
	s0 =	simm.s32 @p2 $0x1  }
0x17: {  	s4 =	simm.s32 $0x1BF5;
	[smem:$0x3FB8] =	sst s0  }
0x18: {  	s0 =	sld [smem:$0x3F9B];
	_ =	swait.ge [sflag:s4], $0x0  }
0x19: {  	s7 =	sld [smem:$0x3F9C]  }
0x1a: {  	s8 =	sadd.s32 $0xFFFFE003, lr  }
0x1b: {  	s9 =	sadd.s32 $0xFFFFFEF7, lr;
	s5 =	simm.s32 $0xFFFFFFFF;
	p2 =	slt.u32 s8, $0xFFFFF086  }
0x1c: {  	p1 =	slt.u32 s9, $0xF7A;
	s5 =	simm.s32 @!p2 $0x0  }
0x1d: {  	s5 =	simm.s32 @p1 $0x1;
	p0 =	seq.s32 s7, s2  }
0x1e: {  	s7 =	smul.u32 @!p0 $0xF7A, s2;
	p2 =	seq.s32 @!p0 s5, $0x0  }
0x1f: {  	s9 =	smul.u32 $0xF7A, s1;
	s8 =	simm.s32 @!p0 $0x1BF5;
	p2 =	por !p2, p0  }
0x20: {  	[sflag:s8] =	ssyncset.s32 @!p0 $0xFFFFF086;
	s6 =	sadd.s32 @!p0 s3, s7;
	s7 =	simm.s32 @!p0 $0x108  }
0x21: {  	s3 =	sadd.s32 s3, s9;
	s6 =	sadd.s32 @!p0 $0x88, s6;
	s7 =	simm.s32 @p2 $0x1082  }
0x22: {  	[simem:s7], [sflag:s8] =	dma.local @!p0 [hbm:s6], $0xF7A  }
0x23: {  	s9 =	sor.u32 $0xD0000000, s2;
	s6 =	simm.s32 $0x108;
	_ =	swait.ge @!p0 [sflag:s8], $0x0  }
0x24: {  	s3 =	sadd.s32 $0x88, s3;
	s6 =	simm.s32 @!p1 $0x1082;
	[sflag:s4] =	ssyncset.s32 $0xFFFFF086  }
0x25: {  	[simem:s6], [sflag:s4] =	dma.local [hbm:s3], $0xF7A  }
0x26: {  	[smem:$0x3F9C] =	sst s1;
	(tag) =	ssettag s2;
	_ =	strace s9  }
0x27: {  	s1 =	sld [smem:$0x3FAC]  }
0x28: {  	s2 =	sld [smem:$0x3FAD]  }
0x29: {  	s4 =	sld [smem:$0x3FAF]  }
0x2a: {  	p0 =	seq.s32 s5, $0x0;
	s5 =	sld [smem:$0x3FB0]  }
0x2b: {  	s6 =	sld [smem:$0x3FB1]  }
0x2c: {  	s7 =	sld [smem:$0x3FB2]  }
0x2d: {  	s3 =	simm.s32 $0x108;
	s8 =	sld [smem:$0x3FB3]  }
0x2e: {  	s3 =	simm.s32 @!p0 $0x1082;
	s9 =	sld [smem:$0x3FB4]  }
0x2f: {  	lr =	sadd.s32 s0, s3;
	s0 =	sld [smem:$0x3FAB]  }
0x30: {  	s3 =	sld [smem:$0x3FAE]  }
0x31: {  	[smem:$0x3FB7] =	sst s10  }
0x32: {  	s10 =	sld [smem:$0x3FB5];
	_ =	sdelay $0x3  }
0x33: {  	p0 =	seq.s32 s10, $0x1;
	s10 =	sld [smem:$0x3FB7];
	_ =	sdelay $0x3  }
0x34: {  	[smem:$0x3FB7] =	sst s10  }
0x35: {  	s10 =	sld [smem:$0x3FB6];
	_ =	sdelay $0x3  }
0x36: {  	p1 =	seq.s32 s10, $0x1;
	s10 =	sld [smem:$0x3FB7];
	_ =	sdelay $0x3  }
0x37: {  	[smem:$0x3FB7] =	sst s10  }
0x38: {  	s10 =	sld [smem:$0x3FB8]  }
0x39: {  	_ = 	snop;
	(pc) =	sbr.ind lr, $3  }
0x3a: {  	_ = 	snop  }
0x3b: {  	_ = 	snop  }
0x3c: {  	p2 =	seq.s32 s10, $0x1;
	s10 =	sld [smem:$0x3FB7]  }
0x3d: {  	_ =	shalt  }
0x3e: {  	_ =	shalt  }
0x3f: {  	_ =	shalt  }
0x40: {  	_ =	shalt  }
0x41: {  	_ =	shalt  }
0x42: {  	_ =	shalt  }
0x43: {  	_ =	shalt  }
0x44: {  	_ =	shalt  }
0x45: {  	_ =	shalt  }
0x46: {  	_ =	shalt  }
0x47: {  	_ =	shalt  }
0x48: {  	_ =	shalt  }
0x49: {  	_ =	shalt  }
0x4a: {  	_ =	shalt  }
0x4b: {  	_ =	shalt  }
0x4c: {  	_ =	shalt  }
0x4d: {  	_ =	shalt  }
0x4e: {  	_ =	shalt  }
0x4f: {  	_ =	shalt  }
0x50: {  	_ =	shalt  }
0x51: {  	_ =	shalt  }
0x52: {  	_ =	shalt  }
0x53: {  	_ =	shalt  }
0x54: {  	_ =	shalt  }
0x55: {  	_ =	shalt  }
0x56: {  	_ =	shalt  }
0x57: {  	_ =	shalt  }
0x58: {  	_ =	shalt  }
0x59: {  	_ =	shalt  }
0x5a: {  	_ =	shalt  }
0x5b: {  	_ =	shalt  }
0x5c: {  	_ =	shalt  }
0x5d: {  	_ =	shalt  }
0x5e: {  	_ =	shalt  }
0x5f: {  	_ =	shalt  }
0x60: {  	_ =	shalt  }
0x61: {  	_ =	shalt  }
0x62: {  	_ =	shalt  }
0x63: {  	_ =	shalt  }
0x64: {  	_ =	shalt  }
0x65: {  	_ =	shalt  }
0x66: {  	_ =	shalt  }
0x67: {  	_ =	shalt  }
0x68: {  	_ =	shalt  }
0x69: {  	_ =	shalt  }
0x6a: {  	_ =	shalt  }
0x6b: {  	_ =	shalt  }
0x6c: {  	_ =	shalt  }
0x6d: {  	_ =	shalt  }
0x6e: {  	_ =	shalt  }
0x6f: {  	_ =	shalt  }
0x70: {  	_ =	shalt  }
0x71: {  	_ =	shalt  }
0x72: {  	_ =	shalt  }
0x73: {  	_ =	shalt  }
0x74: {  	_ =	shalt  }
0x75: {  	_ =	shalt  }
0x76: {  	_ =	shalt  }
0x77: {  	_ =	shalt  }
0x78: {  	_ =	shalt  }
0x79: {  	_ =	shalt  }
0x7a: {  	_ =	shalt  }
0x7b: {  	_ =	shalt  }
0x7c: {  	_ =	shalt  }
0x7d: {  	_ =	shalt  }
0x7e: {  	_ =	shalt  }
0x7f: {  	_ =	shalt  }
0x80: {  	_ =	shalt  }
0x81: {  	_ =	shalt  }
0x82: {  	_ =	shalt  }
0x83: {  	_ =	shalt  }
0x84: {  	_ =	shalt  }
0x85: {  	_ =	shalt  }
0x86: {  	_ =	shalt  }
0x87: {  	_ =	shalt  }
.Lfunc_end0:
.L_simem_size_0:
called_computation.3_lowered:
.L_overlay_start_0:
0x88: {  	s2 =	sld [smem:$0x3FD9]  }
0x89: {  	s3 =	sld [smem:$0x3FFE];
	_ =	sdelay $0x1  }
0x8a: {  	s1 =	srdreg.scid  }
0x8b: {  	s0 =	sand.u32 $0x1, s1  }
0x8c: {  	s17 =	sshll.u32 s0, $0xA;
	s2 =	sadd.s32 s3, s2  }
0x8d: {  	s2 =	sadd.s32 s2, s17  }
0x8e: {  	[smem:$0x3FC3] =	sst s2  }
0x8f: {  	_ = 	snop  }
0x90: {  	(tm) =	ssettm $0x1  }
0x91: {  	s18 =	sld [smem:$0x3FFB];
	_ =	sdelay $0x3  }
0x92: {  	_ =	strace s18  }
0x93: {  	s2 =	sld [smem:$0x3FFC];
	_ =	sdelay $0x3  }
0x94: {  	_ =	strace s2  }
0x95: {  	s2 =	sld [smem:$0x3FFD];
	_ =	sdelay $0x3  }
0x96: {  	_ =	strace s2  }
0x97: {  	_ =	strace $0x8FFFFFFF  }
0x98: {  	s19 =	sld [smem:$0x3FDB];
	_ =	sdelay $0x1  }
0x99: {  	s20 =	simm.s32 $_scs_section_size  }
0x9a: {  	s4 =	simm.s32 $_size__tile_overlayer_lowered;
	s5 =	simm.s32 $_tile_overlayer_lowered  }
0x9b: {  	s6 =	simm.s32 $0x1BFF;
	s21 =	sshll.u32 s5, $0x1;
	s3 =	sadd.s32 s20, s19  }
0x9c: {  	s22 =	simm.s32 $0x0;
	s4 =	sshll.u32 s4, $0x1;
	s5 =	sadd.s32 s21, s3  }
0x9d: {  	[timem:s22], [sflag:s6] =	dma.local [hbm:s5], s4  }
0x9e: {  	_ =	swait.ge [sflag:s6], s4  }
0x9f: {  	s4 =	ssub.s32 $0x0, s4;
	[sflag:s6] =	ssyncset.done $0x0  }
0xa0: {  	[sflag:s6] =	ssyncadd.s32 s4;
	_ =	sdelay $0x1  }
0xa1: {  	s23 =	simm.s32 $0x1B8B  }
0xa2: {  	_ =	swait.ge [sflag:s23], $0x1  }
0xa3: {  	[sflag:s23] =	ssyncset.done $0x0  }
0xa4: {  	[sflag:s23] =	ssyncadd.s32 $0xFFFFFFFF  }
0xa5: {  	s4 =	sld [smem:$0x0]  }
0xa6: {  	s5 =	sand.u32 $0xFFFFFFFE, s1  }
0xa7: {  	p0 =	sne.s32 s1, s5  }
0xa8: {  	s5 =	sshll.u32 @p0 s5, $0xE  }
0xa9: {  	s5 =	sadd.s32 @p0 $0x11B8D, s5;
	s6 =	sshll.u32 @p0 s4, $0x11  }
0xaa: {  	s5 =	sor.u32 @p0 s6, s5  }
0xab: {  	[sflag:s5] =	ssyncadd.remote.s32 @p0 $0x1;
	_ =	sdelay $0x1  }
0xac: {  	s5 =	simm.s32 @p0 $0x1B8D  }
0xad: {  	_ =	swait.eq @p0 [sflag:s5], $0x1  }
0xae: {  	[sflag:s5] =	ssyncadd.s32 @p0 $0xFFFFFFFF  }
0xaf: {  	s6 =	sshll.u32 @!p0 s1, $0xE  }
0xb0: {  	s6 =	sor.u32 @!p0 $0x4000, s6;
	s5 =	simm.s32 @!p0 $0x1B8D  }
0xb1: {  	s4 =	sshll.u32 @!p0 s4, $0x11;
	s6 =	sadd.s32 @!p0 $0x11B8D, s6;
	_ =	swait.eq @!p0 [sflag:s5], $0x1  }
0xb2: {  	s4 =	sor.u32 @!p0 s4, s6;
	[sflag:s5] =	ssyncadd.s32 @!p0 $0xFFFFFFFF  }
0xb3: {  	s25 =	simm.s32 $0x1B8E;
	s24 =	sld [smem:$0x3FFE];
	[sflag:s4] =	ssyncadd.remote.s32 @!p0 $0x1  }
0xb4: {  	s26 =	simm.s32 $execute0_lowered;
	[smem:$0x3FD2] =	sst s25  }
0xb5: {  	s5 =	sshll.u32 s26, $0x1;
	_ =	strace $0x80000064;
	[dreg:$0x1] =	wrdreg $0xFFFFFFFF  }
0xb6: {  	s28 =	simm.s32 $_size_execute0_lowered;
	s3 =	sadd.s32 s3, s5;
	[dreg:$0x0] =	wrdreg $0x0  }
0xb7: {  	s5 =	sshll.u32 s28, $0x1;
	[dreg:$0x2] =	wrdreg s3  }
0xb8: {  	[dreg:$0x3] =	wrdreg s5  }
0xb9: {  	[dreg:$0x4] =	wrdreg $0xC0  }
0xba: {  	_ =	task [dreg:s22], $0x5FFFF  }
0xbb: {  	[dreg:$0x1] =	wrdreg $0xFFFFFFFF  }
0xbc: {  	[dreg:$0x0] =	wrdreg $0x60  }
0xbd: {  	[dreg:$0x2] =	wrdreg s24  }
0xbe: {  	[dreg:$0x3] =	wrdreg $0xC  }
0xbf: {  	_ =	task.clear_ibuf [dreg:s22], $0x4FFFF;
	_ =	strace $0x90000064  }
0xc0: {  	s29 =	simm.s32 $0xC;
	_ =	strace $0x8000006D  }
0xc1: {  	_ =	swait.ge [sflag:s29], $0x1  }
0xc2: {  	[sflag:s29] =	ssyncadd.s32 $0xFFFFFFFF  }
0xc3: {  	_ =	strace $0x9000006D  }
0xc4: {  	_ =	sfence  }
0xc5: {  	s30 =	sld [smem:$0x0];
	_ =	sdelay $0x2  }
0xc6: {  	s31 =	sshll.u32 s1, $0xD;
	s1 =	sshrl.u32 s1, $0x2  }
0xc7: {  	s4 =	sand.u32 $0x4000, s31;
	s1 =	sadd.s32 s1, s30  }
0xc8: {  	s0 =	sor.u32 s4, s0;
	s1 =	sshll.u32 s1, $0x11  }
0xc9: {  	s0 =	sor.u32 s1, s0  }
0xca: {  	s0 =	sadd.s32 $0x8F2B, s0  }
0xcb: {  	[sflag:s0] =	ssyncadd.remote.s32 $0x1  }
0xcc: {  	_ =	sfence.sel $0xFFFF  }
0xcd: {  	[dreg:$0x0] =	wrdreg $0xFFFFFFFF;
	(pc) =	sbr.abs _section_cstart, $3  }
0xce: {  	[dreg:$0x1] =	wrdreg $0xFFFFFFFF  }
0xcf: {  	_ =	task.clear_ibuf [dreg:s22], $0x2FFFF;
	_ =	strace $0x9FFFFFFF  }
0xd0: {  	(tm) =	ssettm $0x7FFFFFFF  }
0xd1: {  	_ =	shalt  }
tec
execute0_lowered:
.L_overlay_start_1:
0x0: {  	(tag) =	ssettag $0x1  }
0x1: {  	s5 =	rddreg [dreg:$0x0]  }
0x2: {  	s0 =	rddreg [dreg:$0x1];
	s1 =	simm.s32 $0x0  }
0x3: {  	s2 =	srdreg.scid;
	s10 =	simm.s32 $0x1;
	s11 =	simm.s32 $0x3  }
0x4: {  	s12 =	simm.s32 $0x0;
	[smem:$0x7FF] =	sst s1;
	s4 =	sand.u32 $0x1, s2  }
0x5: {  	s2 =	stileid.u32;
	s3 =	sadd.s32 $0x3C00, s5;
	s6 =	sshll.u32 s4, $0x4  }
0x6: {  	_ =	strace $0x80000065;
	s7 =	ssub.s32 $0x2, s4;
	s6 =	sor.u32 s2, s6  }
0x7: {  	v1 =	vlaneseq.u32;
	s4 =	sadd.s32 $0x94000, s5;
	s8 =	sshrl.u32 s7, $0x1;
	s9 =	smul.u32 $0x680, s6  }
0x8: {  	v0 =	vshrl.u32 v1, $0x3;
	v1 =	vand.u32 $0x7, v1;
	s5 =	sadd.s32 $0xA1000, s5;
	s8 =	ssub.s32 s7, s8;
	s6 =	smul.u32 $0xD, s6  }
0x9: {  	v2 =	vor.u32 $0x2, v0;
	v3 =	vmul.u32 $0x80, v1;
	s8 =	smax.u32 s8, $0x1;
	s7 =	sadd.s32 s4, s9;
	s9 =	simm.s32 $0x2000  }
.LBB2_1:
0xa: {  	[tilespmem:s1], [sflag:$0x1] =	stream.linear.gather [hbm4b:s3+s1], $0x2000, $0x38;
	[tilespmem:$0x6800] =	vst v63  }
0xb: {  	_ =	swait.ge [sflag:s10], $0x2000  }
0xc: {  	[sflag:s10] =	ssyncset.done $0x0  }
0xd: {  	s13 =	simm.s32 $0x0;
	s14 =	simm.s32 $0x0;
	[sflag:s10] =	ssyncadd.s32 $0xFFFFE000  }
0xe: {  	s15 =	simm.s32 $0x0;
	s16 =	simm.s32 $0x0;
	_ =	strace $0x80000066  }
0xf: {  	[tilespmem:s9], [sflag:$0x1] =	stream.linear.gather [hbm4b:s7+s1], $0x400, $0x200038;
	[tilespmem:$0x6800] =	vst v63  }
0x10: {  	s17 =	simm.s32 $0x1;
	s18 =	simm.s32 $0x0;
	_ =	strace $0x90000066  }
.LBB2_2:
0x11: {  	s20 =	smov.u32 s13;
	s13 =	sadd.s32 $0x1, s13  }
0x12: {  	p0 =	seq.s32 s13, $0xD  }
0x13: {  	s13 =	simm.s32 @p0 $0x0  }
0x14: {  	p6 =	sne.s32 s18, $0xC;
	p1 =	sne.s32 s20, s13  }
0x15: {  	p0 =	por !p6, !p1  }
0x16: {  	p0 =	por !p0, !p0  }
0x17: {  	s21 =	sadd.s32 @p0 s6, s13  }
0x18: {  	s19 =	sand.u32 @p0 $0x1, s17;
	_ =	strace @p0 $0x80000067;
	s21 =	sshll.u32 @p0 s21, $0x7  }
0x19: {  	s23 =	simm.s32 @p0 $0x0;
	s22 =	sshll.u32 @p0 s19, $0xA;
	s21 =	sand.u32 @p0 $0x1FFFFF80, s21  }
0x1a: {  	s19 =	sadd.s32 @p0 $0x1, s19;
	s22 =	sor.u32 @p0 $0x2000, s22;
	s21 =	sadd.s32 @p0 s4, s21  }
0x1b: {  	[tilespmem:s22], [sflag:s19] =	stream.linear.gather @p0 [hbm4b:s21+s23], $0x400, $0x200038;
	[tilespmem:$0x6800] =	vst v63  }
0x1c: {  	s29 =	sand.u32 $0x1, s16;
	_ =	strace @p0 $0x90000067  }
0x1d: {  	s30 =	simm.s32 $0x0;
	s19 =	sadd.s32 $0x1, s29;
	_ =	strace $0x80000068  }
0x1e: {  	v4 =	vor.u32 s30, v0;
	_ =	swait.ge [sflag:s19], $0x400  }
0x1f: {  	v5 =	vor.u32 s30, v2;
	[sflag:s19] =	ssyncset.done $0x0  }
0x20: {  	s31 =	sshll.u32 s16, $0xA;
	[sflag:s19] =	ssyncadd.s32 $0xFFFFFC00  }
0x21: {  	s19 =	sand.u32 $0x400, s31;
	_ =	strace $0x90000068  }
0x22: {  	s22 =	sor.u32 $0x2000, s19;
	_ =	strace $0x80000069  }
0x23: {  	v6 =	vld.idx.msk [tilespmem:v4+s22+$0x0], $0xffff  }
0x24: {  	v7 =	vld.idx.msk [tilespmem:v5+s22+$0x0], $0xffff;
	_ =	sdelay $0x3  }
0x25: {  	v6 =	vshll.u32 v6, $0x3  }
0x26: {  	v7 =	vshll.u32 v7, $0x3;
	v6 =	vor.u32 v1, v6  }
0x27: {  	v8 =	vmov s30;
	v7 =	vor.u32 v1, v7  }
0x28: {  	v8 =	vshll.u32 v8, $0x3  }
0x29: {  	v8 =	vand.u32 $0x1C00, v8  }
0x2a: {  	v9 =	vor.u32 v3, v8;
	v4 =	vand.u32 $0x7D, v4  }
0x2b: {  	v5 =	vand.u32 $0x7F, v5;
	v8 =	vor.u32 v4, v9;
	v6 =	vld.idx.msk [tilespmem:v6+s1+$0x0], $0xffff  }
0x2c: {  	s23 =	simm.s32 $0x4;
	s19 =	sand.u32 $0x1, s15;
	v9 =	vor.u32 v5, v9;
	v7 =	vld.idx.msk [tilespmem:v7+s1+$0x0], $0xffff  }
0x2d: {  	s24 =	sshll.u32 s19, $0xD;
	v5 =	vor.u32 s23, v0  }
0x2e: {  	s21 =	sadd.s32 s6, s20;
	s20 =	sadd.s32 $0x2800, s24;
	s24 =	simm.s32 $0x8;
	v4 =	vor.u32 s23, v2  }
.LBB2_3:
0x2f: {  	p2 =	sne.s32 s24, $0x3FC  }
0x30: {  	[tilespmem:v8+s20+$0x0] =	vst.idx.msk $0xffff, v6  }
0x31: {  	[tilespmem:v9+s20+$0x0] =	vst.idx.msk $0xffff, v7  }
0x32: {  	v6 =	vld.idx.msk [tilespmem:v5+s22+$0x0], $0xffff  }
0x33: {  	v7 =	vld.idx.msk [tilespmem:v4+s22+$0x0], $0xffff;
	_ =	sdelay $0x4  }
0x34: {  	v6 =	vshll.u32 v6, $0x3  }
0x35: {  	v7 =	vshll.u32 v7, $0x3;
	v6 =	vor.u32 v1, v6  }
0x36: {  	v7 =	vor.u32 v1, v7  }
0x37: {  	v8 =	vmov s23;
	s23 =	smov.u32 s24  }
0x38: {  	v8 =	vshll.u32 v8, $0x3  }
0x39: {  	v8 =	vand.u32 $0x1C00, v8  }
.Ltmp0:
0x3a: {  	v5 =	vand.u32 $0x7D, v5;
	v9 =	vor.u32 v3, v8;
	v6 =	vld.idx.msk [tilespmem:v6+s1+$0x0], $0xffff;
	(pc) =	sbr.rel @p2 .LBB2_3-.Ltmp0, $4  }
0x3b: {  	v4 =	vand.u32 $0x7F, v4;
	v8 =	vor.u32 v5, v9;
	v7 =	vld.idx.msk [tilespmem:v7+s1+$0x0], $0xffff  }
0x3c: {  	v9 =	vor.u32 v4, v9  }
0x3d: {  	v5 =	vor.u32 s24, v0  }
0x3e: {  	v4 =	vor.u32 s23, v2;
	s24 =	sadd.s32 $0x4, s24  }
0x3f: {  	_ =	sdelay $0x3  }
0x40: {  	[tilespmem:v8+s20+$0x0] =	vst.idx.msk $0xffff, v6  }
0x41: {  	[tilespmem:v9+s20+$0x0] =	vst.idx.msk $0xffff, v7  }
0x42: {  	v6 =	vld.idx.msk [tilespmem:v5+s22+$0x0], $0xffff  }
0x43: {  	v7 =	vld.idx.msk [tilespmem:v4+s22+$0x0], $0xffff;
	_ =	sdelay $0x3  }
0x44: {  	v6 =	vshll.u32 v6, $0x3  }
0x45: {  	v7 =	vshll.u32 v7, $0x3;
	v6 =	vor.u32 v1, v6  }
0x46: {  	v63 =	vmov s23;
	v7 =	vor.u32 v1, v7  }
0x47: {  	v8 =	vshll.u32 v63, $0x3  }
0x48: {  	v8 =	vand.u32 $0x1C00, v8  }
0x49: {  	v5 =	vand.u32 $0x7D, v5;
	v8 =	vor.u32 v3, v8  }
0x4a: {  	v4 =	vand.u32 $0x7F, v4;
	v5 =	vor.u32 v5, v8;
	v6 =	vld.idx.msk [tilespmem:v6+s1+$0x0], $0xffff  }
0x4b: {  	v4 =	vor.u32 v4, v8;
	v7 =	vld.idx.msk [tilespmem:v7+s1+$0x0], $0xffff;
	_ =	sdelay $0x2  }
0x4c: {  	p2 =	seq.s32 s18, $0xC  }
0x4d: {  	p1 =	por p2, p1;
	s22 =	simm.s32 $0x1;
	[tilespmem:v5+s20+$0x0] =	vst.idx.msk $0xffff, v6  }
0x4e: {  	s21 =	sshll.u32 @p1 s21, $0xA;
	s19 =	sadd.s32 @p1 $0x3, s19;
	s23 =	simm.s32 @p1 $0x0;
	[tilespmem:v4+s20+$0x0] =	vst.idx.msk $0xffff, v7  }
0x4f: {  	s22 =	simm.s32 @!p0 $0x0;
	s21 =	sand.u32 @p1 $0x1FFFFC00, s21;
	_ =	strace $0x90000069  }
0x50: {  	p0 =	seq.s32 s18, $0x0;
	s21 =	sadd.s32 @p1 s5, s21;
	_ =	strace @p1 $0x8000006A  }
0x51: {  	[hbm4b:s21+s23] =	stream.linear.scatter @p1 [tilespmem:s20], [sflag:s19], $0x2000, $0x200038;
	[tilespmem:$0x6800] =	vst v63  }
0x52: {  	s19 =	simm.s32 $0x1;
	s21 =	simm.s32 $0x1;
	_ =	strace @p1 $0x9000006A  }
0x53: {  	s19 =	simm.s32 @!p1 $0x0;
	p1 =	sne.s32 s18, $0x0;
	s18 =	sadd.s32 $0x1, s18  }
0x54: {  	s20 =	sand.u32 @!p0 $0x1, s14;
	s21 =	simm.s32 @!p1 $0x0;
	p1 =	sne.s32 s18, $0xD  }
.Ltmp1:
0x55: {  	s20 =	sadd.s32 @!p0 $0x3, s20;
	_ =	strace @!p0 $0x8000006B;
	(pc) =	sbr.rel @p1 .LBB2_2-.Ltmp1, $4  }
0x56: {  	_ =	swait.ge @!p0 [sflag:s20], $0x2000  }
0x57: {  	[sflag:s20] =	ssyncset.done @!p0 $0x0  }
0x58: {  	s17 =	sadd.s32 s22, s17;
	s15 =	sadd.s32 s19, s15;
	[sflag:s20] =	ssyncadd.s32 @!p0 $0xFFFFE000  }
0x59: {  	s16 =	sadd.s32 s19, s16;
	s14 =	sadd.s32 s21, s14;
	_ =	strace @!p0 $0x9000006B  }
0x5a: {  	s12 =	sadd.s32 $0x1, s12  }
0x5b: {  	p0 =	sne.s32 s12, s8  }
.Ltmp2:
0x5c: {  	_ =	strace $0x8000006C;
	(pc) =	sbr.rel @p0 .LBB2_1-.Ltmp2, $4  }
0x5d: {  	_ =	swait.ge [sflag:s11], $0x2000  }
0x5e: {  	[sflag:s11] =	ssyncset.done $0x0  }
0x5f: {  	[sflag:s11] =	ssyncadd.s32 $0xFFFFE000  }
0x60: {  	_ =	strace $0x9000006C  }
0x61: {  	_ =	sfence.sel $0x180000  }
0x62: {  	[bflag:$0x0] =	sbarrier.arrive $0xFFFF  }
0x63: {  	p0 =	sne.s32 s2, $0x0;
	_ =	strace $0x90000065  }
0x64: {  	s0 =	sadd.s32 @!p0 $0x100000, s0;
	[bflag:$0x2] =	sbarrier.arrive $0xFFFF  }
0x65: {  	[sflag:s0] =	ssyncadd.tile.s32 @!p0 $0x1;
	_ =	shalt  }
.Lfunc_end2:
_tile_overlayer_lowered:
.L_overlay_start_2:
0x66: {  	(tag) =	ssettag $0x2  }
0x67: {  	s0 =	rddreg [dreg:$0x0];
	s2 =	stileid.u32  }
0x68: {  	s1 =	rddreg [dreg:$0x1];
	p0 =	sne.s32 s2, $0x0  }
0x69: {  	s3 =	rddreg [dreg:$0x2];
	[bflag:$0x3] =	sbarrier.arrive $0xFFFF;
	s2 =	simm.s32 @!p0 $0x1C01  }
0x6a: {  	[timem:s3], [sflag:s2] =	dma.local @!p0 [hbm:s0], s1  }
0x6b: {  	s0 =	simm.s32 @!p0 $0x1  }
0x6c: {  	_ =	swait.ge @!p0 [sflag:s0], s1  }
0x6d: {  	s1 =	ssub.s32 @!p0 $0x0, s1;
	[sflag:s0] =	ssyncset.done @!p0 $0x0  }
0x6e: {  	[sflag:s0] =	ssyncadd.s32 @!p0 s1  }
0x6f: {  	[bflag:$0x3] =	sbarrier.arrive $0xFFFF  }
0x70: {  	_ =	shalt  }

</sc_bundles>
